<compile_context>
chip_gen: v7x
topology: tpu7x:2x2x1
jax: 0.10.2.dev20260603
libtpu: 0.0.44.dev20260713+nightly
codegen_flags: <defaults>
</compile_context>

<pallas_src>
import functools

import jax
import jax.numpy as jnp
from jax import lax
from jax.experimental import pallas as pl
from jax.experimental.pallas import tpu as pltpu
from jax.experimental.pallas import tpu_sc as plsc

N = 10000
E = 320000
F = 128
NREC = 22
NG = 64
NACC = 10112
RPT = 632
CH = 128
NROWS = E // CH
NT = 32


def _sigmoid(v):
    return 1.0 / (1.0 + jnp.exp(-v))



def _make_sc_edge(D):
    W = D + 16

    def run(src2d, dst2d, gs2d, gd2d, eW3, xlp, xrp, att):
        src = src2d.reshape(-1)
        dst = dst2d.reshape(-1)
        eW = eW3.reshape(E, D)
        xl = xlp.reshape(-1, D)[:N]
        xr = xrp.reshape(-1, D)[:N]
        m = xl[src] + xr[dst] + eW
        e = jnp.where(m > 0, m, 0.2 * m)
        logit = jnp.sum(e * att[None, :D], axis=1)
        expv = jnp.exp(logit)
        rows = jnp.concatenate(
            [expv[:, None] * xl[src], expv[:, None],
             jnp.zeros((E, 15), jnp.float32)], axis=1)
        acc = jnp.zeros((NACC, W), jnp.float32).at[dst].add(rows)
        return (jnp.stack([acc, jnp.zeros_like(acc)]),)
    return run



def _k_ew(edge_attr, edge_index, WeT1, WeT2p):
    BE = 3200
    G = E // BE

    def body(ea_ref, ei_ref, w1_ref, w2_ref, e1_ref, e2_ref, part_ref,
             s2_ref, d2_ref, gs1_ref, gd1_ref, gs2_ref, gd2_ref):
        ei = ei_ref[...]
        s2_ref[...] = ei[0].reshape(1, BE // CH, CH)
        d2_ref[...] = ei[1].reshape(1, BE // CH, CH)
        gs1_ref[...] = (ei[0] >> 2).reshape(1, BE // CH, CH)
        gd1_ref[...] = (ei[1] >> 2).reshape(1, BE // CH, CH)
        gs2_ref[...] = (ei[0] >> 3).reshape(1, BE // CH, CH)
        gd2_ref[...] = (ei[1] >> 3).reshape(1, BE // CH, CH)
        ea = ea_ref[...]
        e1 = jax.lax.dot_general(
            ea, w1_ref[...], (((1,), (0,)), ((), ())),
            preferred_element_type=jnp.float32)
        e2 = jax.lax.dot_general(
            ea, w2_ref[...], (((1,), (0,)), ((), ())),
            preferred_element_type=jnp.float32)
        e1_ref[...] = e1
        e2_ref[...] = e2
        part_ref[...] = jnp.sum(ea, axis=0, keepdims=True)[None]

    return pl.pallas_call(
        body,
        grid=(G,),
        in_specs=[pl.BlockSpec((BE, 16), lambda i: (i, 0)),
                  pl.BlockSpec((2, BE), lambda i: (0, i)),
                  pl.BlockSpec((16, 32), lambda i: (0, 0)),
                  pl.BlockSpec((16, 16), lambda i: (0, 0))],
        out_specs=[pl.BlockSpec((BE, 32), lambda i: (i, 0)),
                   pl.BlockSpec((BE, 16), lambda i: (i, 0)),
                   pl.BlockSpec((1, 1, 16), lambda i: (i, 0, 0)),
                   pl.BlockSpec((1, BE // CH, CH), lambda i: (i, 0, 0)),
                   pl.BlockSpec((1, BE // CH, CH), lambda i: (i, 0, 0)),
                   pl.BlockSpec((1, BE // CH, CH), lambda i: (i, 0, 0)),
                   pl.BlockSpec((1, BE // CH, CH), lambda i: (i, 0, 0)),
                   pl.BlockSpec((1, BE // CH, CH), lambda i: (i, 0, 0)),
                   pl.BlockSpec((1, BE // CH, CH), lambda i: (i, 0, 0))],
        out_shape=[jax.ShapeDtypeStruct((E, 32), jnp.float32),
                   jax.ShapeDtypeStruct((E, 16), jnp.float32),
                   jax.ShapeDtypeStruct((G, 1, 16), jnp.float32),
                   jax.ShapeDtypeStruct((G, BE // CH, CH), jnp.int32),
                   jax.ShapeDtypeStruct((G, BE // CH, CH), jnp.int32),
                   jax.ShapeDtypeStruct((G, BE // CH, CH), jnp.int32),
                   jax.ShapeDtypeStruct((G, BE // CH, CH), jnp.int32),
                   jax.ShapeDtypeStruct((G, BE // CH, CH), jnp.int32),
                   jax.ShapeDtypeStruct((G, BE // CH, CH), jnp.int32)],
    )(edge_attr, edge_index, WeT1, WeT2p)


def _k_nodes(x, WlT, WrT, bl, br, ea_part, WeT1, att1):
    BN_ = 2000
    G = N // BN_

    def body(x_ref, wl_ref, wr_ref, bl_ref, br_ref, eap_ref, we_ref, att_ref,
             xl_ref, xr_ref, ev_ref):
        feats = x_ref[:, 0:F]
        xl = jax.lax.dot_general(feats, wl_ref[...], (((1,), (0,)), ((), ())),
                                 preferred_element_type=jnp.float32) + bl_ref[...]
        xr = jax.lax.dot_general(feats, wr_ref[...], (((1,), (0,)), ((), ())),
                                 preferred_element_type=jnp.float32) + br_ref[...]
        ea_mean = jnp.sum(eap_ref[...], axis=0) / E
        meanW = jax.lax.dot_general(ea_mean, we_ref[...],
                                    (((1,), (0,)), ((), ())),
                                    preferred_element_type=jnp.float32)
        m = xl + xr + meanW
        e = jnp.maximum(m, 0.2 * m)
        logit = jnp.sum(e * att_ref[...], axis=1, keepdims=True)
        xl_ref[...] = xl
        xr_ref[...] = xr
        ev_ref[...] = jnp.exp(logit)

    return pl.pallas_call(
        body,
        grid=(G,),
        in_specs=[pl.BlockSpec((BN_, 150), lambda i: (i, 0)),
                  pl.BlockSpec((F, 32), lambda i: (0, 0)),
                  pl.BlockSpec((F, 32), lambda i: (0, 0)),
                  pl.BlockSpec((1, 32), lambda i: (0, 0)),
                  pl.BlockSpec((1, 32), lambda i: (0, 0)),
                  pl.BlockSpec((100, 1, 16), lambda i: (0, 0, 0)),
                  pl.BlockSpec((16, 32), lambda i: (0, 0)),
                  pl.BlockSpec((1, 32), lambda i: (0, 0))],
        out_specs=[pl.BlockSpec((BN_, 32), lambda i: (i, 0)),
                   pl.BlockSpec((BN_, 32), lambda i: (i, 0)),
                   pl.BlockSpec((BN_, 1), lambda i: (i, 0))],
        out_shape=[jax.ShapeDtypeStruct((N, 32), jnp.float32),
                   jax.ShapeDtypeStruct((N, 32), jnp.float32),
                   jax.ShapeDtypeStruct((N, 1), jnp.float32)],
    )(x, WlT, WrT, bl, br, ea_part, WeT1, att1)


def _k_post1a(num1, evs1, xl1, c1_b):
    BN_ = 2000
    G = N // BN_

    def body(num_ref, ev_ref, xl_ref, b_ref, h_ref, s_ref, sq_ref):
        ev = ev_ref[...]
        acc = num_ref[0] + num_ref[1]
        num = acc[:, 0:32] + ev * xl_ref[...]
        den = acc[:, 32:33] + ev + 1e-16
        h = jnp.maximum(num / den + b_ref[...], 0.0)
        h_ref[...] = h
        s_ref[...] = jnp.sum(h, axis=0, keepdims=True)[None]
        sq_ref[...] = jnp.sum(h * h, axis=0, keepdims=True)[None]

    return pl.pallas_call(
        body,
        grid=(G,),
        in_specs=[pl.BlockSpec((2, BN_, 48), lambda i: (0, i, 0)),
                  pl.BlockSpec((BN_, 1), lambda i: (i, 0)),
                  pl.BlockSpec((BN_, 32), lambda i: (i, 0)),
                  pl.BlockSpec((1, 32), lambda i: (0, 0))],
        out_specs=[pl.BlockSpec((BN_, 32), lambda i: (i, 0)),
                   pl.BlockSpec((1, 1, 32), lambda i: (i, 0, 0)),
                   pl.BlockSpec((1, 1, 32), lambda i: (i, 0, 0))],
        out_shape=[jax.ShapeDtypeStruct((N, 32), jnp.float32),
                   jax.ShapeDtypeStruct((G, 1, 32), jnp.float32),
                   jax.ShapeDtypeStruct((G, 1, 32), jnp.float32)],
    )(num1, evs1, xl1, c1_b)


def _k_post1b(h1, s1, sq1, bn1_g, bn1_b, W2cat, b2cat, ea_part, WeT2p, att2p):
    BN_ = 2000
    G = N // BN_

    def body(h_ref, s_ref, sq_ref, g_ref, b_ref, w_ref, bc_ref, eap_ref,
             we_ref, att_ref, xl_ref, xr_ref, ev_ref):
        mu = jnp.sum(s_ref[...], axis=0) / N
        var = jnp.sum(sq_ref[...], axis=0) / N - mu * mu
        hb = (h_ref[...] - mu) * jax.lax.rsqrt(var + 1e-5) * g_ref[...] \
            + b_ref[...]
        xx = jax.lax.dot_general(hb, w_ref[...], (((1,), (0,)), ((), ())),
                                 preferred_element_type=jnp.float32) \
            + bc_ref[...]
        xl2 = xx[:, 0:16]
        xr2 = xx[:, 16:32]
        ea_mean = jnp.sum(eap_ref[...], axis=0) / E
        meanW = jax.lax.dot_general(ea_mean, we_ref[...],
                                    (((1,), (0,)), ((), ())),
                                    preferred_element_type=jnp.float32)
        m = xl2 + xr2 + meanW
        e = jnp.maximum(m, 0.2 * m)
        logit = jnp.sum(e * att_ref[...], axis=1, keepdims=True)
        xl_ref[...] = xl2
        xr_ref[...] = xr2
        ev_ref[...] = jnp.exp(logit)

    return pl.pallas_call(
        body,
        grid=(G,),
        in_specs=[pl.BlockSpec((BN_, 32), lambda i: (i, 0)),
                  pl.BlockSpec((G, 1, 32), lambda i: (0, 0, 0)),
                  pl.BlockSpec((G, 1, 32), lambda i: (0, 0, 0)),
                  pl.BlockSpec((1, 32), lambda i: (0, 0)),
                  pl.BlockSpec((1, 32), lambda i: (0, 0)),
                  pl.BlockSpec((32, 32), lambda i: (0, 0)),
                  pl.BlockSpec((1, 32), lambda i: (0, 0)),
                  pl.BlockSpec((100, 1, 16), lambda i: (0, 0, 0)),
                  pl.BlockSpec((16, 16), lambda i: (0, 0)),
                  pl.BlockSpec((1, 16), lambda i: (0, 0))],
        out_specs=[pl.BlockSpec((BN_, 16), lambda i: (i, 0)),
                   pl.BlockSpec((BN_, 16), lambda i: (i, 0)),
                   pl.BlockSpec((BN_, 1), lambda i: (i, 0))],
        out_shape=[jax.ShapeDtypeStruct((N, 16), jnp.float32),
                   jax.ShapeDtypeStruct((N, 16), jnp.float32),
                   jax.ShapeDtypeStruct((N, 1), jnp.float32)],
    )(h1, s1, sq1, bn1_g, bn1_b, W2cat, b2cat, ea_part, WeT2p, att2p)


def _k_fa(num2, evs2, xl2p, c2_b, batch2d, bprev2d, xrec):
    BN_ = 2000
    G = N // BN_

    def body(num_ref, ev_ref, xl_ref, b_ref, bat_ref, bpr_ref,
             rec_ref, sg_ref, sq_ref, p1_ref, p2_ref):
        i = pl.program_id(0)
        ev = ev_ref[...]
        acc = num_ref[0] + num_ref[1]
        num = acc[:, 0:16] + ev * xl_ref[...]
        den = acc[:, 16:17] + ev + 1e-16
        gat = num / den
        g2 = _sigmoid(gat[:, 0:8] + b_ref[...])
        sg_ref[...] = jnp.sum(g2, axis=0, keepdims=True)[None]
        sq_ref[...] = jnp.sum(g2 * g2, axis=0, keepdims=True)[None]

        gids = lax.broadcasted_iota(jnp.int32, (1, NG), 1)
        bat = bat_ref[...]
        oh = (bat == gids).astype(jnp.float32)
        g2a = jnp.concatenate(
            [g2, jnp.ones((BN_, 1), jnp.float32)], axis=1)
        p1 = jax.lax.dot_general(oh, g2a, (((0,), (0,)), ((), ())),
                                 preferred_element_type=jnp.float32)
        rowi = lax.broadcasted_iota(jnp.int32, (BN_, 1), 0)
        is_last = jnp.logical_and(i == G - 1, rowi == BN_ - 1)
        ohf = jnp.logical_or(
            jnp.logical_and(bat >= gids, bpr_ref[...] < gids),
            jnp.logical_and(is_last, bat < gids)).astype(jnp.float32)
        p2 = jax.lax.dot_general(ohf, rec_ref[...], (((0,), (0,)), ((), ())),
                                 preferred_element_type=jnp.float32)

        @pl.when(i == 0)
        def _():
            p1_ref[...] = jnp.zeros_like(p1_ref)
            p2_ref[...] = jnp.zeros_like(p2_ref)
        p1_ref[...] += p1
        p2_ref[...] += p2

    return pl.pallas_call(
        body,
        grid=(G,),
        in_specs=[pl.BlockSpec((2, BN_, 32), lambda i: (0, i, 0)),
                  pl.BlockSpec((BN_, 1), lambda i: (i, 0)),
                  pl.BlockSpec((BN_, 16), lambda i: (i, 0)),
                  pl.BlockSpec((1, 8), lambda i: (0, 0)),
                  pl.BlockSpec((BN_, 1), lambda i: (i, 0)),
                  pl.BlockSpec((BN_, 1), lambda i: (i, 0)),
                  pl.BlockSpec((BN_, NREC), lambda i: (i, 0))],
        out_specs=[pl.BlockSpec((1, 1, 8), lambda i: (i, 0, 0)),
                   pl.BlockSpec((1, 1, 8), lambda i: (i, 0, 0)),
                   pl.BlockSpec((NG, 9), lambda i: (0, 0)),
                   pl.BlockSpec((NG, NREC), lambda i: (0, 0))],
        out_shape=[jax.ShapeDtypeStruct((G, 1, 8), jnp.float32),
                   jax.ShapeDtypeStruct((G, 1, 8), jnp.float32),
                   jax.ShapeDtypeStruct((NG, 9), jnp.float32),
                   jax.ShapeDtypeStruct((NG, NREC), jnp.float32)],
    )(num2, evs2, xl2p, c2_b, batch2d, bprev2d, xrec)


def _k_fb(sg, sq, P1, P2, bn2_g, bn2_b, fc1T, fc1_b, fc2T, fc2_b,
          fc3T, fc3_b, fc4T, fc4_b, outT, out_b):
    def body(sg_ref, sq_ref, p1_ref, p2_ref, g_ref, b_ref,
             w1_ref, b1_ref, w2_ref, b2_ref, w3_ref, b3_ref,
             w4_ref, b4_ref, wo_ref, bo_ref, o_ref):
        mu = jnp.sum(sg_ref[...], axis=0) / N
        var = jnp.sum(sq_ref[...], axis=0) / N - mu * mu
        cnt = p1_ref[:, 8:9]
        pooled = p1_ref[:, 0:8] / jnp.maximum(cnt, 1.0)
        pooled = (pooled - mu) * jax.lax.rsqrt(var + 1e-5) * g_ref[...] \
            + b_ref[...]
        pooled = jnp.where(cnt > 0.0, pooled, 0.0)
        z = jnp.concatenate([pooled, p2_ref[...]], axis=1)

        def dense(v, w_ref, bias_ref, act):
            r = jax.lax.dot_general(v, w_ref[...], (((1,), (0,)), ((), ())),
                                    preferred_element_type=jnp.float32) \
                + bias_ref[...]
            return jnp.maximum(r, 0.0) if act else r
        z = dense(z, w1_ref, b1_ref, True)
        z = dense(z, w2_ref, b2_ref, True)
        z = dense(z, w3_ref, b3_ref, True)
        z = dense(z, w4_ref, b4_ref, True)
        o_ref[...] = dense(z, wo_ref, bo_ref, False)

    args = (sg, sq, P1, P2, bn2_g, bn2_b, fc1T, fc1_b, fc2T, fc2_b,
            fc3T, fc3_b, fc4T, fc4_b, outT, out_b)
    return pl.pallas_call(
        body,
        out_shape=jax.ShapeDtypeStruct((NG, 2), jnp.float32),
    )(*args)



def kernel(x, edge_index, edge_attr, batch, c1_Wl, c1_bl, c1_Wr, c1_br,
           c1_We, c1_att, c1_b, c2_Wl, c2_bl, c2_Wr, c2_br, c2_We, c2_att,
           c2_b, bn1_g, bn1_b, bn2_g, bn2_b, fc1_W, fc1_b, fc2_W, fc2_b,
           fc3_W, fc3_b, fc4_W, fc4_b, out_W, out_b):
    f32 = jnp.float32
    WeT1 = c1_We.T
    WeT2p = jnp.pad(c2_We.T, ((0, 0), (0, 8)))
    (eW1f, eW2pf, ea_part, src3d, dst3d,
     gs1_3, gd1_3, gs2_3, gd2_3) = _k_ew(
        edge_attr, edge_index, WeT1, WeT2p)
    gs1 = gs1_3.reshape(NROWS, CH)
    gd1 = gd1_3.reshape(NROWS, CH)
    gs2 = gs2_3.reshape(NROWS, CH)
    gd2 = gd2_3.reshape(NROWS, CH)
    eW1 = eW1f.reshape(NROWS, 32, 128)
    eW2p = eW2pf.reshape(NROWS, 16, 128)
    src2d = src3d.reshape(NROWS, CH)
    dst2d = dst3d.reshape(NROWS, CH)

    xl1, xr1, evs1 = _k_nodes(
        x, c1_Wl.T, c1_Wr.T, c1_bl.reshape(1, 32), c1_br.reshape(1, 32),
        ea_part, WeT1, c1_att.reshape(1, 32))

    xlp1 = xl1.reshape(2500, 128)
    xrp1 = xr1.reshape(2500, 128)
    (num1,) = _make_sc_edge(32)(
        src2d, dst2d, gs1, gd1, eW1, xlp1, xrp1, c1_att)

    h1, s1, sq1 = _k_post1a(num1, evs1, xl1, c1_b.reshape(1, 32))

    W2cat = jnp.concatenate(
        [jnp.pad(c2_Wl.T, ((0, 0), (0, 8))),
         jnp.pad(c2_Wr.T, ((0, 0), (0, 8)))], axis=1)
    b2cat = jnp.concatenate(
        [jnp.pad(c2_bl, (0, 8)), jnp.pad(c2_br, (0, 8))]).reshape(1, 32)
    att2p = jnp.pad(c2_att, (0, 8))
    xl2p, xr2p, evs2 = _k_post1b(
        h1, s1, sq1, bn1_g.reshape(1, 32), bn1_b.reshape(1, 32),
        W2cat, b2cat, ea_part, WeT2p, att2p.reshape(1, 16))

    xlp2 = xl2p.reshape(1250, 128)
    xrp2 = xr2p.reshape(1250, 128)
    (num2,) = _make_sc_edge(16)(
        src2d, dst2d, gs2, gd2, eW2p, xlp2, xrp2, att2p)

    batch2d = batch.reshape(N, 1)
    bprev2d = jnp.concatenate(
        [jnp.full((1,), -1, batch.dtype), batch[:-1]]).reshape(N, 1)
    xrec = x[:, F:]
    sg, sq2, P1, P2 = _k_fa(
        num2, evs2, xl2p, c2_b.reshape(1, 8),
        batch2d, bprev2d, xrec)

    return _k_fb(
        sg, sq2, P1, P2, bn2_g.reshape(1, 8), bn2_b.reshape(1, 8),
        fc1_W.T, fc1_b.reshape(1, 32), fc2_W.T, fc2_b.reshape(1, 16),
        fc3_W.T, fc3_b.reshape(1, 8), fc4_W.T, fc4_b.reshape(1, 4),
        out_W.T, out_b.reshape(1, 2))

# --- scband reference (transcript-rebuilt; emitter-appended) ---
"""Pipeline reference for scband-bitter-gcn-65644280152401 (READ-ONLY COPY).

The authoritative reference and input builder live on the scoring server;
editing this copy changes nothing except your own understanding.
"""

import jax, jax.numpy as jnp
import numpy as np

N_NODES = 10000
N_EDGES = 320000
F_IN = 128
D_EDGE = 16
NUM_REC = 22
N_GRAPHS = 64

def setup_inputs(seed: int = 0):
    key = jax.random.key(seed)
    ks = jax.random.split(key, 32)
    x = jax.random.normal(ks[0], (N_NODES, F_IN + NUM_REC), dtype=jnp.float32)
    edge_index = jax.random.randint(ks[1], (2, N_EDGES), 0, N_NODES, dtype=jnp.int32)
    edge_attr = jax.random.normal(ks[2], (N_EDGES, D_EDGE), dtype=jnp.float32)
    batch = jnp.sort(jax.random.randint(ks[3], (N_NODES,), 0, N_GRAPHS, dtype=jnp.int32))
    def w(k, o, i):
        return jax.random.normal(k, (o, i), dtype=jnp.float32) * 0.1
    p = {}
    p['c1_Wl'] = w(ks[4], 32, F_IN); p['c1_bl'] = jnp.zeros((32,), jnp.float32)
    p['c1_Wr'] = w(ks[5], 32, F_IN); p['c1_br'] = jnp.zeros((32,), jnp.float32)
    p['c1_We'] = w(ks[6], 32, D_EDGE)
    p['c1_att'] = jax.random.normal(ks[7], (32,), dtype=jnp.float32) * 0.1
    p['c1_b'] = jnp.zeros((32,), jnp.float32)
    p['c2_Wl'] = w(ks[8], 8, 32); p['c2_bl'] = jnp.zeros((8,), jnp.float32)
    p['c2_Wr'] = w(ks[9], 8, 32); p['c2_br'] = jnp.zeros((8,), jnp.float32)
    p['c2_We'] = w(ks[10], 8, D_EDGE)
    p['c2_att'] = jax.random.normal(ks[11], (8,), dtype=jnp.float32) * 0.1
    p['c2_b'] = jnp.zeros((8,), jnp.float32)
    p['bn1_g'] = jnp.ones((32,), jnp.float32); p['bn1_b'] = jnp.zeros((32,), jnp.float32)
    p['bn2_g'] = jnp.ones((8,), jnp.float32); p['bn2_b'] = jnp.zeros((8,), jnp.float32)
    p['fc1_W'] = w(ks[12], 32, 8 + NUM_REC); p['fc1_b'] = jnp.zeros((32,), jnp.float32)
    p['fc2_W'] = w(ks[13], 16, 32); p['fc2_b'] = jnp.zeros((16,), jnp.float32)
    p['fc3_W'] = w(ks[14], 8, 16); p['fc3_b'] = jnp.zeros((8,), jnp.float32)
    p['fc4_W'] = w(ks[15], 4, 8); p['fc4_b'] = jnp.zeros((4,), jnp.float32)
    p['out_W'] = w(ks[16], 2, 4); p['out_b'] = jnp.zeros((2,), jnp.float32)
    inp = {'x': x, 'edge_index': edge_index, 'edge_attr': edge_attr, 'batch': batch}
    inp.update(p)
    return inp

def _gatv2(h, src, dst, ea, Wl, bl, Wr, br, We, att, b, n):
    # GATv2Conv, heads=1, edge_dim set, add_self_loops=True (fill_value='mean'), eval mode (no dropout)
    loop = jnp.arange(n, dtype=src.dtype)
    src2 = jnp.concatenate([src, loop])
    dst2 = jnp.concatenate([dst, loop])
    ea2 = jnp.concatenate([ea, jnp.broadcast_to(jnp.mean(ea, axis=0), (n, ea.shape[1]))], axis=0)
    xl = h @ Wl.T + bl
    xr = h @ Wr.T + br
    m = xl[src2] + xr[dst2] + ea2 @ We.T
    e = jnp.where(m > 0, m, 0.2 * m)
    logit = jnp.sum(e * att, axis=-1)
    amax = jax.lax.stop_gradient(jax.ops.segment_max(logit, dst2, num_segments=n))
    expv = jnp.exp(logit - amax[dst2])
    den = jax.ops.segment_sum(expv, dst2, num_segments=n)
    alpha = expv / (den[dst2] + 1e-16)
    out = jax.ops.segment_sum(alpha[:, None] * xl[src2], dst2, num_segments=n)
    return out + b

def _bn(h, g, b):
    mu = jnp.mean(h, axis=0)
    var = jnp.var(h, axis=0)
    return (h - mu) / jnp.sqrt(var + 1e-5) * g + b

def _forward(x, edge_attr, edge_index, batch, p):
    n = x.shape[0]
    feats = x[:, :-NUM_REC]
    first = jnp.searchsorted(batch, jnp.arange(N_GRAPHS, dtype=batch.dtype))
    rec = x[first, -NUM_REC:]
    src = edge_index[0]
    dst = edge_index[1]
    h = jax.nn.relu(_gatv2(feats, src, dst, edge_attr, p['c1_Wl'], p['c1_bl'], p['c1_Wr'], p['c1_br'], p['c1_We'], p['c1_att'], p['c1_b'], n))
    h = _bn(h, p['bn1_g'], p['bn1_b'])
    h = _gatv2(h, src, dst, edge_attr, p['c2_Wl'], p['c2_bl'], p['c2_Wr'], p['c2_br'], p['c2_We'], p['c2_att'], p['c2_b'], n)
    h = jax.nn.sigmoid(h)
    h = _bn(h, p['bn2_g'], p['bn2_b'])
    cnt = jax.ops.segment_sum(jnp.ones((n,), jnp.float32), batch, num_segments=N_GRAPHS)
    pooled = jax.ops.segment_sum(h, batch, num_segments=N_GRAPHS) / jnp.maximum(cnt, 1.0)[:, None]
    z = jnp.concatenate([pooled, rec], axis=1)
    z = jax.nn.relu(z @ p['fc1_W'].T + p['fc1_b'])
    z = jax.nn.relu(z @ p['fc2_W'].T + p['fc2_b'])
    z = jax.nn.relu(z @ p['fc3_W'].T + p['fc3_b'])
    z = jax.nn.relu(z @ p['fc4_W'].T + p['fc4_b'])
    z = z @ p['out_W'].T + p['out_b']
    return jnp.squeeze(z)

def reference(x, edge_index, edge_attr, batch,
              c1_Wl, c1_bl, c1_Wr, c1_br, c1_We, c1_att, c1_b,
              c2_Wl, c2_bl, c2_Wr, c2_br, c2_We, c2_att, c2_b,
              bn1_g, bn1_b, bn2_g, bn2_b,
              fc1_W, fc1_b, fc2_W, fc2_b, fc3_W, fc3_b, fc4_W, fc4_b,
              out_W, out_b):
    p = {
        'c1_Wl': c1_Wl, 'c1_bl': c1_bl, 'c1_Wr': c1_Wr, 'c1_br': c1_br,
        'c1_We': c1_We, 'c1_att': c1_att, 'c1_b': c1_b,
        'c2_Wl': c2_Wl, 'c2_bl': c2_bl, 'c2_Wr': c2_Wr, 'c2_br': c2_br,
        'c2_We': c2_We, 'c2_att': c2_att, 'c2_b': c2_b,
        'bn1_g': bn1_g, 'bn1_b': bn1_b, 'bn2_g': bn2_g, 'bn2_b': bn2_b,
        'fc1_W': fc1_W, 'fc1_b': fc1_b, 'fc2_W': fc2_W, 'fc2_b': fc2_b,
        'fc3_W': fc3_W, 'fc3_b': fc3_b, 'fc4_W': fc4_W, 'fc4_b': fc4_b,
        'out_W': out_W, 'out_b': out_b,
    }
    return _forward(x, edge_attr, edge_index, batch, p)

if __name__ == "__main__":
    import jax
    _d = setup_inputs()
    print(jax.jit(kernel)(*tuple(_d.values())))

</pallas_src>

<mosaic_0001>
module attributes {stable_mosaic.version = 14 : i64} {
  func.func @body(%arg0: i32, %arg1: memref<3200x16xf32, #tpu.memory_space<vmem>>, %arg2: memref<2x3200xi32, #tpu.memory_space<vmem>>, %arg3: memref<16x32xf32, #tpu.memory_space<vmem>>, %arg4: memref<16x16xf32, #tpu.memory_space<vmem>>, %arg5: memref<3200x32xf32, #tpu.memory_space<vmem>>, %arg6: memref<3200x16xf32, #tpu.memory_space<vmem>>, %arg7: memref<1x1x16xf32, #tpu.memory_space<vmem>>, %arg8: memref<1x25x128xi32, #tpu.memory_space<vmem>>, %arg9: memref<1x25x128xi32, #tpu.memory_space<vmem>>, %arg10: memref<1x25x128xi32, #tpu.memory_space<vmem>>, %arg11: memref<1x25x128xi32, #tpu.memory_space<vmem>>, %arg12: memref<1x25x128xi32, #tpu.memory_space<vmem>>, %arg13: memref<1x25x128xi32, #tpu.memory_space<vmem>>) attributes {dimension_semantics = [#tpu.dimension_semantics<arbitrary>], iteration_bounds = array<i64: 100>, scalar_prefetch = 0 : i64, scratch_operands = 0 : i64, tpu.core_type = #tpu.core_type<tc>, window_params = [{transform_indices = @transform_0, window_bounds = array<i64: 3200, 16>}, {transform_indices = @transform_1, window_bounds = array<i64: 2, 3200>}, {pipeline_mode = #tpu.pipeline_mode<synchronous>, transform_indices = @transform_2, window_bounds = array<i64: 16, 32>}, {pipeline_mode = #tpu.pipeline_mode<synchronous>, transform_indices = @transform_3, window_bounds = array<i64: 16, 16>}, {transform_indices = @transform_4, window_bounds = array<i64: 3200, 32>}, {transform_indices = @transform_5, window_bounds = array<i64: 3200, 16>}, {transform_indices = @transform_6, window_bounds = array<i64: 1, 1, 16>}, {transform_indices = @transform_7, window_bounds = array<i64: 1, 25, 128>}, {transform_indices = @transform_8, window_bounds = array<i64: 1, 25, 128>}, {transform_indices = @transform_9, window_bounds = array<i64: 1, 25, 128>}, {transform_indices = @transform_10, window_bounds = array<i64: 1, 25, 128>}, {transform_indices = @transform_11, window_bounds = array<i64: 1, 25, 128>}, {transform_indices = @transform_12, window_bounds = array<i64: 1, 25, 128>}]} {
    %get3A = arith.constant 0 : index
    %get3A_0 = arith.constant 0 : index
    %get3A_1 = vector.load %arg2[%get3A, %get3A_0] : memref<2x3200xi32, #tpu.memory_space<vmem>>, vector<2x3200xi32>
    %slice3A = vector.extract_strided_slice %get3A_1 {offsets = [0, 0], sizes = [1, 3200], strides = [1, 1]} : vector<2x3200xi32> to vector<1x3200xi32>
    %squeeze3A = vector.shape_cast %slice3A : vector<1x3200xi32> to vector<3200xi32>
    %reshape3A = vector.shape_cast %squeeze3A : vector<3200xi32> to vector<1x25x128xi32>
    %swap3A = arith.constant 0 : index
    %swap3A_2 = arith.constant 0 : index
    %swap3A_3 = arith.constant 0 : index
    %swap3A_4 = vector.load %arg8[%swap3A, %swap3A_2, %swap3A_3] : memref<1x25x128xi32, #tpu.memory_space<vmem>>, vector<1x25x128xi32>
    tpu.vector_store %arg8[%swap3A, %swap3A_2, %swap3A_3], %reshape3A {strides = array<i32>} : memref<1x25x128xi32, #tpu.memory_space<vmem>>, vector<1x25x128xi32>,
    %slice3A_5 = vector.extract_strided_slice %get3A_1 {offsets = [1, 0], sizes = [1, 3200], strides = [1, 1]} : vector<2x3200xi32> to vector<1x3200xi32>
    %squeeze3A_6 = vector.shape_cast %slice3A_5 : vector<1x3200xi32> to vector<3200xi32>
    %reshape3A_7 = vector.shape_cast %squeeze3A_6 : vector<3200xi32> to vector<1x25x128xi32>
    %swap3A_8 = arith.constant 0 : index
    %swap3A_9 = arith.constant 0 : index
    %swap3A_10 = arith.constant 0 : index
    %swap3A_11 = vector.load %arg9[%swap3A_8, %swap3A_9, %swap3A_10] : memref<1x25x128xi32, #tpu.memory_space<vmem>>, vector<1x25x128xi32>
    tpu.vector_store %arg9[%swap3A_8, %swap3A_9, %swap3A_10], %reshape3A_7 {strides = array<i32>} : memref<1x25x128xi32, #tpu.memory_space<vmem>>, vector<1x25x128xi32>,
    %slice3A_12 = vector.extract_strided_slice %get3A_1 {offsets = [0, 0], sizes = [1, 3200], strides = [1, 1]} : vector<2x3200xi32> to vector<1x3200xi32>
    %squeeze3A_13 = vector.shape_cast %slice3A_12 : vector<1x3200xi32> to vector<3200xi32>
    %shift_right_arithmetic3A = arith.constant 2 : i32
    %shift_right_arithmetic3A_14 = vector.broadcast %shift_right_arithmetic3A : i32 to vector<3200xi32>
    %shift_right_arithmetic3A_15 = arith.shrsi %squeeze3A_13, %shift_right_arithmetic3A_14 : vector<3200xi32>
    %reshape3A_16 = vector.shape_cast %shift_right_arithmetic3A_15 : vector<3200xi32> to vector<1x25x128xi32>
    %swap3A_17 = arith.constant 0 : index
    %swap3A_18 = arith.constant 0 : index
    %swap3A_19 = arith.constant 0 : index
    %swap3A_20 = vector.load %arg10[%swap3A_17, %swap3A_18, %swap3A_19] : memref<1x25x128xi32, #tpu.memory_space<vmem>>, vector<1x25x128xi32>
    tpu.vector_store %arg10[%swap3A_17, %swap3A_18, %swap3A_19], %reshape3A_16 {strides = array<i32>} : memref<1x25x128xi32, #tpu.memory_space<vmem>>, vector<1x25x128xi32>,
    %slice3A_21 = vector.extract_strided_slice %get3A_1 {offsets = [1, 0], sizes = [1, 3200], strides = [1, 1]} : vector<2x3200xi32> to vector<1x3200xi32>
    %squeeze3A_22 = vector.shape_cast %slice3A_21 : vector<1x3200xi32> to vector<3200xi32>
    %shift_right_arithmetic3A_23 = arith.constant 2 : i32
    %shift_right_arithmetic3A_24 = vector.broadcast %shift_right_arithmetic3A_23 : i32 to vector<3200xi32>
    %shift_right_arithmetic3A_25 = arith.shrsi %squeeze3A_22, %shift_right_arithmetic3A_24 : vector<3200xi32>
    %reshape3A_26 = vector.shape_cast %shift_right_arithmetic3A_25 : vector<3200xi32> to vector<1x25x128xi32>
    %swap3A_27 = arith.constant 0 : index
    %swap3A_28 = arith.constant 0 : index
    %swap3A_29 = arith.constant 0 : index
    %swap3A_30 = vector.load %arg11[%swap3A_27, %swap3A_28, %swap3A_29] : memref<1x25x128xi32, #tpu.memory_space<vmem>>, vector<1x25x128xi32>
    tpu.vector_store %arg11[%swap3A_27, %swap3A_28, %swap3A_29], %reshape3A_26 {strides = array<i32>} : memref<1x25x128xi32, #tpu.memory_space<vmem>>, vector<1x25x128xi32>,
    %slice3A_31 = vector.extract_strided_slice %get3A_1 {offsets = [0, 0], sizes = [1, 3200], strides = [1, 1]} : vector<2x3200xi32> to vector<1x3200xi32>
    %squeeze3A_32 = vector.shape_cast %slice3A_31 : vector<1x3200xi32> to vector<3200xi32>
    %shift_right_arithmetic3A_33 = arith.constant 3 : i32
    %shift_right_arithmetic3A_34 = vector.broadcast %shift_right_arithmetic3A_33 : i32 to vector<3200xi32>
    %shift_right_arithmetic3A_35 = arith.shrsi %squeeze3A_32, %shift_right_arithmetic3A_34 : vector<3200xi32>
    %reshape3A_36 = vector.shape_cast %shift_right_arithmetic3A_35 : vector<3200xi32> to vector<1x25x128xi32>
    %swap3A_37 = arith.constant 0 : index
    %swap3A_38 = arith.constant 0 : index
    %swap3A_39 = arith.constant 0 : index
    %swap3A_40 = vector.load %arg12[%swap3A_37, %swap3A_38, %swap3A_39] : memref<1x25x128xi32, #tpu.memory_space<vmem>>, vector<1x25x128xi32>
    tpu.vector_store %arg12[%swap3A_37, %swap3A_38, %swap3A_39], %reshape3A_36 {strides = array<i32>} : memref<1x25x128xi32, #tpu.memory_space<vmem>>, vector<1x25x128xi32>,
    %slice3A_41 = vector.extract_strided_slice %get3A_1 {offsets = [1, 0], sizes = [1, 3200], strides = [1, 1]} : vector<2x3200xi32> to vector<1x3200xi32>
    %squeeze3A_42 = vector.shape_cast %slice3A_41 : vector<1x3200xi32> to vector<3200xi32>
    %shift_right_arithmetic3A_43 = arith.constant 3 : i32
    %shift_right_arithmetic3A_44 = vector.broadcast %shift_right_arithmetic3A_43 : i32 to vector<3200xi32>
    %shift_right_arithmetic3A_45 = arith.shrsi %squeeze3A_42, %shift_right_arithmetic3A_44 : vector<3200xi32>
    %reshape3A_46 = vector.shape_cast %shift_right_arithmetic3A_45 : vector<3200xi32> to vector<1x25x128xi32>
    %swap3A_47 = arith.constant 0 : index
    %swap3A_48 = arith.constant 0 : index
    %swap3A_49 = arith.constant 0 : index
    %swap3A_50 = vector.load %arg13[%swap3A_47, %swap3A_48, %swap3A_49] : memref<1x25x128xi32, #tpu.memory_space<vmem>>, vector<1x25x128xi32>
    tpu.vector_store %arg13[%swap3A_47, %swap3A_48, %swap3A_49], %reshape3A_46 {strides = array<i32>} : memref<1x25x128xi32, #tpu.memory_space<vmem>>, vector<1x25x128xi32>,
    %get3A_51 = arith.constant 0 : index
    %get3A_52 = arith.constant 0 : index
    %get3A_53 = vector.load %arg1[%get3A_51, %get3A_52] : memref<3200x16xf32, #tpu.memory_space<vmem>>, vector<3200x16xf32>
    %get3A_54 = arith.constant 0 : index
    %get3A_55 = arith.constant 0 : index
    %get3A_56 = vector.load %arg3[%get3A_54, %get3A_55] : memref<16x32xf32, #tpu.memory_space<vmem>>, vector<16x32xf32>
    %dot_general3A = arith.constant dense<0.000000e+00> : vector<3200x32xf32>
    %dot_general3A_57 = tpu.matmul %get3A_53, %get3A_56, %dot_general3A {dimension_numbers = #tpu.dot_dimension_numbers<[1], [0], [0], [1], [0, 0, 1, 1], [], []>, transpose_lhs_hint = false} : vector<3200x16xf32>, vector<16x32xf32>, vector<3200x32xf32> -> vector<3200x32xf32>
    %get3A_58 = arith.constant 0 : index
    %get3A_59 = arith.constant 0 : index
    %get3A_60 = vector.load %arg4[%get3A_58, %get3A_59] : memref<16x16xf32, #tpu.memory_space<vmem>>, vector<16x16xf32>
    %dot_general3A_61 = arith.constant dense<0.000000e+00> : vector<3200x16xf32>
    %dot_general3A_62 = tpu.matmul %get3A_53, %get3A_60, %dot_general3A_61 {dimension_numbers = #tpu.dot_dimension_numbers<[1], [0], [0], [1], [0, 0, 1, 1], [], []>, transpose_lhs_hint = false} : vector<3200x16xf32>, vector<16x16xf32>, vector<3200x16xf32> -> vector<3200x16xf32>
    %swap3A_63 = arith.constant 0 : index
    %swap3A_64 = arith.constant 0 : index
    %swap3A_65 = vector.load %arg5[%swap3A_63, %swap3A_64] : memref<3200x32xf32, #tpu.memory_space<vmem>>, vector<3200x32xf32>
    tpu.vector_store %arg5[%swap3A_63, %swap3A_64], %dot_general3A_57 {strides = array<i32>} : memref<3200x32xf32, #tpu.memory_space<vmem>>, vector<3200x32xf32>,
    %swap3A_66 = arith.constant 0 : index
    %swap3A_67 = arith.constant 0 : index
    %swap3A_68 = vector.load %arg6[%swap3A_66, %swap3A_67] : memref<3200x16xf32, #tpu.memory_space<vmem>>, vector<3200x16xf32>
    tpu.vector_store %arg6[%swap3A_66, %swap3A_67], %dot_general3A_62 {strides = array<i32>} : memref<3200x16xf32, #tpu.memory_space<vmem>>, vector<3200x16xf32>,
    %reduce_sum3A = arith.constant dense<0.000000e+00> : vector<16xf32>
    %reduce_sum3A_69 = vector.multi_reduction <add>, %get3A_53, %reduce_sum3A [0] : vector<3200x16xf32> to vector<16xf32>
    %broadcast_in_dim3A = vector.shape_cast %reduce_sum3A_69 : vector<16xf32> to vector<1x16xf32>
    %broadcast_in_dim3A_70 = vector.shape_cast %broadcast_in_dim3A : vector<1x16xf32> to vector<1x1x16xf32>
    %swap3A_71 = arith.constant 0 : index
    %swap3A_72 = arith.constant 0 : index
    %swap3A_73 = arith.constant 0 : index
    %swap3A_74 = vector.load %arg7[%swap3A_71, %swap3A_72, %swap3A_73] : memref<1x1x16xf32, #tpu.memory_space<vmem>>, vector<1x1x16xf32>
    tpu.vector_store %arg7[%swap3A_71, %swap3A_72, %swap3A_73], %broadcast_in_dim3A_70 {strides = array<i32>} : memref<1x1x16xf32, #tpu.memory_space<vmem>>, vector<1x1x16xf32>,
    return
  }
  func.func @transform_0(%arg0: i32) -> (i32, i32) {
    %c0_i32 = arith.constant 0 : i32
    %c0_i32_0 = arith.constant 0 : i32
    return %arg0, %c0_i32 : i32, i32
  }
  func.func @transform_1(%arg0: i32) -> (i32, i32) {
    %c0_i32 = arith.constant 0 : i32
    %c0_i32_0 = arith.constant 0 : i32
    return %c0_i32, %arg0 : i32, i32
  }
  func.func @transform_2(%arg0: i32) -> (i32, i32) {
    %c0_i32 = arith.constant 0 : i32
    %c0_i32_0 = arith.constant 0 : i32
    %c0_i32_1 = arith.constant 0 : i32
    return %c0_i32, %c0_i32_0 : i32, i32
  }
  func.func @transform_3(%arg0: i32) -> (i32, i32) {
    %c0_i32 = arith.constant 0 : i32
    %c0_i32_0 = arith.constant 0 : i32
    %c0_i32_1 = arith.constant 0 : i32
    return %c0_i32, %c0_i32_0 : i32, i32
  }
  func.func @transform_4(%arg0: i32) -> (i32, i32) {
    %c0_i32 = arith.constant 0 : i32
    %c0_i32_0 = arith.constant 0 : i32
    return %arg0, %c0_i32 : i32, i32
  }
  func.func @transform_5(%arg0: i32) -> (i32, i32) {
    %c0_i32 = arith.constant 0 : i32
    %c0_i32_0 = arith.constant 0 : i32
    return %arg0, %c0_i32 : i32, i32
  }
  func.func @transform_6(%arg0: i32) -> (i32, i32, i32) {
    %c0_i32 = arith.constant 0 : i32
    %c0_i32_0 = arith.constant 0 : i32
    %c0_i32_1 = arith.constant 0 : i32
    return %arg0, %c0_i32, %c0_i32_0 : i32, i32, i32
  }
  func.func @transform_7(%arg0: i32) -> (i32, i32, i32) {
    %c0_i32 = arith.constant 0 : i32
    %c0_i32_0 = arith.constant 0 : i32
    %c0_i32_1 = arith.constant 0 : i32
    return %arg0, %c0_i32, %c0_i32_0 : i32, i32, i32
  }
  func.func @transform_8(%arg0: i32) -> (i32, i32, i32) {
    %c0_i32 = arith.constant 0 : i32
    %c0_i32_0 = arith.constant 0 : i32
    %c0_i32_1 = arith.constant 0 : i32
    return %arg0, %c0_i32, %c0_i32_0 : i32, i32, i32
  }
  func.func @transform_9(%arg0: i32) -> (i32, i32, i32) {
    %c0_i32 = arith.constant 0 : i32
    %c0_i32_0 = arith.constant 0 : i32
    %c0_i32_1 = arith.constant 0 : i32
    return %arg0, %c0_i32, %c0_i32_0 : i32, i32, i32
  }
  func.func @transform_10(%arg0: i32) -> (i32, i32, i32) {
    %c0_i32 = arith.constant 0 : i32
    %c0_i32_0 = arith.constant 0 : i32
    %c0_i32_1 = arith.constant 0 : i32
    return %arg0, %c0_i32, %c0_i32_0 : i32, i32, i32
  }
  func.func @transform_11(%arg0: i32) -> (i32, i32, i32) {
    %c0_i32 = arith.constant 0 : i32
    %c0_i32_0 = arith.constant 0 : i32
    %c0_i32_1 = arith.constant 0 : i32
    return %arg0, %c0_i32, %c0_i32_0 : i32, i32, i32
  }
  func.func @transform_12(%arg0: i32) -> (i32, i32, i32) {
    %c0_i32 = arith.constant 0 : i32
    %c0_i32_0 = arith.constant 0 : i32
    %c0_i32_1 = arith.constant 0 : i32
    return %arg0, %c0_i32, %c0_i32_0 : i32, i32, i32
  }
}

module attributes {stable_mosaic.version = 14 : i64} {
  func.func @body(%arg0: i32, %arg1: memref<2000x150xf32, #tpu.memory_space<vmem>>, %arg2: memref<128x32xf32, #tpu.memory_space<vmem>>, %arg3: memref<128x32xf32, #tpu.memory_space<vmem>>, %arg4: memref<1x32xf32, #tpu.memory_space<vmem>>, %arg5: memref<1x32xf32, #tpu.memory_space<vmem>>, %arg6: memref<100x1x16xf32, #tpu.memory_space<vmem>>, %arg7: memref<16x32xf32, #tpu.memory_space<vmem>>, %arg8: memref<1x32xf32, #tpu.memory_space<vmem>>, %arg9: memref<2000x32xf32, #tpu.memory_space<vmem>>, %arg10: memref<2000x32xf32, #tpu.memory_space<vmem>>, %arg11: memref<2000x1xf32, #tpu.memory_space<vmem>>) attributes {dimension_semantics = [#tpu.dimension_semantics<arbitrary>], iteration_bounds = array<i64: 5>, scalar_prefetch = 0 : i64, scratch_operands = 0 : i64, tpu.core_type = #tpu.core_type<tc>, window_params = [{transform_indices = @transform_0, window_bounds = array<i64: 2000, 150>}, {pipeline_mode = #tpu.pipeline_mode<synchronous>, transform_indices = @transform_1, window_bounds = array<i64: 128, 32>}, {pipeline_mode = #tpu.pipeline_mode<synchronous>, transform_indices = @transform_2, window_bounds = array<i64: 128, 32>}, {pipeline_mode = #tpu.pipeline_mode<synchronous>, transform_indices = @transform_3, window_bounds = array<i64: 1, 32>}, {pipeline_mode = #tpu.pipeline_mode<synchronous>, transform_indices = @transform_4, window_bounds = array<i64: 1, 32>}, {pipeline_mode = #tpu.pipeline_mode<synchronous>, transform_indices = @transform_5, window_bounds = array<i64: 100, 1, 16>}, {pipeline_mode = #tpu.pipeline_mode<synchronous>, transform_indices = @transform_6, window_bounds = array<i64: 16, 32>}, {pipeline_mode = #tpu.pipeline_mode<synchronous>, transform_indices = @transform_7, window_bounds = array<i64: 1, 32>}, {transform_indices = @transform_8, window_bounds = array<i64: 2000, 32>}, {transform_indices = @transform_9, window_bounds = array<i64: 2000, 32>}, {transform_indices = @transform_10, window_bounds = array<i64: 2000, 1>}]} {
    %get3A = arith.constant 0 : index
    %get3A_0 = arith.constant 0 : index
    %get3A_1 = vector.load %arg1[%get3A, %get3A_0] : memref<2000x150xf32, #tpu.memory_space<vmem>>, vector<2000x128xf32>
    %get3A_2 = arith.constant 0 : index
    %get3A_3 = arith.constant 0 : index
    %get3A_4 = vector.load %arg2[%get3A_2, %get3A_3] : memref<128x32xf32, #tpu.memory_space<vmem>>, vector<128x32xf32>
    %dot_general3A = arith.constant dense<0.000000e+00> : vector<2000x32xf32>
    %dot_general3A_5 = tpu.matmul %get3A_1, %get3A_4, %dot_general3A {dimension_numbers = #tpu.dot_dimension_numbers<[1], [0], [0], [1], [0, 0, 1, 1], [], []>, transpose_lhs_hint = false} : vector<2000x128xf32>, vector<128x32xf32>, vector<2000x32xf32> -> vector<2000x32xf32>
    %get3A_6 = arith.constant 0 : index
    %get3A_7 = arith.constant 0 : index
    %get3A_8 = vector.load %arg4[%get3A_6, %get3A_7] : memref<1x32xf32, #tpu.memory_space<vmem>>, vector<1x32xf32>
    %add3A = vector.broadcast %get3A_8 : vector<1x32xf32> to vector<2000x32xf32>
    %add3A_9 = arith.addf %dot_general3A_5, %add3A : vector<2000x32xf32>
    %get3A_10 = arith.constant 0 : index
    %get3A_11 = arith.constant 0 : index
    %get3A_12 = vector.load %arg3[%get3A_10, %get3A_11] : memref<128x32xf32, #tpu.memory_space<vmem>>, vector<128x32xf32>
    %dot_general3A_13 = arith.constant dense<0.000000e+00> : vector<2000x32xf32>
    %dot_general3A_14 = tpu.matmul %get3A_1, %get3A_12, %dot_general3A_13 {dimension_numbers = #tpu.dot_dimension_numbers<[1], [0], [0], [1], [0, 0, 1, 1], [], []>, transpose_lhs_hint = false} : vector<2000x128xf32>, vector<128x32xf32>, vector<2000x32xf32> -> vector<2000x32xf32>
    %get3A_15 = arith.constant 0 : index
    %get3A_16 = arith.constant 0 : index
    %get3A_17 = vector.load %arg5[%get3A_15, %get3A_16] : memref<1x32xf32, #tpu.memory_space<vmem>>, vector<1x32xf32>
    %add3A_18 = vector.broadcast %get3A_17 : vector<1x32xf32> to vector<2000x32xf32>
    %add3A_19 = arith.addf %dot_general3A_14, %add3A_18 : vector<2000x32xf32>
    %get3A_20 = arith.constant 0 : index
    %get3A_21 = arith.constant 0 : index
    %get3A_22 = arith.constant 0 : index
    %get3A_23 = vector.load %arg6[%get3A_20, %get3A_21, %get3A_22] : memref<100x1x16xf32, #tpu.memory_space<vmem>>, vector<100x1x16xf32>
    %reduce_sum3A = arith.constant dense<0.000000e+00> : vector<1x16xf32>
    %reduce_sum3A_24 = vector.multi_reduction <add>, %get3A_23, %reduce_sum3A [0] : vector<100x1x16xf32> to vector<1x16xf32>
    %div3A = arith.constant 3.200000e+05 : f32
    %div3A_25 = vector.broadcast %div3A : f32 to vector<1x16xf32>
    %div3A_26 = arith.divf %reduce_sum3A_24, %div3A_25 : vector<1x16xf32>
    %get3A_27 = arith.constant 0 : index
    %get3A_28 = arith.constant 0 : index
    %get3A_29 = vector.load %arg7[%get3A_27, %get3A_28] : memref<16x32xf32, #tpu.memory_space<vmem>>, vector<16x32xf32>
    %dot_general3A_30 = arith.constant dense<0.000000e+00> : vector<1x32xf32>
    %dot_general3A_31 = tpu.matmul %div3A_26, %get3A_29, %dot_general3A_30 {dimension_numbers = #tpu.dot_dimension_numbers<[1], [0], [0], [1], [0, 0, 1, 1], [], []>, transpose_lhs_hint = false} : vector<1x16xf32>, vector<16x32xf32>, vector<1x32xf32> -> vector<1x32xf32>
    %add3A_32 = arith.addf %add3A_9, %add3A_19 : vector<2000x32xf32>
    %add3A_33 = vector.broadcast %dot_general3A_31 : vector<1x32xf32> to vector<2000x32xf32>
    %add3A_34 = arith.addf %add3A_32, %add3A_33 : vector<2000x32xf32>
    %mul3A = arith.constant 2.000000e-01 : f32
    %mul3A_35 = vector.broadcast %mul3A : f32 to vector<2000x32xf32>
    %mul3A_36 = arith.mulf %mul3A_35, %add3A_34 : vector<2000x32xf32>
    %max3A = arith.maximumf %add3A_34, %mul3A_36 : vector<2000x32xf32>
    %get3A_37 = arith.constant 0 : index
    %get3A_38 = arith.constant 0 : index
    %get3A_39 = vector.load %arg8[%get3A_37, %get3A_38] : memref<1x32xf32, #tpu.memory_space<vmem>>, vector<1x32xf32>
    %mul3A_40 = vector.broadcast %get3A_39 : vector<1x32xf32> to vector<2000x32xf32>
    %mul3A_41 = arith.mulf %max3A, %mul3A_40 : vector<2000x32xf32>
    %reduce_sum3A_42 = arith.constant dense<0.000000e+00> : vector<2000xf32>
    %reduce_sum3A_43 = vector.multi_reduction <add>, %mul3A_41, %reduce_sum3A_42 [1] : vector<2000x32xf32> to vector<2000xf32>
    %broadcast_in_dim3A = vector.shape_cast %reduce_sum3A_43 : vector<2000xf32> to vector<2000x1xf32>
    %swap3A = arith.constant 0 : index
    %swap3A_44 = arith.constant 0 : index
    %swap3A_45 = vector.load %arg9[%swap3A, %swap3A_44] : memref<2000x32xf32, #tpu.memory_space<vmem>>, vector<2000x32xf32>
    tpu.vector_store %arg9[%swap3A, %swap3A_44], %add3A_9 {strides = array<i32>} : memref<2000x32xf32, #tpu.memory_space<vmem>>, vector<2000x32xf32>,
    %swap3A_46 = arith.constant 0 : index
    %swap3A_47 = arith.constant 0 : index
    %swap3A_48 = vector.load %arg10[%swap3A_46, %swap3A_47] : memref<2000x32xf32, #tpu.memory_space<vmem>>, vector<2000x32xf32>
    tpu.vector_store %arg10[%swap3A_46, %swap3A_47], %add3A_19 {strides = array<i32>} : memref<2000x32xf32, #tpu.memory_space<vmem>>, vector<2000x32xf32>,
    %exp3A = math.exp %broadcast_in_dim3A : vector<2000x1xf32>
    %swap3A_49 = arith.constant 0 : index
    %swap3A_50 = arith.constant 0 : index
    %swap3A_51 = vector.load %arg11[%swap3A_49, %swap3A_50] : memref<2000x1xf32, #tpu.memory_space<vmem>>, vector<2000x1xf32>
    tpu.vector_store %arg11[%swap3A_49, %swap3A_50], %exp3A {strides = array<i32>} : memref<2000x1xf32, #tpu.memory_space<vmem>>, vector<2000x1xf32>,
    return
  }
  func.func @transform_0(%arg0: i32) -> (i32, i32) {
    %c0_i32 = arith.constant 0 : i32
    %c0_i32_0 = arith.constant 0 : i32
    return %arg0, %c0_i32 : i32, i32
  }
  func.func @transform_1(%arg0: i32) -> (i32, i32) {
    %c0_i32 = arith.constant 0 : i32
    %c0_i32_0 = arith.constant 0 : i32
    %c0_i32_1 = arith.constant 0 : i32
    return %c0_i32, %c0_i32_0 : i32, i32
  }
  func.func @transform_2(%arg0: i32) -> (i32, i32) {
    %c0_i32 = arith.constant 0 : i32
    %c0_i32_0 = arith.constant 0 : i32
    %c0_i32_1 = arith.constant 0 : i32
    return %c0_i32, %c0_i32_0 : i32, i32
  }
  func.func @transform_3(%arg0: i32) -> (i32, i32) {
    %c0_i32 = arith.constant 0 : i32
    %c0_i32_0 = arith.constant 0 : i32
    %c0_i32_1 = arith.constant 0 : i32
    return %c0_i32, %c0_i32_0 : i32, i32
  }
  func.func @transform_4(%arg0: i32) -> (i32, i32) {
    %c0_i32 = arith.constant 0 : i32
    %c0_i32_0 = arith.constant 0 : i32
    %c0_i32_1 = arith.constant 0 : i32
    return %c0_i32, %c0_i32_0 : i32, i32
  }
  func.func @transform_5(%arg0: i32) -> (i32, i32, i32) {
    %c0_i32 = arith.constant 0 : i32
    %c0_i32_0 = arith.constant 0 : i32
    %c0_i32_1 = arith.constant 0 : i32
    %c0_i32_2 = arith.constant 0 : i32
    return %c0_i32, %c0_i32_0, %c0_i32_1 : i32, i32, i32
  }
  func.func @transform_6(%arg0: i32) -> (i32, i32) {
    %c0_i32 = arith.constant 0 : i32
    %c0_i32_0 = arith.constant 0 : i32
    %c0_i32_1 = arith.constant 0 : i32
    return %c0_i32, %c0_i32_0 : i32, i32
  }
  func.func @transform_7(%arg0: i32) -> (i32, i32) {
    %c0_i32 = arith.constant 0 : i32
    %c0_i32_0 = arith.constant 0 : i32
    %c0_i32_1 = arith.constant 0 : i32
    return %c0_i32, %c0_i32_0 : i32, i32
  }
  func.func @transform_8(%arg0: i32) -> (i32, i32) {
    %c0_i32 = arith.constant 0 : i32
    %c0_i32_0 = arith.constant 0 : i32
    return %arg0, %c0_i32 : i32, i32
  }
  func.func @transform_9(%arg0: i32) -> (i32, i32) {
    %c0_i32 = arith.constant 0 : i32
    %c0_i32_0 = arith.constant 0 : i32
    return %arg0, %c0_i32 : i32, i32
  }
  func.func @transform_10(%arg0: i32) -> (i32, i32) {
    %c0_i32 = arith.constant 0 : i32
    %c0_i32_0 = arith.constant 0 : i32
    return %arg0, %c0_i32 : i32, i32
  }
}

module attributes {stable_mosaic.version = 14 : i64} {
  func.func @body(%arg0: i32, %arg1: memref<2x2000x48xf32, #tpu.memory_space<vmem>>, %arg2: memref<2000x1xf32, #tpu.memory_space<vmem>>, %arg3: memref<2000x32xf32, #tpu.memory_space<vmem>>, %arg4: memref<1x32xf32, #tpu.memory_space<vmem>>, %arg5: memref<2000x32xf32, #tpu.memory_space<vmem>>, %arg6: memref<1x1x32xf32, #tpu.memory_space<vmem>>, %arg7: memref<1x1x32xf32, #tpu.memory_space<vmem>>) attributes {dimension_semantics = [#tpu.dimension_semantics<arbitrary>], iteration_bounds = array<i64: 5>, scalar_prefetch = 0 : i64, scratch_operands = 0 : i64, tpu.core_type = #tpu.core_type<tc>, window_params = [{transform_indices = @transform_0, window_bounds = array<i64: 2, 2000, 48>}, {transform_indices = @transform_1, window_bounds = array<i64: 2000, 1>}, {transform_indices = @transform_2, window_bounds = array<i64: 2000, 32>}, {pipeline_mode = #tpu.pipeline_mode<synchronous>, transform_indices = @transform_3, window_bounds = array<i64: 1, 32>}, {transform_indices = @transform_4, window_bounds = array<i64: 2000, 32>}, {transform_indices = @transform_5, window_bounds = array<i64: 1, 1, 32>}, {transform_indices = @transform_6, window_bounds = array<i64: 1, 1, 32>}]} {
    %get3A = arith.constant 0 : index
    %get3A_0 = arith.constant 0 : index
    %get3A_1 = vector.load %arg2[%get3A, %get3A_0] : memref<2000x1xf32, #tpu.memory_space<vmem>>, vector<2000x1xf32>
    %get3A_2 = arith.constant 0 : index
    %get3A_3 = arith.constant 0 : index
    %get3A_4 = arith.constant 0 : index
    %get3A_5 = vector.load %arg1[%get3A_2, %get3A_3, %get3A_4] : memref<2x2000x48xf32, #tpu.memory_space<vmem>>, vector<1x2000x48xf32>
    %get3A_6 = vector.shape_cast %get3A_5 : vector<1x2000x48xf32> to vector<2000x48xf32>
    %get3A_7 = arith.constant 1 : index
    %get3A_8 = arith.constant 0 : index
    %get3A_9 = arith.constant 0 : index
    %get3A_10 = vector.load %arg1[%get3A_7, %get3A_8, %get3A_9] : memref<2x2000x48xf32, #tpu.memory_space<vmem>>, vector<1x2000x48xf32>
    %get3A_11 = vector.shape_cast %get3A_10 : vector<1x2000x48xf32> to vector<2000x48xf32>
    %add3A = arith.addf %get3A_6, %get3A_11 : vector<2000x48xf32>
    %slice3A = vector.extract_strided_slice %add3A {offsets = [0, 0], sizes = [2000, 32], strides = [1, 1]} : vector<2000x48xf32> to vector<2000x32xf32>
    %get3A_12 = arith.constant 0 : index
    %get3A_13 = arith.constant 0 : index
    %get3A_14 = vector.load %arg3[%get3A_12, %get3A_13] : memref<2000x32xf32, #tpu.memory_space<vmem>>, vector<2000x32xf32>
    %mul3A = vector.broadcast %get3A_1 : vector<2000x1xf32> to vector<2000x32xf32>
    %mul3A_15 = arith.mulf %mul3A, %get3A_14 : vector<2000x32xf32>
    %add3A_16 = arith.addf %slice3A, %mul3A_15 : vector<2000x32xf32>
    %slice3A_17 = vector.extract_strided_slice %add3A {offsets = [0, 32], sizes = [2000, 1], strides = [1, 1]} : vector<2000x48xf32> to vector<2000x1xf32>
    %add3A_18 = arith.addf %slice3A_17, %get3A_1 : vector<2000x1xf32>
    %add3A_19 = arith.constant 1.000000e-16 : f32
    %add3A_20 = vector.broadcast %add3A_19 : f32 to vector<2000x1xf32>
    %add3A_21 = arith.addf %add3A_18, %add3A_20 : vector<2000x1xf32>
    %div3A = vector.broadcast %add3A_21 : vector<2000x1xf32> to vector<2000x32xf32>
    %div3A_22 = arith.divf %add3A_16, %div3A : vector<2000x32xf32>
    %get3A_23 = arith.constant 0 : index
    %get3A_24 = arith.constant 0 : index
    %get3A_25 = vector.load %arg4[%get3A_23, %get3A_24] : memref<1x32xf32, #tpu.memory_space<vmem>>, vector<1x32xf32>
    %add3A_26 = vector.broadcast %get3A_25 : vector<1x32xf32> to vector<2000x32xf32>
    %add3A_27 = arith.addf %div3A_22, %add3A_26 : vector<2000x32xf32>
    %max3A = arith.constant 0.000000e+00 : f32
    %max3A_28 = vector.broadcast %max3A : f32 to vector<2000x32xf32>
    %max3A_29 = arith.maximumf %add3A_27, %max3A_28 : vector<2000x32xf32>
    %swap3A = arith.constant 0 : index
    %swap3A_30 = arith.constant 0 : index
    %swap3A_31 = vector.load %arg5[%swap3A, %swap3A_30] : memref<2000x32xf32, #tpu.memory_space<vmem>>, vector<2000x32xf32>
    tpu.vector_store %arg5[%swap3A, %swap3A_30], %max3A_29 {strides = array<i32>} : memref<2000x32xf32, #tpu.memory_space<vmem>>, vector<2000x32xf32>,
    %reduce_sum3A = arith.constant dense<0.000000e+00> : vector<32xf32>
    %reduce_sum3A_32 = vector.multi_reduction <add>, %max3A_29, %reduce_sum3A [0] : vector<2000x32xf32> to vector<32xf32>
    %broadcast_in_dim3A = vector.shape_cast %reduce_sum3A_32 : vector<32xf32> to vector<1x32xf32>
    %broadcast_in_dim3A_33 = vector.shape_cast %broadcast_in_dim3A : vector<1x32xf32> to vector<1x1x32xf32>
    %swap3A_34 = arith.constant 0 : index
    %swap3A_35 = arith.constant 0 : index
    %swap3A_36 = arith.constant 0 : index
    %swap3A_37 = vector.load %arg6[%swap3A_34, %swap3A_35, %swap3A_36] : memref<1x1x32xf32, #tpu.memory_space<vmem>>, vector<1x1x32xf32>
    tpu.vector_store %arg6[%swap3A_34, %swap3A_35, %swap3A_36], %broadcast_in_dim3A_33 {strides = array<i32>} : memref<1x1x32xf32, #tpu.memory_space<vmem>>, vector<1x1x32xf32>,
    %mul3A_38 = arith.mulf %max3A_29, %max3A_29 : vector<2000x32xf32>
    %reduce_sum3A_39 = arith.constant dense<0.000000e+00> : vector<32xf32>
    %reduce_sum3A_40 = vector.multi_reduction <add>, %mul3A_38, %reduce_sum3A_39 [0] : vector<2000x32xf32> to vector<32xf32>
    %broadcast_in_dim3A_41 = vector.shape_cast %reduce_sum3A_40 : vector<32xf32> to vector<1x32xf32>
    %broadcast_in_dim3A_42 = vector.shape_cast %broadcast_in_dim3A_41 : vector<1x32xf32> to vector<1x1x32xf32>
    %swap3A_43 = arith.constant 0 : index
    %swap3A_44 = arith.constant 0 : index
    %swap3A_45 = arith.constant 0 : index
    %swap3A_46 = vector.load %arg7[%swap3A_43, %swap3A_44, %swap3A_45] : memref<1x1x32xf32, #tpu.memory_space<vmem>>, vector<1x1x32xf32>
    tpu.vector_store %arg7[%swap3A_43, %swap3A_44, %swap3A_45], %broadcast_in_dim3A_42 {strides = array<i32>} : memref<1x1x32xf32, #tpu.memory_space<vmem>>, vector<1x1x32xf32>,
    return
  }
  func.func @transform_0(%arg0: i32) -> (i32, i32, i32) {
    %c0_i32 = arith.constant 0 : i32
    %c0_i32_0 = arith.constant 0 : i32
    %c0_i32_1 = arith.constant 0 : i32
    return %c0_i32, %arg0, %c0_i32_0 : i32, i32, i32
  }
  func.func @transform_1(%arg0: i32) -> (i32, i32) {
    %c0_i32 = arith.constant 0 : i32
    %c0_i32_0 = arith.constant 0 : i32
    return %arg0, %c0_i32 : i32, i32
  }
  func.func @transform_2(%arg0: i32) -> (i32, i32) {
    %c0_i32 = arith.constant 0 : i32
    %c0_i32_0 = arith.constant 0 : i32
    return %arg0, %c0_i32 : i32, i32
  }
  func.func @transform_3(%arg0: i32) -> (i32, i32) {
    %c0_i32 = arith.constant 0 : i32
    %c0_i32_0 = arith.constant 0 : i32
    %c0_i32_1 = arith.constant 0 : i32
    return %c0_i32, %c0_i32_0 : i32, i32
  }
  func.func @transform_4(%arg0: i32) -> (i32, i32) {
    %c0_i32 = arith.constant 0 : i32
    %c0_i32_0 = arith.constant 0 : i32
    return %arg0, %c0_i32 : i32, i32
  }
  func.func @transform_5(%arg0: i32) -> (i32, i32, i32) {
    %c0_i32 = arith.constant 0 : i32
    %c0_i32_0 = arith.constant 0 : i32
    %c0_i32_1 = arith.constant 0 : i32
    return %arg0, %c0_i32, %c0_i32_0 : i32, i32, i32
  }
  func.func @transform_6(%arg0: i32) -> (i32, i32, i32) {
    %c0_i32 = arith.constant 0 : i32
    %c0_i32_0 = arith.constant 0 : i32
    %c0_i32_1 = arith.constant 0 : i32
    return %arg0, %c0_i32, %c0_i32_0 : i32, i32, i32
  }
}

module attributes {stable_mosaic.version = 14 : i64} {
  func.func @body(%arg0: i32, %arg1: memref<2000x32xf32, #tpu.memory_space<vmem>>, %arg2: memref<5x1x32xf32, #tpu.memory_space<vmem>>, %arg3: memref<5x1x32xf32, #tpu.memory_space<vmem>>, %arg4: memref<1x32xf32, #tpu.memory_space<vmem>>, %arg5: memref<1x32xf32, #tpu.memory_space<vmem>>, %arg6: memref<32x32xf32, #tpu.memory_space<vmem>>, %arg7: memref<1x32xf32, #tpu.memory_space<vmem>>, %arg8: memref<100x1x16xf32, #tpu.memory_space<vmem>>, %arg9: memref<16x16xf32, #tpu.memory_space<vmem>>, %arg10: memref<1x16xf32, #tpu.memory_space<vmem>>, %arg11: memref<2000x16xf32, #tpu.memory_space<vmem>>, %arg12: memref<2000x16xf32, #tpu.memory_space<vmem>>, %arg13: memref<2000x1xf32, #tpu.memory_space<vmem>>) attributes {dimension_semantics = [#tpu.dimension_semantics<arbitrary>], iteration_bounds = array<i64: 5>, scalar_prefetch = 0 : i64, scratch_operands = 0 : i64, tpu.core_type = #tpu.core_type<tc>, window_params = [{transform_indices = @transform_0, window_bounds = array<i64: 2000, 32>}, {pipeline_mode = #tpu.pipeline_mode<synchronous>, transform_indices = @transform_1, window_bounds = array<i64: 5, 1, 32>}, {pipeline_mode = #tpu.pipeline_mode<synchronous>, transform_indices = @transform_2, window_bounds = array<i64: 5, 1, 32>}, {pipeline_mode = #tpu.pipeline_mode<synchronous>, transform_indices = @transform_3, window_bounds = array<i64: 1, 32>}, {pipeline_mode = #tpu.pipeline_mode<synchronous>, transform_indices = @transform_4, window_bounds = array<i64: 1, 32>}, {pipeline_mode = #tpu.pipeline_mode<synchronous>, transform_indices = @transform_5, window_bounds = array<i64: 32, 32>}, {pipeline_mode = #tpu.pipeline_mode<synchronous>, transform_indices = @transform_6, window_bounds = array<i64: 1, 32>}, {pipeline_mode = #tpu.pipeline_mode<synchronous>, transform_indices = @transform_7, window_bounds = array<i64: 100, 1, 16>}, {pipeline_mode = #tpu.pipeline_mode<synchronous>, transform_indices = @transform_8, window_bounds = array<i64: 16, 16>}, {pipeline_mode = #tpu.pipeline_mode<synchronous>, transform_indices = @transform_9, window_bounds = array<i64: 1, 16>}, {transform_indices = @transform_10, window_bounds = array<i64: 2000, 16>}, {transform_indices = @transform_11, window_bounds = array<i64: 2000, 16>}, {transform_indices = @transform_12, window_bounds = array<i64: 2000, 1>}]} {
    %get3A = arith.constant 0 : index
    %get3A_0 = arith.constant 0 : index
    %get3A_1 = arith.constant 0 : index
    %get3A_2 = vector.load %arg2[%get3A, %get3A_0, %get3A_1] : memref<5x1x32xf32, #tpu.memory_space<vmem>>, vector<5x1x32xf32>
    %reduce_sum3A = arith.constant dense<0.000000e+00> : vector<1x32xf32>
    %reduce_sum3A_3 = vector.multi_reduction <add>, %get3A_2, %reduce_sum3A [0] : vector<5x1x32xf32> to vector<1x32xf32>
    %div3A = arith.constant 1.000000e+04 : f32
    %div3A_4 = vector.broadcast %div3A : f32 to vector<1x32xf32>
    %div3A_5 = arith.divf %reduce_sum3A_3, %div3A_4 : vector<1x32xf32>
    %get3A_6 = arith.constant 0 : index
    %get3A_7 = arith.constant 0 : index
    %get3A_8 = arith.constant 0 : index
    %get3A_9 = vector.load %arg3[%get3A_6, %get3A_7, %get3A_8] : memref<5x1x32xf32, #tpu.memory_space<vmem>>, vector<5x1x32xf32>
    %reduce_sum3A_10 = arith.constant dense<0.000000e+00> : vector<1x32xf32>
    %reduce_sum3A_11 = vector.multi_reduction <add>, %get3A_9, %reduce_sum3A_10 [0] : vector<5x1x32xf32> to vector<1x32xf32>
    %div3A_12 = arith.constant 1.000000e+04 : f32
    %div3A_13 = vector.broadcast %div3A_12 : f32 to vector<1x32xf32>
    %div3A_14 = arith.divf %reduce_sum3A_11, %div3A_13 : vector<1x32xf32>
    %mul3A = arith.mulf %div3A_5, %div3A_5 : vector<1x32xf32>
    %sub3A = arith.subf %div3A_14, %mul3A : vector<1x32xf32>
    %get3A_15 = arith.constant 0 : index
    %get3A_16 = arith.constant 0 : index
    %get3A_17 = vector.load %arg1[%get3A_15, %get3A_16] : memref<2000x32xf32, #tpu.memory_space<vmem>>, vector<2000x32xf32>
    %sub3A_18 = vector.broadcast %div3A_5 : vector<1x32xf32> to vector<2000x32xf32>
    %sub3A_19 = arith.subf %get3A_17, %sub3A_18 : vector<2000x32xf32>
    %add3A = arith.constant 9.99999974E-6 : f32
    %add3A_20 = vector.broadcast %add3A : f32 to vector<1x32xf32>
    %add3A_21 = arith.addf %sub3A, %add3A_20 : vector<1x32xf32>
    %rsqrt3A = math.rsqrt %add3A_21 : vector<1x32xf32>
    %mul3A_22 = vector.broadcast %rsqrt3A : vector<1x32xf32> to vector<2000x32xf32>
    %mul3A_23 = arith.mulf %sub3A_19, %mul3A_22 : vector<2000x32xf32>
    %get3A_24 = arith.constant 0 : index
    %get3A_25 = arith.constant 0 : index
    %get3A_26 = vector.load %arg4[%get3A_24, %get3A_25] : memref<1x32xf32, #tpu.memory_space<vmem>>, vector<1x32xf32>
    %mul3A_27 = vector.broadcast %get3A_26 : vector<1x32xf32> to vector<2000x32xf32>
    %mul3A_28 = arith.mulf %mul3A_23, %mul3A_27 : vector<2000x32xf32>
    %get3A_29 = arith.constant 0 : index
    %get3A_30 = arith.constant 0 : index
    %get3A_31 = vector.load %arg5[%get3A_29, %get3A_30] : memref<1x32xf32, #tpu.memory_space<vmem>>, vector<1x32xf32>
    %add3A_32 = vector.broadcast %get3A_31 : vector<1x32xf32> to vector<2000x32xf32>
    %add3A_33 = arith.addf %mul3A_28, %add3A_32 : vector<2000x32xf32>
    %get3A_34 = arith.constant 0 : index
    %get3A_35 = arith.constant 0 : index
    %get3A_36 = vector.load %arg6[%get3A_34, %get3A_35] : memref<32x32xf32, #tpu.memory_space<vmem>>, vector<32x32xf32>
    %dot_general3A = arith.constant dense<0.000000e+00> : vector<2000x32xf32>
    %dot_general3A_37 = tpu.matmul %add3A_33, %get3A_36, %dot_general3A {dimension_numbers = #tpu.dot_dimension_numbers<[1], [0], [0], [1], [0, 0, 1, 1], [], []>, transpose_lhs_hint = false} : vector<2000x32xf32>, vector<32x32xf32>, vector<2000x32xf32> -> vector<2000x32xf32>
    %get3A_38 = arith.constant 0 : index
    %get3A_39 = arith.constant 0 : index
    %get3A_40 = vector.load %arg7[%get3A_38, %get3A_39] : memref<1x32xf32, #tpu.memory_space<vmem>>, vector<1x32xf32>
    %add3A_41 = vector.broadcast %get3A_40 : vector<1x32xf32> to vector<2000x32xf32>
    %add3A_42 = arith.addf %dot_general3A_37, %add3A_41 : vector<2000x32xf32>
    %slice3A = vector.extract_strided_slice %add3A_42 {offsets = [0, 0], sizes = [2000, 16], strides = [1, 1]} : vector<2000x32xf32> to vector<2000x16xf32>
    %slice3A_43 = vector.extract_strided_slice %add3A_42 {offsets = [0, 16], sizes = [2000, 16], strides = [1, 1]} : vector<2000x32xf32> to vector<2000x16xf32>
    %get3A_44 = arith.constant 0 : index
    %get3A_45 = arith.constant 0 : index
    %get3A_46 = arith.constant 0 : index
    %get3A_47 = vector.load %arg8[%get3A_44, %get3A_45, %get3A_46] : memref<100x1x16xf32, #tpu.memory_space<vmem>>, vector<100x1x16xf32>
    %reduce_sum3A_48 = arith.constant dense<0.000000e+00> : vector<1x16xf32>
    %reduce_sum3A_49 = vector.multi_reduction <add>, %get3A_47, %reduce_sum3A_48 [0] : vector<100x1x16xf32> to vector<1x16xf32>
    %div3A_50 = arith.constant 3.200000e+05 : f32
    %div3A_51 = vector.broadcast %div3A_50 : f32 to vector<1x16xf32>
    %div3A_52 = arith.divf %reduce_sum3A_49, %div3A_51 : vector<1x16xf32>
    %get3A_53 = arith.constant 0 : index
    %get3A_54 = arith.constant 0 : index
    %get3A_55 = vector.load %arg9[%get3A_53, %get3A_54] : memref<16x16xf32, #tpu.memory_space<vmem>>, vector<16x16xf32>
    %dot_general3A_56 = arith.constant dense<0.000000e+00> : vector<1x16xf32>
    %dot_general3A_57 = tpu.matmul %div3A_52, %get3A_55, %dot_general3A_56 {dimension_numbers = #tpu.dot_dimension_numbers<[1], [0], [0], [1], [0, 0, 1, 1], [], []>, transpose_lhs_hint = false} : vector<1x16xf32>, vector<16x16xf32>, vector<1x16xf32> -> vector<1x16xf32>
    %add3A_58 = arith.addf %slice3A, %slice3A_43 : vector<2000x16xf32>
    %add3A_59 = vector.broadcast %dot_general3A_57 : vector<1x16xf32> to vector<2000x16xf32>
    %add3A_60 = arith.addf %add3A_58, %add3A_59 : vector<2000x16xf32>
    %mul3A_61 = arith.constant 2.000000e-01 : f32
    %mul3A_62 = vector.broadcast %mul3A_61 : f32 to vector<2000x16xf32>
    %mul3A_63 = arith.mulf %mul3A_62, %add3A_60 : vector<2000x16xf32>
    %max3A = arith.maximumf %add3A_60, %mul3A_63 : vector<2000x16xf32>
    %get3A_64 = arith.constant 0 : index
    %get3A_65 = arith.constant 0 : index
    %get3A_66 = vector.load %arg10[%get3A_64, %get3A_65] : memref<1x16xf32, #tpu.memory_space<vmem>>, vector<1x16xf32>
    %mul3A_67 = vector.broadcast %get3A_66 : vector<1x16xf32> to vector<2000x16xf32>
    %mul3A_68 = arith.mulf %max3A, %mul3A_67 : vector<2000x16xf32>
    %reduce_sum3A_69 = arith.constant dense<0.000000e+00> : vector<2000xf32>
    %reduce_sum3A_70 = vector.multi_reduction <add>, %mul3A_68, %reduce_sum3A_69 [1] : vector<2000x16xf32> to vector<2000xf32>
    %broadcast_in_dim3A = vector.shape_cast %reduce_sum3A_70 : vector<2000xf32> to vector<2000x1xf32>
    %swap3A = arith.constant 0 : index
    %swap3A_71 = arith.constant 0 : index
    %swap3A_72 = vector.load %arg11[%swap3A, %swap3A_71] : memref<2000x16xf32, #tpu.memory_space<vmem>>, vector<2000x16xf32>
    tpu.vector_store %arg11[%swap3A, %swap3A_71], %slice3A {strides = array<i32>} : memref<2000x16xf32, #tpu.memory_space<vmem>>, vector<2000x16xf32>,
    %swap3A_73 = arith.constant 0 : index
    %swap3A_74 = arith.constant 0 : index
    %swap3A_75 = vector.load %arg12[%swap3A_73, %swap3A_74] : memref<2000x16xf32, #tpu.memory_space<vmem>>, vector<2000x16xf32>
    tpu.vector_store %arg12[%swap3A_73, %swap3A_74], %slice3A_43 {strides = array<i32>} : memref<2000x16xf32, #tpu.memory_space<vmem>>, vector<2000x16xf32>,
    %exp3A = math.exp %broadcast_in_dim3A : vector<2000x1xf32>
    %swap3A_76 = arith.constant 0 : index
    %swap3A_77 = arith.constant 0 : index
    %swap3A_78 = vector.load %arg13[%swap3A_76, %swap3A_77] : memref<2000x1xf32, #tpu.memory_space<vmem>>, vector<2000x1xf32>
    tpu.vector_store %arg13[%swap3A_76, %swap3A_77], %exp3A {strides = array<i32>} : memref<2000x1xf32, #tpu.memory_space<vmem>>, vector<2000x1xf32>,
    return
  }
  func.func @transform_0(%arg0: i32) -> (i32, i32) {
    %c0_i32 = arith.constant 0 : i32
    %c0_i32_0 = arith.constant 0 : i32
    return %arg0, %c0_i32 : i32, i32
  }
  func.func @transform_1(%arg0: i32) -> (i32, i32, i32) {
    %c0_i32 = arith.constant 0 : i32
    %c0_i32_0 = arith.constant 0 : i32
    %c0_i32_1 = arith.constant 0 : i32
    %c0_i32_2 = arith.constant 0 : i32
    return %c0_i32, %c0_i32_0, %c0_i32_1 : i32, i32, i32
  }
  func.func @transform_2(%arg0: i32) -> (i32, i32, i32) {
    %c0_i32 = arith.constant 0 : i32
    %c0_i32_0 = arith.constant 0 : i32
    %c0_i32_1 = arith.constant 0 : i32
    %c0_i32_2 = arith.constant 0 : i32
    return %c0_i32, %c0_i32_0, %c0_i32_1 : i32, i32, i32
  }
  func.func @transform_3(%arg0: i32) -> (i32, i32) {
    %c0_i32 = arith.constant 0 : i32
    %c0_i32_0 = arith.constant 0 : i32
    %c0_i32_1 = arith.constant 0 : i32
    return %c0_i32, %c0_i32_0 : i32, i32
  }
  func.func @transform_4(%arg0: i32) -> (i32, i32) {
    %c0_i32 = arith.constant 0 : i32
    %c0_i32_0 = arith.constant 0 : i32
    %c0_i32_1 = arith.constant 0 : i32
    return %c0_i32, %c0_i32_0 : i32, i32
  }
  func.func @transform_5(%arg0: i32) -> (i32, i32) {
    %c0_i32 = arith.constant 0 : i32
    %c0_i32_0 = arith.constant 0 : i32
    %c0_i32_1 = arith.constant 0 : i32
    return %c0_i32, %c0_i32_0 : i32, i32
  }
  func.func @transform_6(%arg0: i32) -> (i32, i32) {
    %c0_i32 = arith.constant 0 : i32
    %c0_i32_0 = arith.constant 0 : i32
    %c0_i32_1 = arith.constant 0 : i32
    return %c0_i32, %c0_i32_0 : i32, i32
  }
  func.func @transform_7(%arg0: i32) -> (i32, i32, i32) {
    %c0_i32 = arith.constant 0 : i32
    %c0_i32_0 = arith.constant 0 : i32
    %c0_i32_1 = arith.constant 0 : i32
    %c0_i32_2 = arith.constant 0 : i32
    return %c0_i32, %c0_i32_0, %c0_i32_1 : i32, i32, i32
  }
  func.func @transform_8(%arg0: i32) -> (i32, i32) {
    %c0_i32 = arith.constant 0 : i32
    %c0_i32_0 = arith.constant 0 : i32
    %c0_i32_1 = arith.constant 0 : i32
    return %c0_i32, %c0_i32_0 : i32, i32
  }
  func.func @transform_9(%arg0: i32) -> (i32, i32) {
    %c0_i32 = arith.constant 0 : i32
    %c0_i32_0 = arith.constant 0 : i32
    %c0_i32_1 = arith.constant 0 : i32
    return %c0_i32, %c0_i32_0 : i32, i32
  }
  func.func @transform_10(%arg0: i32) -> (i32, i32) {
    %c0_i32 = arith.constant 0 : i32
    %c0_i32_0 = arith.constant 0 : i32
    return %arg0, %c0_i32 : i32, i32
  }
  func.func @transform_11(%arg0: i32) -> (i32, i32) {
    %c0_i32 = arith.constant 0 : i32
    %c0_i32_0 = arith.constant 0 : i32
    return %arg0, %c0_i32 : i32, i32
  }
  func.func @transform_12(%arg0: i32) -> (i32, i32) {
    %c0_i32 = arith.constant 0 : i32
    %c0_i32_0 = arith.constant 0 : i32
    return %arg0, %c0_i32 : i32, i32
  }
}

module attributes {stable_mosaic.version = 14 : i64} {
  func.func @body(%arg0: i32, %arg1: memref<2x2000x32xf32, #tpu.memory_space<vmem>>, %arg2: memref<2000x1xf32, #tpu.memory_space<vmem>>, %arg3: memref<2000x16xf32, #tpu.memory_space<vmem>>, %arg4: memref<1x8xf32, #tpu.memory_space<vmem>>, %arg5: memref<2000x1xi32, #tpu.memory_space<vmem>>, %arg6: memref<2000x1xi32, #tpu.memory_space<vmem>>, %arg7: memref<2000x22xf32, #tpu.memory_space<vmem>>, %arg8: memref<1x1x8xf32, #tpu.memory_space<vmem>>, %arg9: memref<1x1x8xf32, #tpu.memory_space<vmem>>, %arg10: memref<64x9xf32, #tpu.memory_space<vmem>>, %arg11: memref<64x22xf32, #tpu.memory_space<vmem>>) attributes {dimension_semantics = [#tpu.dimension_semantics<arbitrary>], iteration_bounds = array<i64: 5>, scalar_prefetch = 0 : i64, scratch_operands = 0 : i64, tpu.core_type = #tpu.core_type<tc>, window_params = [{transform_indices = @transform_0, window_bounds = array<i64: 2, 2000, 32>}, {transform_indices = @transform_1, window_bounds = array<i64: 2000, 1>}, {transform_indices = @transform_2, window_bounds = array<i64: 2000, 16>}, {pipeline_mode = #tpu.pipeline_mode<synchronous>, transform_indices = @transform_3, window_bounds = array<i64: 1, 8>}, {transform_indices = @transform_4, window_bounds = array<i64: 2000, 1>}, {transform_indices = @transform_5, window_bounds = array<i64: 2000, 1>}, {transform_indices = @transform_6, window_bounds = array<i64: 2000, 22>}, {transform_indices = @transform_7, window_bounds = array<i64: 1, 1, 8>}, {transform_indices = @transform_8, window_bounds = array<i64: 1, 1, 8>}, {pipeline_mode = #tpu.pipeline_mode<synchronous>, transform_indices = @transform_9, window_bounds = array<i64: 64, 9>}, {pipeline_mode = #tpu.pipeline_mode<synchronous>, transform_indices = @transform_10, window_bounds = array<i64: 64, 22>}]} {
    %get3A = arith.constant 0 : index
    %get3A_0 = arith.constant 0 : index
    %get3A_1 = vector.load %arg2[%get3A, %get3A_0] : memref<2000x1xf32, #tpu.memory_space<vmem>>, vector<2000x1xf32>
    %get3A_2 = arith.constant 0 : index
    %get3A_3 = arith.constant 0 : index
    %get3A_4 = arith.constant 0 : index
    %get3A_5 = vector.load %arg1[%get3A_2, %get3A_3, %get3A_4] : memref<2x2000x32xf32, #tpu.memory_space<vmem>>, vector<1x2000x32xf32>
    %get3A_6 = vector.shape_cast %get3A_5 : vector<1x2000x32xf32> to vector<2000x32xf32>
    %get3A_7 = arith.constant 1 : index
    %get3A_8 = arith.constant 0 : index
    %get3A_9 = arith.constant 0 : index
    %get3A_10 = vector.load %arg1[%get3A_7, %get3A_8, %get3A_9] : memref<2x2000x32xf32, #tpu.memory_space<vmem>>, vector<1x2000x32xf32>
    %get3A_11 = vector.shape_cast %get3A_10 : vector<1x2000x32xf32> to vector<2000x32xf32>
    %add3A = arith.addf %get3A_6, %get3A_11 : vector<2000x32xf32>
    %slice3A = vector.extract_strided_slice %add3A {offsets = [0, 0], sizes = [2000, 16], strides = [1, 1]} : vector<2000x32xf32> to vector<2000x16xf32>
    %get3A_12 = arith.constant 0 : index
    %get3A_13 = arith.constant 0 : index
    %get3A_14 = vector.load %arg3[%get3A_12, %get3A_13] : memref<2000x16xf32, #tpu.memory_space<vmem>>, vector<2000x16xf32>
    %mul3A = vector.broadcast %get3A_1 : vector<2000x1xf32> to vector<2000x16xf32>
    %mul3A_15 = arith.mulf %mul3A, %get3A_14 : vector<2000x16xf32>
    %add3A_16 = arith.addf %slice3A, %mul3A_15 : vector<2000x16xf32>
    %slice3A_17 = vector.extract_strided_slice %add3A {offsets = [0, 16], sizes = [2000, 1], strides = [1, 1]} : vector<2000x32xf32> to vector<2000x1xf32>
    %add3A_18 = arith.addf %slice3A_17, %get3A_1 : vector<2000x1xf32>
    %add3A_19 = arith.constant 1.000000e-16 : f32
    %add3A_20 = vector.broadcast %add3A_19 : f32 to vector<2000x1xf32>
    %add3A_21 = arith.addf %add3A_18, %add3A_20 : vector<2000x1xf32>
    %div3A = vector.broadcast %add3A_21 : vector<2000x1xf32> to vector<2000x16xf32>
    %div3A_22 = arith.divf %add3A_16, %div3A : vector<2000x16xf32>
    %slice3A_23 = vector.extract_strided_slice %div3A_22 {offsets = [0, 0], sizes = [2000, 8], strides = [1, 1]} : vector<2000x16xf32> to vector<2000x8xf32>
    %get3A_24 = arith.constant 0 : index
    %get3A_25 = arith.constant 0 : index
    %get3A_26 = vector.load %arg4[%get3A_24, %get3A_25] : memref<1x8xf32, #tpu.memory_space<vmem>>, vector<1x8xf32>
    %add3A_27 = vector.broadcast %get3A_26 : vector<1x8xf32> to vector<2000x8xf32>
    %add3A_28 = arith.addf %slice3A_23, %add3A_27 : vector<2000x8xf32>
    %neg3A = arith.constant 0.000000e+00 : f32
    %neg3A_29 = vector.broadcast %neg3A : f32 to vector<2000x8xf32>
    %neg3A_30 = arith.subf %neg3A_29, %add3A_28 : vector<2000x8xf32>
    %exp3A = math.exp %neg3A_30 : vector<2000x8xf32>
    %add3A_31 = arith.constant 1.000000e+00 : f32
    %add3A_32 = vector.broadcast %add3A_31 : f32 to vector<2000x8xf32>
    %add3A_33 = arith.addf %add3A_32, %exp3A : vector<2000x8xf32>
    %div3A_34 = arith.constant 1.000000e+00 : f32
    %div3A_35 = vector.broadcast %div3A_34 : f32 to vector<2000x8xf32>
    %div3A_36 = arith.divf %div3A_35, %add3A_33 : vector<2000x8xf32>
    %reduce_sum3A = arith.constant dense<0.000000e+00> : vector<8xf32>
    %reduce_sum3A_37 = vector.multi_reduction <add>, %div3A_36, %reduce_sum3A [0] : vector<2000x8xf32> to vector<8xf32>
    %broadcast_in_dim3A = vector.shape_cast %reduce_sum3A_37 : vector<8xf32> to vector<1x8xf32>
    %broadcast_in_dim3A_38 = vector.shape_cast %broadcast_in_dim3A : vector<1x8xf32> to vector<1x1x8xf32>
    %swap3A = arith.constant 0 : index
    %swap3A_39 = arith.constant 0 : index
    %swap3A_40 = arith.constant 0 : index
    %swap3A_41 = vector.load %arg8[%swap3A, %swap3A_39, %swap3A_40] : memref<1x1x8xf32, #tpu.memory_space<vmem>>, vector<1x1x8xf32>
    tpu.vector_store %arg8[%swap3A, %swap3A_39, %swap3A_40], %broadcast_in_dim3A_38 {strides = array<i32>} : memref<1x1x8xf32, #tpu.memory_space<vmem>>, vector<1x1x8xf32>,
    %mul3A_42 = arith.mulf %div3A_36, %div3A_36 : vector<2000x8xf32>
    %reduce_sum3A_43 = arith.constant dense<0.000000e+00> : vector<8xf32>
    %reduce_sum3A_44 = vector.multi_reduction <add>, %mul3A_42, %reduce_sum3A_43 [0] : vector<2000x8xf32> to vector<8xf32>
    %broadcast_in_dim3A_45 = vector.shape_cast %reduce_sum3A_44 : vector<8xf32> to vector<1x8xf32>
    %broadcast_in_dim3A_46 = vector.shape_cast %broadcast_in_dim3A_45 : vector<1x8xf32> to vector<1x1x8xf32>
    %swap3A_47 = arith.constant 0 : index
    %swap3A_48 = arith.constant 0 : index
    %swap3A_49 = arith.constant 0 : index
    %swap3A_50 = vector.load %arg9[%swap3A_47, %swap3A_48, %swap3A_49] : memref<1x1x8xf32, #tpu.memory_space<vmem>>, vector<1x1x8xf32>
    tpu.vector_store %arg9[%swap3A_47, %swap3A_48, %swap3A_49], %broadcast_in_dim3A_46 {strides = array<i32>} : memref<1x1x8xf32, #tpu.memory_space<vmem>>, vector<1x1x8xf32>,
    %iota3A = tpu.iota {dimensions = array<i32: 1>} : vector<1x64xi32>
    %get3A_51 = arith.constant 0 : index
    %get3A_52 = arith.constant 0 : index
    %get3A_53 = vector.load %arg5[%get3A_51, %get3A_52] : memref<2000x1xi32, #tpu.memory_space<vmem>>, vector<2000x1xi32>
    %eq3A = vector.broadcast %get3A_53 : vector<2000x1xi32> to vector<2000x64xi32>
    %eq3A_54 = vector.broadcast %iota3A : vector<1x64xi32> to vector<2000x64xi32>
    %eq3A_55 = arith.cmpi eq, %eq3A, %eq3A_54 : vector<2000x64xi32>
    %convert_element_type3A = arith.extui %eq3A_55 : vector<2000x64xi1> to vector<2000x64xi32>
    %convert_element_type3A_56 = arith.sitofp %convert_element_type3A : vector<2000x64xi32> to vector<2000x64xf32>
    %broadcast_in_dim3A_57 = arith.constant 1.000000e+00 : f32
    %broadcast_in_dim3A_58 = vector.broadcast %broadcast_in_dim3A_57 : f32 to vector<2000x1xf32>
    %concatenate3A = tpu.concatenate %div3A_36, %broadcast_in_dim3A_58 in 1 : vector<2000x8xf32>, vector<2000x1xf32> -> vector<2000x9xf32>
    %dot_general3A = arith.constant dense<0.000000e+00> : vector<64x9xf32>
    %dot_general3A_59 = tpu.matmul %convert_element_type3A_56, %concatenate3A, %dot_general3A {dimension_numbers = #tpu.dot_dimension_numbers<[0], [0], [1], [1], [0, 1, 1, 1], [], []>, transpose_lhs_hint = false} : vector<2000x64xf32>, vector<2000x9xf32>, vector<64x9xf32> -> vector<64x9xf32>
    %iota3A_60 = tpu.iota {dimensions = array<i32: 0>} : vector<2000x1xi32>
    %eq3A_61 = arith.constant 4 : i32
    %eq3A_62 = arith.cmpi eq, %arg0, %eq3A_61 : i32
    %eq3A_63 = arith.constant 1999 : i32
    %eq3A_64 = vector.broadcast %eq3A_63 : i32 to vector<2000x1xi32>
    %eq3A_65 = arith.cmpi eq, %iota3A_60, %eq3A_64 : vector<2000x1xi32>
    %and3A = vector.broadcast %eq3A_62 : i1 to vector<2000x1xi1>
    %and3A_66 = arith.andi %and3A, %eq3A_65 : vector<2000x1xi1>
    %ge3A = vector.broadcast %get3A_53 : vector<2000x1xi32> to vector<2000x64xi32>
    %ge3A_67 = vector.broadcast %iota3A : vector<1x64xi32> to vector<2000x64xi32>
    %ge3A_68 = arith.cmpi sge, %ge3A, %ge3A_67 : vector<2000x64xi32>
    %get3A_69 = arith.constant 0 : index
    %get3A_70 = arith.constant 0 : index
    %get3A_71 = vector.load %arg6[%get3A_69, %get3A_70] : memref<2000x1xi32, #tpu.memory_space<vmem>>, vector<2000x1xi32>
    %lt3A = vector.broadcast %get3A_71 : vector<2000x1xi32> to vector<2000x64xi32>
    %lt3A_72 = vector.broadcast %iota3A : vector<1x64xi32> to vector<2000x64xi32>
    %lt3A_73 = arith.cmpi slt, %lt3A, %lt3A_72 : vector<2000x64xi32>
    %and3A_74 = arith.andi %ge3A_68, %lt3A_73 : vector<2000x64xi1>
    %lt3A_75 = vector.broadcast %get3A_53 : vector<2000x1xi32> to vector<2000x64xi32>
    %lt3A_76 = vector.broadcast %iota3A : vector<1x64xi32> to vector<2000x64xi32>
    %lt3A_77 = arith.cmpi slt, %lt3A_75, %lt3A_76 : vector<2000x64xi32>
    %and3A_78 = vector.broadcast %and3A_66 : vector<2000x1xi1> to vector<2000x64xi1>
    %and3A_79 = arith.andi %and3A_78, %lt3A_77 : vector<2000x64xi1>
    %or3A = arith.ori %and3A_74, %and3A_79 : vector<2000x64xi1>
    %convert_element_type3A_80 = arith.extui %or3A : vector<2000x64xi1> to vector<2000x64xi32>
    %convert_element_type3A_81 = arith.sitofp %convert_element_type3A_80 : vector<2000x64xi32> to vector<2000x64xf32>
    %get3A_82 = arith.constant 0 : index
    %get3A_83 = arith.constant 0 : index
    %get3A_84 = vector.load %arg7[%get3A_82, %get3A_83] : memref<2000x22xf32, #tpu.memory_space<vmem>>, vector<2000x22xf32>
    %dot_general3A_85 = arith.constant dense<0.000000e+00> : vector<64x22xf32>
    %dot_general3A_86 = tpu.matmul %convert_element_type3A_81, %get3A_84, %dot_general3A_85 {dimension_numbers = #tpu.dot_dimension_numbers<[0], [0], [1], [1], [0, 1, 1, 1], [], []>, transpose_lhs_hint = false} : vector<2000x64xf32>, vector<2000x22xf32>, vector<64x22xf32> -> vector<64x22xf32>
    %eq3A_87 = arith.constant 0 : i32
    %eq3A_88 = arith.cmpi eq, %arg0, %eq3A_87 : i32
    %convert_element_type3A_89 = arith.extui %eq3A_88 : i1 to i32
    %cond3A = arith.constant 0 : i32
    %cond3A_90 = arith.cmpi ne, %convert_element_type3A_89, %cond3A : i32
    scf.if %cond3A_90 {
      %broadcast_in_dim3A_105 = arith.constant 0.000000e+00 : f32
      %broadcast_in_dim3A_106 = vector.broadcast %broadcast_in_dim3A_105 : f32 to vector<64x9xf32>
      %swap3A_107 = arith.constant 0 : index
      %swap3A_108 = arith.constant 0 : index
      %swap3A_109 = vector.load %arg10[%swap3A_107, %swap3A_108] : memref<64x9xf32, #tpu.memory_space<vmem>>, vector<64x9xf32>
      tpu.vector_store %arg10[%swap3A_107, %swap3A_108], %broadcast_in_dim3A_106 {strides = array<i32>} : memref<64x9xf32, #tpu.memory_space<vmem>>, vector<64x9xf32>,
      %broadcast_in_dim3A_110 = arith.constant 0.000000e+00 : f32
      %broadcast_in_dim3A_111 = vector.broadcast %broadcast_in_dim3A_110 : f32 to vector<64x22xf32>
      %swap3A_112 = arith.constant 0 : index
      %swap3A_113 = arith.constant 0 : index
      %swap3A_114 = vector.load %arg11[%swap3A_112, %swap3A_113] : memref<64x22xf32, #tpu.memory_space<vmem>>, vector<64x22xf32>
      tpu.vector_store %arg11[%swap3A_112, %swap3A_113], %broadcast_in_dim3A_111 {strides = array<i32>} : memref<64x22xf32, #tpu.memory_space<vmem>>, vector<64x22xf32>,
    } else {
    }
    %get3A_91 = arith.constant 0 : index
    %get3A_92 = arith.constant 0 : index
    %get3A_93 = vector.load %arg10[%get3A_91, %get3A_92] : memref<64x9xf32, #tpu.memory_space<vmem>>, vector<64x9xf32>
    %add3A_94 = arith.addf %get3A_93, %dot_general3A_59 : vector<64x9xf32>
    %swap3A_95 = arith.constant 0 : index
    %swap3A_96 = arith.constant 0 : index
    %swap3A_97 = vector.load %arg10[%swap3A_95, %swap3A_96] : memref<64x9xf32, #tpu.memory_space<vmem>>, vector<64x9xf32>
    tpu.vector_store %arg10[%swap3A_95, %swap3A_96], %add3A_94 {strides = array<i32>} : memref<64x9xf32, #tpu.memory_space<vmem>>, vector<64x9xf32>,
    %get3A_98 = arith.constant 0 : index
    %get3A_99 = arith.constant 0 : index
    %get3A_100 = vector.load %arg11[%get3A_98, %get3A_99] : memref<64x22xf32, #tpu.memory_space<vmem>>, vector<64x22xf32>
    %add3A_101 = arith.addf %get3A_100, %dot_general3A_86 : vector<64x22xf32>
    %swap3A_102 = arith.constant 0 : index
    %swap3A_103 = arith.constant 0 : index
    %swap3A_104 = vector.load %arg11[%swap3A_102, %swap3A_103] : memref<64x22xf32, #tpu.memory_space<vmem>>, vector<64x22xf32>
    tpu.vector_store %arg11[%swap3A_102, %swap3A_103], %add3A_101 {strides = array<i32>} : memref<64x22xf32, #tpu.memory_space<vmem>>, vector<64x22xf32>,
    return
  }
  func.func @transform_0(%arg0: i32) -> (i32, i32, i32) {
    %c0_i32 = arith.constant 0 : i32
    %c0_i32_0 = arith.constant 0 : i32
    %c0_i32_1 = arith.constant 0 : i32
    return %c0_i32, %arg0, %c0_i32_0 : i32, i32, i32
  }
  func.func @transform_1(%arg0: i32) -> (i32, i32) {
    %c0_i32 = arith.constant 0 : i32
    %c0_i32_0 = arith.constant 0 : i32
    return %arg0, %c0_i32 : i32, i32
  }
  func.func @transform_2(%arg0: i32) -> (i32, i32) {
    %c0_i32 = arith.constant 0 : i32
    %c0_i32_0 = arith.constant 0 : i32
    return %arg0, %c0_i32 : i32, i32
  }
  func.func @transform_3(%arg0: i32) -> (i32, i32) {
    %c0_i32 = arith.constant 0 : i32
    %c0_i32_0 = arith.constant 0 : i32
    %c0_i32_1 = arith.constant 0 : i32
    return %c0_i32, %c0_i32_0 : i32, i32
  }
  func.func @transform_4(%arg0: i32) -> (i32, i32) {
    %c0_i32 = arith.constant 0 : i32
    %c0_i32_0 = arith.constant 0 : i32
    return %arg0, %c0_i32 : i32, i32
  }
  func.func @transform_5(%arg0: i32) -> (i32, i32) {
    %c0_i32 = arith.constant 0 : i32
    %c0_i32_0 = arith.constant 0 : i32
    return %arg0, %c0_i32 : i32, i32
  }
  func.func @transform_6(%arg0: i32) -> (i32, i32) {
    %c0_i32 = arith.constant 0 : i32
    %c0_i32_0 = arith.constant 0 : i32
    return %arg0, %c0_i32 : i32, i32
  }
  func.func @transform_7(%arg0: i32) -> (i32, i32, i32) {
    %c0_i32 = arith.constant 0 : i32
    %c0_i32_0 = arith.constant 0 : i32
    %c0_i32_1 = arith.constant 0 : i32
    return %arg0, %c0_i32, %c0_i32_0 : i32, i32, i32
  }
  func.func @transform_8(%arg0: i32) -> (i32, i32, i32) {
    %c0_i32 = arith.constant 0 : i32
    %c0_i32_0 = arith.constant 0 : i32
    %c0_i32_1 = arith.constant 0 : i32
    return %arg0, %c0_i32, %c0_i32_0 : i32, i32, i32
  }
  func.func @transform_9(%arg0: i32) -> (i32, i32) {
    %c0_i32 = arith.constant 0 : i32
    %c0_i32_0 = arith.constant 0 : i32
    %c0_i32_1 = arith.constant 0 : i32
    return %c0_i32, %c0_i32_0 : i32, i32
  }
  func.func @transform_10(%arg0: i32) -> (i32, i32) {
    %c0_i32 = arith.constant 0 : i32
    %c0_i32_0 = arith.constant 0 : i32
    %c0_i32_1 = arith.constant 0 : i32
    return %c0_i32, %c0_i32_0 : i32, i32
  }
}

module attributes {stable_mosaic.version = 14 : i64} {
  func.func @body(%arg0: memref<5x1x8xf32, #tpu.memory_space<vmem>>, %arg1: memref<5x1x8xf32, #tpu.memory_space<vmem>>, %arg2: memref<64x9xf32, #tpu.memory_space<vmem>>, %arg3: memref<64x22xf32, #tpu.memory_space<vmem>>, %arg4: memref<1x8xf32, #tpu.memory_space<vmem>>, %arg5: memref<1x8xf32, #tpu.memory_space<vmem>>, %arg6: memref<30x32xf32, #tpu.memory_space<vmem>>, %arg7: memref<1x32xf32, #tpu.memory_space<vmem>>, %arg8: memref<32x16xf32, #tpu.memory_space<vmem>>, %arg9: memref<1x16xf32, #tpu.memory_space<vmem>>, %arg10: memref<16x8xf32, #tpu.memory_space<vmem>>, %arg11: memref<1x8xf32, #tpu.memory_space<vmem>>, %arg12: memref<8x4xf32, #tpu.memory_space<vmem>>, %arg13: memref<1x4xf32, #tpu.memory_space<vmem>>, %arg14: memref<4x2xf32, #tpu.memory_space<vmem>>, %arg15: memref<1x2xf32, #tpu.memory_space<vmem>>, %arg16: memref<64x2xf32, #tpu.memory_space<vmem>>) attributes {dimension_semantics = [], scalar_prefetch = 0 : i64, scratch_operands = 0 : i64, tpu.core_type = #tpu.core_type<tc>} {
    %get3A = arith.constant 0 : index
    %get3A_0 = arith.constant 0 : index
    %get3A_1 = arith.constant 0 : index
    %get3A_2 = vector.load %arg0[%get3A, %get3A_0, %get3A_1] : memref<5x1x8xf32, #tpu.memory_space<vmem>>, vector<5x1x8xf32>
    %reduce_sum3A = arith.constant dense<0.000000e+00> : vector<1x8xf32>
    %reduce_sum3A_3 = vector.multi_reduction <add>, %get3A_2, %reduce_sum3A [0] : vector<5x1x8xf32> to vector<1x8xf32>
    %div3A = arith.constant 1.000000e+04 : f32
    %div3A_4 = vector.broadcast %div3A : f32 to vector<1x8xf32>
    %div3A_5 = arith.divf %reduce_sum3A_3, %div3A_4 : vector<1x8xf32>
    %get3A_6 = arith.constant 0 : index
    %get3A_7 = arith.constant 0 : index
    %get3A_8 = arith.constant 0 : index
    %get3A_9 = vector.load %arg1[%get3A_6, %get3A_7, %get3A_8] : memref<5x1x8xf32, #tpu.memory_space<vmem>>, vector<5x1x8xf32>
    %reduce_sum3A_10 = arith.constant dense<0.000000e+00> : vector<1x8xf32>
    %reduce_sum3A_11 = vector.multi_reduction <add>, %get3A_9, %reduce_sum3A_10 [0] : vector<5x1x8xf32> to vector<1x8xf32>
    %div3A_12 = arith.constant 1.000000e+04 : f32
    %div3A_13 = vector.broadcast %div3A_12 : f32 to vector<1x8xf32>
    %div3A_14 = arith.divf %reduce_sum3A_11, %div3A_13 : vector<1x8xf32>
    %mul3A = arith.mulf %div3A_5, %div3A_5 : vector<1x8xf32>
    %sub3A = arith.subf %div3A_14, %mul3A : vector<1x8xf32>
    %get3A_15 = arith.constant 0 : index
    %get3A_16 = arith.constant 8 : index
    %get3A_17 = vector.load %arg2[%get3A_15, %get3A_16] : memref<64x9xf32, #tpu.memory_space<vmem>>, vector<64x1xf32>
    %get3A_18 = arith.constant 0 : index
    %get3A_19 = arith.constant 0 : index
    %get3A_20 = vector.load %arg2[%get3A_18, %get3A_19] : memref<64x9xf32, #tpu.memory_space<vmem>>, vector<64x8xf32>
    %max3A = arith.constant 1.000000e+00 : f32
    %max3A_21 = vector.broadcast %max3A : f32 to vector<64x1xf32>
    %max3A_22 = arith.maximumf %get3A_17, %max3A_21 : vector<64x1xf32>
    %div3A_23 = vector.broadcast %max3A_22 : vector<64x1xf32> to vector<64x8xf32>
    %div3A_24 = arith.divf %get3A_20, %div3A_23 : vector<64x8xf32>
    %sub3A_25 = vector.broadcast %div3A_5 : vector<1x8xf32> to vector<64x8xf32>
    %sub3A_26 = arith.subf %div3A_24, %sub3A_25 : vector<64x8xf32>
    %add3A = arith.constant 9.99999974E-6 : f32
    %add3A_27 = vector.broadcast %add3A : f32 to vector<1x8xf32>
    %add3A_28 = arith.addf %sub3A, %add3A_27 : vector<1x8xf32>
    %rsqrt3A = math.rsqrt %add3A_28 : vector<1x8xf32>
    %mul3A_29 = vector.broadcast %rsqrt3A : vector<1x8xf32> to vector<64x8xf32>
    %mul3A_30 = arith.mulf %sub3A_26, %mul3A_29 : vector<64x8xf32>
    %get3A_31 = arith.constant 0 : index
    %get3A_32 = arith.constant 0 : index
    %get3A_33 = vector.load %arg4[%get3A_31, %get3A_32] : memref<1x8xf32, #tpu.memory_space<vmem>>, vector<1x8xf32>
    %mul3A_34 = vector.broadcast %get3A_33 : vector<1x8xf32> to vector<64x8xf32>
    %mul3A_35 = arith.mulf %mul3A_30, %mul3A_34 : vector<64x8xf32>
    %get3A_36 = arith.constant 0 : index
    %get3A_37 = arith.constant 0 : index
    %get3A_38 = vector.load %arg5[%get3A_36, %get3A_37] : memref<1x8xf32, #tpu.memory_space<vmem>>, vector<1x8xf32>
    %add3A_39 = vector.broadcast %get3A_38 : vector<1x8xf32> to vector<64x8xf32>
    %add3A_40 = arith.addf %mul3A_35, %add3A_39 : vector<64x8xf32>
    %gt3A = arith.constant 0.000000e+00 : f32
    %gt3A_41 = vector.broadcast %gt3A : f32 to vector<64x1xf32>
    %gt3A_42 = arith.cmpf ogt, %get3A_17, %gt3A_41 : vector<64x1xf32>
    %jit3A = arith.constant 0.000000e+00 : f32
    %broadcast_in_dim3A = vector.shape_cast %gt3A_42 : vector<64x1xi1> to vector<64x1xi1>
    %broadcast_in_dim3A_43 = vector.broadcast %broadcast_in_dim3A : vector<64x1xi1> to vector<64x8xi1>
    %broadcast_in_dim3A_44 = vector.broadcast %jit3A : f32 to vector<64x8xf32>
    %select_n3A = arith.select %broadcast_in_dim3A_43, %add3A_40, %broadcast_in_dim3A_44 : vector<64x8xi1>, vector<64x8xf32>
    %get3A_45 = arith.constant 0 : index
    %get3A_46 = arith.constant 0 : index
    %get3A_47 = vector.load %arg3[%get3A_45, %get3A_46] : memref<64x22xf32, #tpu.memory_space<vmem>>, vector<64x22xf32>
    %concatenate3A = tpu.concatenate %select_n3A, %get3A_47 in 1 : vector<64x8xf32>, vector<64x22xf32> -> vector<64x30xf32>
    %get3A_48 = arith.constant 0 : index
    %get3A_49 = arith.constant 0 : index
    %get3A_50 = vector.load %arg6[%get3A_48, %get3A_49] : memref<30x32xf32, #tpu.memory_space<vmem>>, vector<30x32xf32>
    %dot_general3A = arith.constant dense<0.000000e+00> : vector<64x32xf32>
    %dot_general3A_51 = tpu.matmul %concatenate3A, %get3A_50, %dot_general3A {dimension_numbers = #tpu.dot_dimension_numbers<[1], [0], [0], [1], [0, 0, 1, 1], [], []>, transpose_lhs_hint = false} : vector<64x30xf32>, vector<30x32xf32>, vector<64x32xf32> -> vector<64x32xf32>
    %get3A_52 = arith.constant 0 : index
    %get3A_53 = arith.constant 0 : index
    %get3A_54 = vector.load %arg7[%get3A_52, %get3A_53] : memref<1x32xf32, #tpu.memory_space<vmem>>, vector<1x32xf32>
    %add3A_55 = vector.broadcast %get3A_54 : vector<1x32xf32> to vector<64x32xf32>
    %add3A_56 = arith.addf %dot_general3A_51, %add3A_55 : vector<64x32xf32>
    %max3A_57 = arith.constant 0.000000e+00 : f32
    %max3A_58 = vector.broadcast %max3A_57 : f32 to vector<64x32xf32>
    %max3A_59 = arith.maximumf %add3A_56, %max3A_58 : vector<64x32xf32>
    %get3A_60 = arith.constant 0 : index
    %get3A_61 = arith.constant 0 : index
    %get3A_62 = vector.load %arg8[%get3A_60, %get3A_61] : memref<32x16xf32, #tpu.memory_space<vmem>>, vector<32x16xf32>
    %dot_general3A_63 = arith.constant dense<0.000000e+00> : vector<64x16xf32>
    %dot_general3A_64 = tpu.matmul %max3A_59, %get3A_62, %dot_general3A_63 {dimension_numbers = #tpu.dot_dimension_numbers<[1], [0], [0], [1], [0, 0, 1, 1], [], []>, transpose_lhs_hint = false} : vector<64x32xf32>, vector<32x16xf32>, vector<64x16xf32> -> vector<64x16xf32>
    %get3A_65 = arith.constant 0 : index
    %get3A_66 = arith.constant 0 : index
    %get3A_67 = vector.load %arg9[%get3A_65, %get3A_66] : memref<1x16xf32, #tpu.memory_space<vmem>>, vector<1x16xf32>
    %add3A_68 = vector.broadcast %get3A_67 : vector<1x16xf32> to vector<64x16xf32>
    %add3A_69 = arith.addf %dot_general3A_64, %add3A_68 : vector<64x16xf32>
    %max3A_70 = arith.constant 0.000000e+00 : f32
    %max3A_71 = vector.broadcast %max3A_70 : f32 to vector<64x16xf32>
    %max3A_72 = arith.maximumf %add3A_69, %max3A_71 : vector<64x16xf32>
    %get3A_73 = arith.constant 0 : index
    %get3A_74 = arith.constant 0 : index
    %get3A_75 = vector.load %arg10[%get3A_73, %get3A_74] : memref<16x8xf32, #tpu.memory_space<vmem>>, vector<16x8xf32>
    %dot_general3A_76 = arith.constant dense<0.000000e+00> : vector<64x8xf32>
    %dot_general3A_77 = tpu.matmul %max3A_72, %get3A_75, %dot_general3A_76 {dimension_numbers = #tpu.dot_dimension_numbers<[1], [0], [0], [1], [0, 0, 1, 1], [], []>, transpose_lhs_hint = false} : vector<64x16xf32>, vector<16x8xf32>, vector<64x8xf32> -> vector<64x8xf32>
    %get3A_78 = arith.constant 0 : index
    %get3A_79 = arith.constant 0 : index
    %get3A_80 = vector.load %arg11[%get3A_78, %get3A_79] : memref<1x8xf32, #tpu.memory_space<vmem>>, vector<1x8xf32>
    %add3A_81 = vector.broadcast %get3A_80 : vector<1x8xf32> to vector<64x8xf32>
    %add3A_82 = arith.addf %dot_general3A_77, %add3A_81 : vector<64x8xf32>
    %max3A_83 = arith.constant 0.000000e+00 : f32
    %max3A_84 = vector.broadcast %max3A_83 : f32 to vector<64x8xf32>
    %max3A_85 = arith.maximumf %add3A_82, %max3A_84 : vector<64x8xf32>
    %get3A_86 = arith.constant 0 : index
    %get3A_87 = arith.constant 0 : index
    %get3A_88 = vector.load %arg12[%get3A_86, %get3A_87] : memref<8x4xf32, #tpu.memory_space<vmem>>, vector<8x4xf32>
    %dot_general3A_89 = arith.constant dense<0.000000e+00> : vector<64x4xf32>
    %dot_general3A_90 = tpu.matmul %max3A_85, %get3A_88, %dot_general3A_89 {dimension_numbers = #tpu.dot_dimension_numbers<[1], [0], [0], [1], [0, 0, 1, 1], [], []>, transpose_lhs_hint = false} : vector<64x8xf32>, vector<8x4xf32>, vector<64x4xf32> -> vector<64x4xf32>
    %get3A_91 = arith.constant 0 : index
    %get3A_92 = arith.constant 0 : index
    %get3A_93 = vector.load %arg13[%get3A_91, %get3A_92] : memref<1x4xf32, #tpu.memory_space<vmem>>, vector<1x4xf32>
    %add3A_94 = vector.broadcast %get3A_93 : vector<1x4xf32> to vector<64x4xf32>
    %add3A_95 = arith.addf %dot_general3A_90, %add3A_94 : vector<64x4xf32>
    %max3A_96 = arith.constant 0.000000e+00 : f32
    %max3A_97 = vector.broadcast %max3A_96 : f32 to vector<64x4xf32>
    %max3A_98 = arith.maximumf %add3A_95, %max3A_97 : vector<64x4xf32>
    %get3A_99 = arith.constant 0 : index
    %get3A_100 = arith.constant 0 : index
    %get3A_101 = vector.load %arg14[%get3A_99, %get3A_100] : memref<4x2xf32, #tpu.memory_space<vmem>>, vector<4x2xf32>
    %dot_general3A_102 = arith.constant dense<0.000000e+00> : vector<64x2xf32>
    %dot_general3A_103 = tpu.matmul %max3A_98, %get3A_101, %dot_general3A_102 {dimension_numbers = #tpu.dot_dimension_numbers<[1], [0], [0], [1], [0, 0, 1, 1], [], []>, transpose_lhs_hint = false} : vector<64x4xf32>, vector<4x2xf32>, vector<64x2xf32> -> vector<64x2xf32>
    %get3A_104 = arith.constant 0 : index
    %get3A_105 = arith.constant 0 : index
    %get3A_106 = vector.load %arg15[%get3A_104, %get3A_105] : memref<1x2xf32, #tpu.memory_space<vmem>>, vector<1x2xf32>
    %add3A_107 = vector.broadcast %get3A_106 : vector<1x2xf32> to vector<64x2xf32>
    %add3A_108 = arith.addf %dot_general3A_103, %add3A_107 : vector<64x2xf32>
    %swap3A = arith.constant 0 : index
    %swap3A_109 = arith.constant 0 : index
    %swap3A_110 = vector.load %arg16[%swap3A, %swap3A_109] : memref<64x2xf32, #tpu.memory_space<vmem>>, vector<64x2xf32>
    tpu.vector_store %arg16[%swap3A, %swap3A_109], %add3A_108 {strides = array<i32>} : memref<64x2xf32, #tpu.memory_space<vmem>>, vector<64x2xf32>,
    return
  }
}

</mosaic_0001>

<sc_bundles>
// kernel: scatter_offload_async_start.1
scs
__scs_entry_jumppad:
0x0: {  	(pc) =	sbr.rel $0x88, $3  }
0x1: {  	(tag) =	ssettag $0x0;
	lr =	simm.s32 $0x1  }
0x2: {  	[smem:$0x3F81] =	sst lr;
	_ =	strace $0xD0000000  }
0x3: {  	_ = 	snop  }
0x4: {  	_ = 	snop  }
0x5: {  	_ = 	snop  }
0x6: {  	_ = 	snop  }
0x7: {  	_ = 	snop  }
__scs_overlays_trampoline_lowered:
0x8: {  	[smem:$0x3F90] =	sst s0  }
0x9: {  	[smem:$0x3F91] =	sst s1  }
0xa: {  	[smem:$0x3F92] =	sst s2  }
0xb: {  	[smem:$0x3F93] =	sst s3  }
0xc: {  	[smem:$0x3F94] =	sst s4  }
0xd: {  	[smem:$0x3F95] =	sst s5  }
0xe: {  	[smem:$0x3F96] =	sst s6  }
0xf: {  	[smem:$0x3F97] =	sst s7  }
0x10: {  	[smem:$0x3F98] =	sst s8  }
0x11: {  	[smem:$0x3F99] =	sst s9;
	s0 =	simm.s32 @!p0 $0x0  }
0x12: {  	s1 =	sld [smem:$0x3F7F];
	s0 =	simm.s32 @p0 $0x1  }
0x13: {  	[smem:$0x3F9A] =	sst s0;
	s0 =	simm.s32 @!p1 $0x0  }
0x14: {  	s2 =	sld [smem:$0x3F7E];
	s0 =	simm.s32 @p1 $0x1  }
0x15: {  	[smem:$0x3F9B] =	sst s0;
	s0 =	simm.s32 @!p2 $0x0  }
0x16: {  	s3 =	sld [smem:$0x3FDB];
	s0 =	simm.s32 @p2 $0x1  }
0x17: {  	s4 =	simm.s32 $0x1BF5;
	[smem:$0x3F9D] =	sst s0  }
0x18: {  	s0 =	sld [smem:$0x3F80];
	_ =	swait.ge [sflag:s4], $0x0  }
0x19: {  	s7 =	sld [smem:$0x3F81]  }
0x1a: {  	s8 =	sadd.s32 $0xFFFFE003, lr  }
0x1b: {  	s9 =	sadd.s32 $0xFFFFFEF7, lr;
	s5 =	simm.s32 $0xFFFFFFFF;
	p2 =	slt.u32 s8, $0xFFFFF086  }
0x1c: {  	p1 =	slt.u32 s9, $0xF7A;
	s5 =	simm.s32 @!p2 $0x0  }
0x1d: {  	s5 =	simm.s32 @p1 $0x1;
	p0 =	seq.s32 s7, s2  }
0x1e: {  	s7 =	smul.u32 @!p0 $0xF7A, s2;
	p2 =	seq.s32 @!p0 s5, $0x0  }
0x1f: {  	s9 =	smul.u32 $0xF7A, s1;
	s8 =	simm.s32 @!p0 $0x1BF5;
	p2 =	por !p2, p0  }
0x20: {  	[sflag:s8] =	ssyncset.s32 @!p0 $0xFFFFF086;
	s6 =	sadd.s32 @!p0 s3, s7;
	s7 =	simm.s32 @!p0 $0x108  }
0x21: {  	s3 =	sadd.s32 s3, s9;
	s6 =	sadd.s32 @!p0 $0x88, s6;
	s7 =	simm.s32 @p2 $0x1082  }
0x22: {  	[simem:s7], [sflag:s8] =	dma.local @!p0 [hbm:s6], $0xF7A  }
0x23: {  	s9 =	sor.u32 $0xD0000000, s2;
	s6 =	simm.s32 $0x108;
	_ =	swait.ge @!p0 [sflag:s8], $0x0  }
0x24: {  	s3 =	sadd.s32 $0x88, s3;
	s6 =	simm.s32 @!p1 $0x1082;
	[sflag:s4] =	ssyncset.s32 $0xFFFFF086  }
0x25: {  	[simem:s6], [sflag:s4] =	dma.local [hbm:s3], $0xF7A  }
0x26: {  	[smem:$0x3F81] =	sst s1;
	(tag) =	ssettag s2;
	_ =	strace s9  }
0x27: {  	s1 =	sld [smem:$0x3F91]  }
0x28: {  	s2 =	sld [smem:$0x3F92]  }
0x29: {  	s4 =	sld [smem:$0x3F94]  }
0x2a: {  	p0 =	seq.s32 s5, $0x0;
	s5 =	sld [smem:$0x3F95]  }
0x2b: {  	s6 =	sld [smem:$0x3F96]  }
0x2c: {  	s7 =	sld [smem:$0x3F97]  }
0x2d: {  	s3 =	simm.s32 $0x108;
	s8 =	sld [smem:$0x3F98]  }
0x2e: {  	s3 =	simm.s32 @!p0 $0x1082;
	s9 =	sld [smem:$0x3F99]  }
0x2f: {  	lr =	sadd.s32 s0, s3;
	s0 =	sld [smem:$0x3F90]  }
0x30: {  	s3 =	sld [smem:$0x3F93]  }
0x31: {  	[smem:$0x3F9C] =	sst s10  }
0x32: {  	s10 =	sld [smem:$0x3F9A];
	_ =	sdelay $0x3  }
0x33: {  	p0 =	seq.s32 s10, $0x1;
	s10 =	sld [smem:$0x3F9C];
	_ =	sdelay $0x3  }
0x34: {  	[smem:$0x3F9C] =	sst s10  }
0x35: {  	s10 =	sld [smem:$0x3F9B];
	_ =	sdelay $0x3  }
0x36: {  	p1 =	seq.s32 s10, $0x1;
	s10 =	sld [smem:$0x3F9C];
	_ =	sdelay $0x3  }
0x37: {  	[smem:$0x3F9C] =	sst s10  }
0x38: {  	s10 =	sld [smem:$0x3F9D]  }
0x39: {  	_ = 	snop;
	(pc) =	sbr.ind lr, $3  }
0x3a: {  	_ = 	snop  }
0x3b: {  	_ = 	snop  }
0x3c: {  	p2 =	seq.s32 s10, $0x1;
	s10 =	sld [smem:$0x3F9C]  }
0x3d: {  	_ =	shalt  }
0x3e: {  	_ =	shalt  }
0x3f: {  	_ =	shalt  }
0x40: {  	_ =	shalt  }
0x41: {  	_ =	shalt  }
0x42: {  	_ =	shalt  }
0x43: {  	_ =	shalt  }
0x44: {  	_ =	shalt  }
0x45: {  	_ =	shalt  }
0x46: {  	_ =	shalt  }
0x47: {  	_ =	shalt  }
0x48: {  	_ =	shalt  }
0x49: {  	_ =	shalt  }
0x4a: {  	_ =	shalt  }
0x4b: {  	_ =	shalt  }
0x4c: {  	_ =	shalt  }
0x4d: {  	_ =	shalt  }
0x4e: {  	_ =	shalt  }
0x4f: {  	_ =	shalt  }
0x50: {  	_ =	shalt  }
0x51: {  	_ =	shalt  }
0x52: {  	_ =	shalt  }
0x53: {  	_ =	shalt  }
0x54: {  	_ =	shalt  }
0x55: {  	_ =	shalt  }
0x56: {  	_ =	shalt  }
0x57: {  	_ =	shalt  }
0x58: {  	_ =	shalt  }
0x59: {  	_ =	shalt  }
0x5a: {  	_ =	shalt  }
0x5b: {  	_ =	shalt  }
0x5c: {  	_ =	shalt  }
0x5d: {  	_ =	shalt  }
0x5e: {  	_ =	shalt  }
0x5f: {  	_ =	shalt  }
0x60: {  	_ =	shalt  }
0x61: {  	_ =	shalt  }
0x62: {  	_ =	shalt  }
0x63: {  	_ =	shalt  }
0x64: {  	_ =	shalt  }
0x65: {  	_ =	shalt  }
0x66: {  	_ =	shalt  }
0x67: {  	_ =	shalt  }
0x68: {  	_ =	shalt  }
0x69: {  	_ =	shalt  }
0x6a: {  	_ =	shalt  }
0x6b: {  	_ =	shalt  }
0x6c: {  	_ =	shalt  }
0x6d: {  	_ =	shalt  }
0x6e: {  	_ =	shalt  }
0x6f: {  	_ =	shalt  }
0x70: {  	_ =	shalt  }
0x71: {  	_ =	shalt  }
0x72: {  	_ =	shalt  }
0x73: {  	_ =	shalt  }
0x74: {  	_ =	shalt  }
0x75: {  	_ =	shalt  }
0x76: {  	_ =	shalt  }
0x77: {  	_ =	shalt  }
0x78: {  	_ =	shalt  }
0x79: {  	_ =	shalt  }
0x7a: {  	_ =	shalt  }
0x7b: {  	_ =	shalt  }
0x7c: {  	_ =	shalt  }
0x7d: {  	_ =	shalt  }
0x7e: {  	_ =	shalt  }
0x7f: {  	_ =	shalt  }
0x80: {  	_ =	shalt  }
0x81: {  	_ =	shalt  }
0x82: {  	_ =	shalt  }
0x83: {  	_ =	shalt  }
0x84: {  	_ =	shalt  }
0x85: {  	_ =	shalt  }
0x86: {  	_ =	shalt  }
0x87: {  	_ =	shalt  }
.Lfunc_end0:
.L_simem_size_0:
called_computation.1_lowered:
.L_overlay_start_0:
0x88: {  	s2 =	sld [smem:$0x3FD9]  }
0x89: {  	s3 =	sld [smem:$0x3FFE];
	_ =	sdelay $0x1  }
0x8a: {  	s1 =	srdreg.scid  }
0x8b: {  	s0 =	sand.u32 $0x1, s1  }
0x8c: {  	s15 =	sshll.u32 s0, $0xA;
	s2 =	sadd.s32 s3, s2  }
0x8d: {  	s2 =	sadd.s32 s2, s15  }
0x8e: {  	[smem:$0x3FA8] =	sst s2  }
0x8f: {  	_ = 	snop  }
0x90: {  	(tm) =	ssettm $0x1  }
0x91: {  	s16 =	sld [smem:$0x3FFB];
	_ =	sdelay $0x3  }
0x92: {  	_ =	strace s16  }
0x93: {  	s2 =	sld [smem:$0x3FFC];
	_ =	sdelay $0x3  }
0x94: {  	_ =	strace s2  }
0x95: {  	s2 =	sld [smem:$0x3FFD];
	_ =	sdelay $0x3  }
0x96: {  	_ =	strace s2  }
0x97: {  	_ =	strace $0x8FFFFFFF  }
0x98: {  	s17 =	sld [smem:$0x3FDB];
	_ =	sdelay $0x1  }
0x99: {  	s18 =	simm.s32 $_scs_section_size  }
0x9a: {  	s4 =	simm.s32 $_size__tile_overlayer_lowered;
	s5 =	simm.s32 $_tile_overlayer_lowered  }
0x9b: {  	s21 =	simm.s32 $0x1BFF;
	s20 =	sshll.u32 s5, $0x1;
	s2 =	sadd.s32 s18, s17  }
0x9c: {  	s6 =	simm.s32 $0x0;
	s19 =	sshll.u32 s4, $0x1;
	s4 =	sadd.s32 s20, s2  }
0x9d: {  	[timem:s6], [sflag:s21] =	dma.local [hbm:s4], s19  }
0x9e: {  	_ =	swait.ge [sflag:s21], s19  }
0x9f: {  	s3 =	ssub.s32 $0x0, s19;
	[sflag:s21] =	ssyncset.done $0x0  }
0xa0: {  	[sflag:s21] =	ssyncadd.s32 s3;
	_ =	sdelay $0x1  }
0xa1: {  	s22 =	simm.s32 $0x1B8B  }
0xa2: {  	_ =	swait.ge [sflag:s22], $0x1  }
0xa3: {  	[sflag:s22] =	ssyncset.done $0x0  }
0xa4: {  	s23 =	sld [smem:$0x3FFE];
	[sflag:s22] =	ssyncadd.s32 $0xFFFFFFFF  }
0xa5: {  	s25 =	simm.s32 $0x1B8E;
	s24 =	sld [smem:$0x0]  }
0xa6: {  	s26 =	simm.s32 $execute0_lowered;
	[smem:$0x3FD2] =	sst s25  }
0xa7: {  	s5 =	sshll.u32 s26, $0x1;
	_ =	strace $0x80000049;
	[dreg:$0x1] =	wrdreg $0xFFFFFFFF  }
0xa8: {  	s28 =	simm.s32 $_size_execute0_lowered;
	s2 =	sadd.s32 s2, s5;
	[dreg:$0x0] =	wrdreg $0x0  }
0xa9: {  	s5 =	sshll.u32 s28, $0x1;
	[dreg:$0x2] =	wrdreg s2  }
0xaa: {  	[dreg:$0x3] =	wrdreg s5  }
0xab: {  	[dreg:$0x4] =	wrdreg $0xC0  }
0xac: {  	_ =	task [dreg:s6], $0x5FFFF  }
0xad: {  	[dreg:$0x1] =	wrdreg $0xFFFFFFFF  }
0xae: {  	[dreg:$0x0] =	wrdreg $0x60  }
0xaf: {  	[dreg:$0x2] =	wrdreg s23  }
0xb0: {  	[dreg:$0x3] =	wrdreg s1  }
0xb1: {  	[dreg:$0x4] =	wrdreg s24  }
0xb2: {  	[dreg:$0x5] =	wrdreg $0x9  }
0xb3: {  	_ =	task.clear_ibuf [dreg:s6], $0x6FFFF;
	_ =	strace $0x90000049  }
0xb4: {  	s29 =	simm.s32 $0x9;
	_ =	strace $0x8000004B  }
0xb5: {  	_ =	swait.ge [sflag:s29], $0x1  }
0xb6: {  	[sflag:s29] =	ssyncadd.s32 $0xFFFFFFFF  }
0xb7: {  	_ =	strace $0x9000004B  }
0xb8: {  	_ =	sfence  }
0xb9: {  	s30 =	sld [smem:$0x0];
	_ =	sdelay $0x2  }
0xba: {  	s31 =	sshll.u32 s1, $0xD;
	s1 =	sshrl.u32 s1, $0x2  }
0xbb: {  	s3 =	sand.u32 $0x4000, s31;
	s1 =	sadd.s32 s1, s30  }
0xbc: {  	s0 =	sor.u32 s3, s0;
	s1 =	sshll.u32 s1, $0x11  }
0xbd: {  	s0 =	sor.u32 s1, s0  }
0xbe: {  	s0 =	sadd.s32 $0x8F2B, s0  }
0xbf: {  	[sflag:s0] =	ssyncadd.remote.s32 $0x1  }
0xc0: {  	_ =	sfence.sel $0xFFFF  }
0xc1: {  	[dreg:$0x0] =	wrdreg $0xFFFFFFFF;
	(pc) =	sbr.abs _section_cstart, $3  }
0xc2: {  	[dreg:$0x1] =	wrdreg $0xFFFFFFFF  }
0xc3: {  	_ =	task.clear_ibuf [dreg:s6], $0x2FFFF;
	_ =	strace $0x9FFFFFFF  }
0xc4: {  	(tm) =	ssettm $0x7FFFFFFF  }
0xc5: {  	_ =	shalt  }
tec
execute0_lowered:
.L_overlay_start_1:
0x0: {  	(tag) =	ssettag $0x1  }
0x1: {  	s7 =	rddreg [dreg:$0x0]  }
0x2: {  	s2 =	rddreg [dreg:$0x1];
	_ =	strace $0x8000004A;
	s3 =	simm.s32 $0x1  }
0x3: {  	v0 =	vimm.s32 $0x0;
	[sflag:s3] =	ssyncpa.u1 $0x0  }
0x4: {  	[tilespmem:$0x48] =	vst v0  }
0x5: {  	[tilespmem:$0x58] =	vst v0  }
0x6: {  	[tilespmem:$0x68] =	vst v0  }
0x7: {  	[tilespmem:$0x78] =	vst v0  }
0x8: {  	[tilespmem:$0x88] =	vst v0  }
0x9: {  	[tilespmem:$0x98] =	vst v0  }
0xa: {  	[tilespmem:$0xA8] =	vst v0  }
0xb: {  	[tilespmem:$0xB8] =	vst v0  }
0xc: {  	[tilespmem:$0xC8] =	vst v0  }
0xd: {  	[tilespmem:$0xD8] =	vst v0  }
0xe: {  	[tilespmem:$0xE8] =	vst v0  }
0xf: {  	[tilespmem:$0xF8] =	vst v0  }
0x10: {  	[tilespmem:$0x108] =	vst v0  }
0x11: {  	[tilespmem:$0x118] =	vst v0  }
0x12: {  	[tilespmem:$0x128] =	vst v0  }
0x13: {  	[tilespmem:$0x138] =	vst v0  }
0x14: {  	[tilespmem:$0x148] =	vst v0  }
0x15: {  	[tilespmem:$0x158] =	vst v0  }
0x16: {  	[tilespmem:$0x168] =	vst v0  }
0x17: {  	[tilespmem:$0x178] =	vst v0  }
0x18: {  	[tilespmem:$0x188] =	vst v0  }
0x19: {  	[tilespmem:$0x198] =	vst v0  }
0x1a: {  	[tilespmem:$0x1A8] =	vst v0  }
0x1b: {  	[tilespmem:$0x1B8] =	vst v0  }
0x1c: {  	[tilespmem:$0x1C8] =	vst v0  }
0x1d: {  	[tilespmem:$0x1D8] =	vst v0  }
0x1e: {  	[tilespmem:$0x1E8] =	vst v0  }
0x1f: {  	[tilespmem:$0x1F8] =	vst v0  }
0x20: {  	[tilespmem:$0x208] =	vst v0  }
0x21: {  	[tilespmem:$0x218] =	vst v0  }
0x22: {  	[tilespmem:$0x228] =	vst v0  }
0x23: {  	[tilespmem:$0x238] =	vst v0  }
0x24: {  	[tilespmem:$0x248] =	vst v0  }
0x25: {  	[tilespmem:$0x258] =	vst v0  }
0x26: {  	[tilespmem:$0x268] =	vst v0  }
0x27: {  	[tilespmem:$0x278] =	vst v0  }
0x28: {  	[tilespmem:$0x288] =	vst v0  }
0x29: {  	[tilespmem:$0x298] =	vst v0  }
0x2a: {  	[tilespmem:$0x2A8] =	vst v0  }
0x2b: {  	[tilespmem:$0x2B8] =	vst v0  }
0x2c: {  	[tilespmem:$0x2C8] =	vst v0  }
0x2d: {  	[tilespmem:$0x2D8] =	vst v0  }
0x2e: {  	[tilespmem:$0x2E8] =	vst v0  }
0x2f: {  	[tilespmem:$0x2F8] =	vst v0  }
0x30: {  	[tilespmem:$0x308] =	vst v0  }
0x31: {  	[tilespmem:$0x318] =	vst v0  }
0x32: {  	[tilespmem:$0x328] =	vst v0  }
0x33: {  	[tilespmem:$0x338] =	vst v0  }
0x34: {  	[tilespmem:$0x348] =	vst v0  }
0x35: {  	[tilespmem:$0x358] =	vst v0  }
0x36: {  	[tilespmem:$0x368] =	vst v0  }
0x37: {  	[tilespmem:$0x378] =	vst v0  }
0x38: {  	[tilespmem:$0x388] =	vst v0  }
0x39: {  	[tilespmem:$0x398] =	vst v0  }
0x3a: {  	[tilespmem:$0x3A8] =	vst v0  }
0x3b: {  	[tilespmem:$0x3B8] =	vst v0  }
0x3c: {  	[tilespmem:$0x3C8] =	vst v0  }
0x3d: {  	[tilespmem:$0x3D8] =	vst v0  }
0x3e: {  	[tilespmem:$0x3E8] =	vst v0  }
0x3f: {  	[tilespmem:$0x3F8] =	vst v0  }
0x40: {  	[tilespmem:$0x408] =	vst v0  }
0x41: {  	[tilespmem:$0x418] =	vst v0  }
0x42: {  	[tilespmem:$0x428] =	vst v0  }
0x43: {  	[tilespmem:$0x438] =	vst v0  }
0x44: {  	[tilespmem:$0x448] =	vst v0  }
0x45: {  	[tilespmem:$0x458] =	vst v0  }
0x46: {  	[tilespmem:$0x468] =	vst v0  }
0x47: {  	[tilespmem:$0x478] =	vst v0  }
0x48: {  	[tilespmem:$0x488] =	vst v0  }
0x49: {  	[tilespmem:$0x498] =	vst v0  }
0x4a: {  	[tilespmem:$0x4A8] =	vst v0  }
0x4b: {  	[tilespmem:$0x4B8] =	vst v0  }
0x4c: {  	[tilespmem:$0x4C8] =	vst v0  }
0x4d: {  	[tilespmem:$0x4D8] =	vst v0  }
0x4e: {  	[tilespmem:$0x4E8] =	vst v0  }
0x4f: {  	[tilespmem:$0x4F8] =	vst v0  }
0x50: {  	[tilespmem:$0x508] =	vst v0  }
0x51: {  	[tilespmem:$0x518] =	vst v0  }
0x52: {  	[tilespmem:$0x528] =	vst v0  }
0x53: {  	[tilespmem:$0x538] =	vst v0  }
0x54: {  	[tilespmem:$0x548] =	vst v0  }
0x55: {  	[tilespmem:$0x558] =	vst v0  }
0x56: {  	[tilespmem:$0x568] =	vst v0  }
0x57: {  	[tilespmem:$0x578] =	vst v0  }
0x58: {  	[tilespmem:$0x588] =	vst v0  }
0x59: {  	[tilespmem:$0x598] =	vst v0  }
0x5a: {  	[tilespmem:$0x5A8] =	vst v0  }
0x5b: {  	[tilespmem:$0x5B8] =	vst v0  }
0x5c: {  	[tilespmem:$0x5C8] =	vst v0  }
0x5d: {  	[tilespmem:$0x5D8] =	vst v0  }
0x5e: {  	[tilespmem:$0x5E8] =	vst v0  }
0x5f: {  	[tilespmem:$0x5F8] =	vst v0  }
0x60: {  	[tilespmem:$0x608] =	vst v0  }
0x61: {  	[tilespmem:$0x618] =	vst v0  }
0x62: {  	[tilespmem:$0x628] =	vst v0  }
0x63: {  	[tilespmem:$0x638] =	vst v0  }
0x64: {  	[tilespmem:$0x648] =	vst v0  }
0x65: {  	[tilespmem:$0x658] =	vst v0  }
0x66: {  	[tilespmem:$0x668] =	vst v0  }
0x67: {  	[tilespmem:$0x678] =	vst v0  }
0x68: {  	[tilespmem:$0x688] =	vst v0  }
0x69: {  	[tilespmem:$0x698] =	vst v0  }
0x6a: {  	[tilespmem:$0x6A8] =	vst v0  }
0x6b: {  	[tilespmem:$0x6B8] =	vst v0  }
0x6c: {  	[tilespmem:$0x6C8] =	vst v0  }
0x6d: {  	[tilespmem:$0x6D8] =	vst v0  }
0x6e: {  	[tilespmem:$0x6E8] =	vst v0  }
0x6f: {  	[tilespmem:$0x6F8] =	vst v0  }
0x70: {  	[tilespmem:$0x708] =	vst v0  }
0x71: {  	[tilespmem:$0x718] =	vst v0  }
0x72: {  	[tilespmem:$0x728] =	vst v0  }
0x73: {  	[tilespmem:$0x738] =	vst v0  }
0x74: {  	[tilespmem:$0x748] =	vst v0  }
0x75: {  	[tilespmem:$0x758] =	vst v0  }
0x76: {  	[tilespmem:$0x768] =	vst v0  }
0x77: {  	[tilespmem:$0x778] =	vst v0  }
0x78: {  	[tilespmem:$0x788] =	vst v0  }
0x79: {  	[tilespmem:$0x798] =	vst v0  }
0x7a: {  	[tilespmem:$0x7A8] =	vst v0  }
0x7b: {  	[tilespmem:$0x7B8] =	vst v0  }
0x7c: {  	[tilespmem:$0x7C8] =	vst v0  }
0x7d: {  	[tilespmem:$0x7D8] =	vst v0  }
0x7e: {  	[tilespmem:$0x7E8] =	vst v0  }
0x7f: {  	[tilespmem:$0x7F8] =	vst v0  }
0x80: {  	[tilespmem:$0x808] =	vst v0  }
0x81: {  	[tilespmem:$0x818] =	vst v0  }
0x82: {  	[tilespmem:$0x828] =	vst v0  }
0x83: {  	[tilespmem:$0x838] =	vst v0  }
0x84: {  	[tilespmem:$0x848] =	vst v0  }
0x85: {  	[tilespmem:$0x858] =	vst v0  }
0x86: {  	[tilespmem:$0x868] =	vst v0  }
0x87: {  	[tilespmem:$0x878] =	vst v0  }
0x88: {  	[tilespmem:$0x888] =	vst v0  }
0x89: {  	[tilespmem:$0x898] =	vst v0  }
0x8a: {  	[tilespmem:$0x8A8] =	vst v0  }
0x8b: {  	[tilespmem:$0x8B8] =	vst v0  }
0x8c: {  	[tilespmem:$0x8C8] =	vst v0  }
0x8d: {  	[tilespmem:$0x8D8] =	vst v0  }
0x8e: {  	[tilespmem:$0x8E8] =	vst v0  }
0x8f: {  	[tilespmem:$0x8F8] =	vst v0  }
0x90: {  	[tilespmem:$0x908] =	vst v0  }
0x91: {  	[tilespmem:$0x918] =	vst v0  }
0x92: {  	[tilespmem:$0x928] =	vst v0  }
0x93: {  	[tilespmem:$0x938] =	vst v0  }
0x94: {  	[tilespmem:$0x948] =	vst v0  }
0x95: {  	[tilespmem:$0x958] =	vst v0  }
0x96: {  	[tilespmem:$0x968] =	vst v0  }
0x97: {  	[tilespmem:$0x978] =	vst v0  }
0x98: {  	[tilespmem:$0x988] =	vst v0  }
0x99: {  	[tilespmem:$0x998] =	vst v0  }
0x9a: {  	[tilespmem:$0x9A8] =	vst v0  }
0x9b: {  	[tilespmem:$0x9B8] =	vst v0  }
0x9c: {  	[tilespmem:$0x9C8] =	vst v0  }
0x9d: {  	[tilespmem:$0x9D8] =	vst v0  }
0x9e: {  	[tilespmem:$0x9E8] =	vst v0  }
0x9f: {  	[tilespmem:$0x9F8] =	vst v0  }
0xa0: {  	[tilespmem:$0xA08] =	vst v0  }
0xa1: {  	[tilespmem:$0xA18] =	vst v0  }
0xa2: {  	[tilespmem:$0xA28] =	vst v0  }
0xa3: {  	[tilespmem:$0xA38] =	vst v0  }
0xa4: {  	[tilespmem:$0xA48] =	vst v0  }
0xa5: {  	[tilespmem:$0xA58] =	vst v0  }
0xa6: {  	[tilespmem:$0xA68] =	vst v0  }
0xa7: {  	[tilespmem:$0xA78] =	vst v0  }
0xa8: {  	[tilespmem:$0xA88] =	vst v0  }
0xa9: {  	[tilespmem:$0xA98] =	vst v0  }
0xaa: {  	[tilespmem:$0xAA8] =	vst v0  }
0xab: {  	[tilespmem:$0xAB8] =	vst v0  }
0xac: {  	[tilespmem:$0xAC8] =	vst v0  }
0xad: {  	[tilespmem:$0xAD8] =	vst v0  }
0xae: {  	[tilespmem:$0xAE8] =	vst v0  }
0xaf: {  	[tilespmem:$0xAF8] =	vst v0  }
0xb0: {  	[tilespmem:$0xB08] =	vst v0  }
0xb1: {  	[tilespmem:$0xB18] =	vst v0  }
0xb2: {  	[tilespmem:$0xB28] =	vst v0  }
0xb3: {  	[tilespmem:$0xB38] =	vst v0  }
0xb4: {  	[tilespmem:$0xB48] =	vst v0  }
0xb5: {  	[tilespmem:$0xB58] =	vst v0  }
0xb6: {  	[tilespmem:$0xB68] =	vst v0  }
0xb7: {  	[tilespmem:$0xB78] =	vst v0  }
0xb8: {  	[tilespmem:$0xB88] =	vst v0  }
0xb9: {  	[tilespmem:$0xB98] =	vst v0  }
0xba: {  	[tilespmem:$0xBA8] =	vst v0  }
0xbb: {  	[tilespmem:$0xBB8] =	vst v0  }
0xbc: {  	[tilespmem:$0xBC8] =	vst v0  }
0xbd: {  	[tilespmem:$0xBD8] =	vst v0  }
0xbe: {  	[tilespmem:$0xBE8] =	vst v0  }
0xbf: {  	[tilespmem:$0xBF8] =	vst v0  }
0xc0: {  	[tilespmem:$0xC08] =	vst v0  }
0xc1: {  	[tilespmem:$0xC18] =	vst v0  }
0xc2: {  	[tilespmem:$0xC28] =	vst v0  }
0xc3: {  	[tilespmem:$0xC38] =	vst v0  }
0xc4: {  	[tilespmem:$0xC48] =	vst v0  }
0xc5: {  	[tilespmem:$0xC58] =	vst v0  }
0xc6: {  	[tilespmem:$0xC68] =	vst v0  }
0xc7: {  	[tilespmem:$0xC78] =	vst v0  }
0xc8: {  	[tilespmem:$0xC88] =	vst v0  }
0xc9: {  	[tilespmem:$0xC98] =	vst v0  }
0xca: {  	[tilespmem:$0xCA8] =	vst v0  }
0xcb: {  	[tilespmem:$0xCB8] =	vst v0  }
0xcc: {  	[tilespmem:$0xCC8] =	vst v0  }
0xcd: {  	[tilespmem:$0xCD8] =	vst v0  }
0xce: {  	[tilespmem:$0xCE8] =	vst v0  }
0xcf: {  	[tilespmem:$0xCF8] =	vst v0  }
0xd0: {  	[tilespmem:$0xD08] =	vst v0  }
0xd1: {  	[tilespmem:$0xD18] =	vst v0  }
0xd2: {  	[tilespmem:$0xD28] =	vst v0  }
0xd3: {  	[tilespmem:$0xD38] =	vst v0  }
0xd4: {  	[tilespmem:$0xD48] =	vst v0  }
0xd5: {  	[tilespmem:$0xD58] =	vst v0  }
0xd6: {  	[tilespmem:$0xD68] =	vst v0  }
0xd7: {  	[tilespmem:$0xD78] =	vst v0  }
0xd8: {  	[tilespmem:$0xD88] =	vst v0  }
0xd9: {  	[tilespmem:$0xD98] =	vst v0  }
0xda: {  	[tilespmem:$0xDA8] =	vst v0  }
0xdb: {  	[tilespmem:$0xDB8] =	vst v0  }
0xdc: {  	[tilespmem:$0xDC8] =	vst v0  }
0xdd: {  	[tilespmem:$0xDD8] =	vst v0  }
0xde: {  	[tilespmem:$0xDE8] =	vst v0  }
0xdf: {  	[tilespmem:$0xDF8] =	vst v0  }
0xe0: {  	[tilespmem:$0xE08] =	vst v0  }
0xe1: {  	[tilespmem:$0xE18] =	vst v0  }
0xe2: {  	[tilespmem:$0xE28] =	vst v0  }
0xe3: {  	[tilespmem:$0xE38] =	vst v0  }
0xe4: {  	[tilespmem:$0xE48] =	vst v0  }
0xe5: {  	[tilespmem:$0xE58] =	vst v0  }
0xe6: {  	[tilespmem:$0xE68] =	vst v0  }
0xe7: {  	[tilespmem:$0xE78] =	vst v0  }
0xe8: {  	[tilespmem:$0xE88] =	vst v0  }
0xe9: {  	[tilespmem:$0xE98] =	vst v0  }
0xea: {  	[tilespmem:$0xEA8] =	vst v0  }
0xeb: {  	[tilespmem:$0xEB8] =	vst v0  }
0xec: {  	[tilespmem:$0xEC8] =	vst v0  }
0xed: {  	[tilespmem:$0xED8] =	vst v0  }
0xee: {  	[tilespmem:$0xEE8] =	vst v0  }
0xef: {  	[tilespmem:$0xEF8] =	vst v0  }
0xf0: {  	[tilespmem:$0xF08] =	vst v0  }
0xf1: {  	[tilespmem:$0xF18] =	vst v0  }
0xf2: {  	[tilespmem:$0xF28] =	vst v0  }
0xf3: {  	[tilespmem:$0xF38] =	vst v0  }
0xf4: {  	[tilespmem:$0xF48] =	vst v0  }
0xf5: {  	[tilespmem:$0xF58] =	vst v0  }
0xf6: {  	[tilespmem:$0xF68] =	vst v0  }
0xf7: {  	[tilespmem:$0xF78] =	vst v0  }
0xf8: {  	[tilespmem:$0xF88] =	vst v0  }
0xf9: {  	[tilespmem:$0xF98] =	vst v0  }
0xfa: {  	[tilespmem:$0xFA8] =	vst v0  }
0xfb: {  	[tilespmem:$0xFB8] =	vst v0  }
0xfc: {  	[tilespmem:$0xFC8] =	vst v0  }
0xfd: {  	[tilespmem:$0xFD8] =	vst v0  }
0xfe: {  	[tilespmem:$0xFE8] =	vst v0  }
0xff: {  	[tilespmem:$0xFF8] =	vst v0  }
0x100: {  	[tilespmem:$0x1008] =	vst v0  }
0x101: {  	[tilespmem:$0x1018] =	vst v0  }
0x102: {  	[tilespmem:$0x1028] =	vst v0  }
0x103: {  	[tilespmem:$0x1168] =	vst v0  }
0x104: {  	[tilespmem:$0x1038] =	vst v0  }
0x105: {  	[tilespmem:$0x1048] =	vst v0  }
0x106: {  	[tilespmem:$0x1058] =	vst v0  }
0x107: {  	[tilespmem:$0x1068] =	vst v0  }
0x108: {  	[tilespmem:$0x1078] =	vst v0  }
0x109: {  	[tilespmem:$0x1088] =	vst v0  }
0x10a: {  	[tilespmem:$0x1098] =	vst v0  }
0x10b: {  	[tilespmem:$0x10A8] =	vst v0  }
0x10c: {  	[tilespmem:$0x10B8] =	vst v0  }
0x10d: {  	[tilespmem:$0x10C8] =	vst v0  }
0x10e: {  	[tilespmem:$0x10D8] =	vst v0  }
0x10f: {  	[tilespmem:$0x10E8] =	vst v0  }
0x110: {  	[tilespmem:$0x10F8] =	vst v0  }
0x111: {  	[tilespmem:$0x1108] =	vst v0  }
0x112: {  	[tilespmem:$0x1118] =	vst v0  }
0x113: {  	[tilespmem:$0x1128] =	vst v0  }
0x114: {  	[tilespmem:$0x1138] =	vst v0  }
0x115: {  	[tilespmem:$0x1148] =	vst v0  }
0x116: {  	[tilespmem:$0x1158] =	vst v0  }
0x117: {  	[tilespmem:$0x1178] =	vst v0  }
0x118: {  	[tilespmem:$0x1188] =	vst v0  }
0x119: {  	[tilespmem:$0x1198] =	vst v0  }
0x11a: {  	[tilespmem:$0x11A8] =	vst v0  }
0x11b: {  	[tilespmem:$0x11B8] =	vst v0  }
0x11c: {  	[tilespmem:$0x11C8] =	vst v0  }
0x11d: {  	[tilespmem:$0x11D8] =	vst v0  }
0x11e: {  	[tilespmem:$0x11E8] =	vst v0  }
0x11f: {  	[tilespmem:$0x11F8] =	vst v0  }
0x120: {  	[tilespmem:$0x1208] =	vst v0  }
0x121: {  	[tilespmem:$0x1218] =	vst v0  }
0x122: {  	[tilespmem:$0x1228] =	vst v0  }
0x123: {  	[tilespmem:$0x1238] =	vst v0  }
0x124: {  	[tilespmem:$0x1248] =	vst v0  }
0x125: {  	[tilespmem:$0x1258] =	vst v0  }
0x126: {  	[tilespmem:$0x1268] =	vst v0  }
0x127: {  	[tilespmem:$0x1278] =	vst v0  }
0x128: {  	[tilespmem:$0x1288] =	vst v0  }
0x129: {  	[tilespmem:$0x1298] =	vst v0  }
0x12a: {  	[tilespmem:$0x12A8] =	vst v0  }
0x12b: {  	[tilespmem:$0x12B8] =	vst v0  }
0x12c: {  	[tilespmem:$0x12C8] =	vst v0  }
0x12d: {  	[tilespmem:$0x12D8] =	vst v0  }
0x12e: {  	[tilespmem:$0x12E8] =	vst v0  }
0x12f: {  	[tilespmem:$0x12F8] =	vst v0  }
0x130: {  	[tilespmem:$0x1308] =	vst v0  }
0x131: {  	[tilespmem:$0x1318] =	vst v0  }
0x132: {  	[tilespmem:$0x1328] =	vst v0  }
0x133: {  	[tilespmem:$0x1338] =	vst v0  }
0x134: {  	[tilespmem:$0x1348] =	vst v0  }
0x135: {  	[tilespmem:$0x1358] =	vst v0  }
0x136: {  	[tilespmem:$0x1368] =	vst v0  }
0x137: {  	[tilespmem:$0x1378] =	vst v0  }
0x138: {  	[tilespmem:$0x1388] =	vst v0  }
0x139: {  	[tilespmem:$0x1398] =	vst v0  }
0x13a: {  	[tilespmem:$0x13A8] =	vst v0  }
0x13b: {  	[tilespmem:$0x13B8] =	vst v0  }
0x13c: {  	[tilespmem:$0x13C8] =	vst v0  }
0x13d: {  	[tilespmem:$0x13D8] =	vst v0  }
0x13e: {  	[tilespmem:$0x13E8] =	vst v0  }
0x13f: {  	[tilespmem:$0x13F8] =	vst v0  }
0x140: {  	[tilespmem:$0x1408] =	vst v0  }
0x141: {  	[tilespmem:$0x1418] =	vst v0  }
0x142: {  	[tilespmem:$0x1428] =	vst v0  }
0x143: {  	[tilespmem:$0x1438] =	vst v0  }
0x144: {  	[tilespmem:$0x1448] =	vst v0  }
0x145: {  	[tilespmem:$0x1458] =	vst v0  }
0x146: {  	[tilespmem:$0x1468] =	vst v0  }
0x147: {  	[tilespmem:$0x1478] =	vst v0  }
0x148: {  	[tilespmem:$0x1488] =	vst v0  }
0x149: {  	[tilespmem:$0x1498] =	vst v0  }
0x14a: {  	[tilespmem:$0x14A8] =	vst v0  }
0x14b: {  	[tilespmem:$0x14B8] =	vst v0  }
0x14c: {  	[tilespmem:$0x14C8] =	vst v0  }
0x14d: {  	[tilespmem:$0x14D8] =	vst v0  }
0x14e: {  	[tilespmem:$0x14E8] =	vst v0  }
0x14f: {  	[tilespmem:$0x14F8] =	vst v0  }
0x150: {  	[tilespmem:$0x1508] =	vst v0  }
0x151: {  	[tilespmem:$0x1518] =	vst v0  }
0x152: {  	[tilespmem:$0x1528] =	vst v0  }
0x153: {  	[tilespmem:$0x1538] =	vst v0  }
0x154: {  	[tilespmem:$0x1548] =	vst v0  }
0x155: {  	[tilespmem:$0x1558] =	vst v0  }
0x156: {  	[tilespmem:$0x1568] =	vst v0  }
0x157: {  	[tilespmem:$0x1578] =	vst v0  }
0x158: {  	[tilespmem:$0x1588] =	vst v0  }
0x159: {  	[tilespmem:$0x1598] =	vst v0  }
0x15a: {  	[tilespmem:$0x15A8] =	vst v0  }
0x15b: {  	[tilespmem:$0x15B8] =	vst v0  }
0x15c: {  	[tilespmem:$0x15C8] =	vst v0  }
0x15d: {  	[tilespmem:$0x15D8] =	vst v0  }
0x15e: {  	[tilespmem:$0x15E8] =	vst v0  }
0x15f: {  	[tilespmem:$0x15F8] =	vst v0  }
0x160: {  	[tilespmem:$0x1608] =	vst v0  }
0x161: {  	[tilespmem:$0x1618] =	vst v0  }
0x162: {  	[tilespmem:$0x1628] =	vst v0  }
0x163: {  	[tilespmem:$0x1638] =	vst v0  }
0x164: {  	[tilespmem:$0x1648] =	vst v0  }
0x165: {  	[tilespmem:$0x1658] =	vst v0  }
0x166: {  	[tilespmem:$0x1668] =	vst v0  }
0x167: {  	[tilespmem:$0x1678] =	vst v0  }
0x168: {  	[tilespmem:$0x1688] =	vst v0  }
0x169: {  	[tilespmem:$0x1698] =	vst v0  }
0x16a: {  	[tilespmem:$0x16A8] =	vst v0  }
0x16b: {  	[tilespmem:$0x16B8] =	vst v0  }
0x16c: {  	[tilespmem:$0x16C8] =	vst v0  }
0x16d: {  	[tilespmem:$0x16D8] =	vst v0  }
0x16e: {  	[tilespmem:$0x16E8] =	vst v0  }
0x16f: {  	[tilespmem:$0x16F8] =	vst v0  }
0x170: {  	[tilespmem:$0x1708] =	vst v0  }
0x171: {  	[tilespmem:$0x1718] =	vst v0  }
0x172: {  	[tilespmem:$0x1728] =	vst v0  }
0x173: {  	[tilespmem:$0x1738] =	vst v0  }
0x174: {  	[tilespmem:$0x1748] =	vst v0  }
0x175: {  	[tilespmem:$0x1758] =	vst v0  }
0x176: {  	[tilespmem:$0x1768] =	vst v0  }
0x177: {  	[tilespmem:$0x1778] =	vst v0  }
0x178: {  	[tilespmem:$0x1788] =	vst v0  }
0x179: {  	[tilespmem:$0x1798] =	vst v0  }
0x17a: {  	[tilespmem:$0x17A8] =	vst v0  }
0x17b: {  	[tilespmem:$0x17B8] =	vst v0  }
0x17c: {  	[tilespmem:$0x17C8] =	vst v0  }
0x17d: {  	[tilespmem:$0x17D8] =	vst v0  }
0x17e: {  	[tilespmem:$0x17E8] =	vst v0  }
0x17f: {  	[tilespmem:$0x17F8] =	vst v0  }
0x180: {  	[tilespmem:$0x1808] =	vst v0  }
0x181: {  	[tilespmem:$0x1818] =	vst v0  }
0x182: {  	[tilespmem:$0x1828] =	vst v0  }
0x183: {  	[tilespmem:$0x1838] =	vst v0  }
0x184: {  	[tilespmem:$0x1848] =	vst v0  }
0x185: {  	[tilespmem:$0x1858] =	vst v0  }
0x186: {  	[tilespmem:$0x1868] =	vst v0  }
0x187: {  	[tilespmem:$0x1878] =	vst v0  }
0x188: {  	[tilespmem:$0x1888] =	vst v0  }
0x189: {  	[tilespmem:$0x1898] =	vst v0  }
0x18a: {  	[tilespmem:$0x18A8] =	vst v0  }
0x18b: {  	[tilespmem:$0x18B8] =	vst v0  }
0x18c: {  	[tilespmem:$0x18C8] =	vst v0  }
0x18d: {  	[tilespmem:$0x18D8] =	vst v0  }
0x18e: {  	[tilespmem:$0x18E8] =	vst v0  }
0x18f: {  	[tilespmem:$0x18F8] =	vst v0  }
0x190: {  	[tilespmem:$0x1908] =	vst v0  }
0x191: {  	[tilespmem:$0x1918] =	vst v0  }
0x192: {  	[tilespmem:$0x1928] =	vst v0  }
0x193: {  	[tilespmem:$0x1938] =	vst v0  }
0x194: {  	[tilespmem:$0x1948] =	vst v0  }
0x195: {  	[tilespmem:$0x1958] =	vst v0  }
0x196: {  	[tilespmem:$0x1968] =	vst v0  }
0x197: {  	[tilespmem:$0x1978] =	vst v0  }
0x198: {  	[tilespmem:$0x1988] =	vst v0  }
0x199: {  	[tilespmem:$0x1998] =	vst v0  }
0x19a: {  	[tilespmem:$0x19A8] =	vst v0  }
0x19b: {  	[tilespmem:$0x19B8] =	vst v0  }
0x19c: {  	[tilespmem:$0x19C8] =	vst v0  }
0x19d: {  	[tilespmem:$0x19D8] =	vst v0  }
0x19e: {  	[tilespmem:$0x19E8] =	vst v0  }
0x19f: {  	[tilespmem:$0x19F8] =	vst v0  }
0x1a0: {  	[tilespmem:$0x1A08] =	vst v0  }
0x1a1: {  	[tilespmem:$0x1A18] =	vst v0  }
0x1a2: {  	[tilespmem:$0x1A28] =	vst v0  }
0x1a3: {  	[tilespmem:$0x1A38] =	vst v0  }
0x1a4: {  	[tilespmem:$0x1A48] =	vst v0  }
0x1a5: {  	[tilespmem:$0x1A58] =	vst v0  }
0x1a6: {  	[tilespmem:$0x1A68] =	vst v0  }
0x1a7: {  	[tilespmem:$0x1A78] =	vst v0  }
0x1a8: {  	[tilespmem:$0x1A88] =	vst v0  }
0x1a9: {  	[tilespmem:$0x1A98] =	vst v0  }
0x1aa: {  	[tilespmem:$0x1AA8] =	vst v0  }
0x1ab: {  	[tilespmem:$0x1AB8] =	vst v0  }
0x1ac: {  	[tilespmem:$0x1AC8] =	vst v0  }
0x1ad: {  	[tilespmem:$0x1AD8] =	vst v0  }
0x1ae: {  	[tilespmem:$0x1AE8] =	vst v0  }
0x1af: {  	[tilespmem:$0x1AF8] =	vst v0  }
0x1b0: {  	[tilespmem:$0x1B08] =	vst v0  }
0x1b1: {  	[tilespmem:$0x1B18] =	vst v0  }
0x1b2: {  	[tilespmem:$0x1B28] =	vst v0  }
0x1b3: {  	[tilespmem:$0x1B38] =	vst v0  }
0x1b4: {  	[tilespmem:$0x1B48] =	vst v0  }
0x1b5: {  	[tilespmem:$0x1B58] =	vst v0  }
0x1b6: {  	[tilespmem:$0x1B68] =	vst v0  }
0x1b7: {  	[tilespmem:$0x1B78] =	vst v0  }
0x1b8: {  	[tilespmem:$0x1B88] =	vst v0  }
0x1b9: {  	[tilespmem:$0x1B98] =	vst v0  }
0x1ba: {  	[tilespmem:$0x1BA8] =	vst v0  }
0x1bb: {  	[tilespmem:$0x1BB8] =	vst v0  }
0x1bc: {  	[tilespmem:$0x1BC8] =	vst v0  }
0x1bd: {  	[tilespmem:$0x1BD8] =	vst v0  }
0x1be: {  	[tilespmem:$0x1BE8] =	vst v0  }
0x1bf: {  	[tilespmem:$0x1BF8] =	vst v0  }
0x1c0: {  	[tilespmem:$0x1C08] =	vst v0  }
0x1c1: {  	[tilespmem:$0x1C18] =	vst v0  }
0x1c2: {  	[tilespmem:$0x1C28] =	vst v0  }
0x1c3: {  	[tilespmem:$0x1C38] =	vst v0  }
0x1c4: {  	[tilespmem:$0x1C48] =	vst v0  }
0x1c5: {  	[tilespmem:$0x1C58] =	vst v0  }
0x1c6: {  	[tilespmem:$0x1C68] =	vst v0  }
0x1c7: {  	[tilespmem:$0x1C78] =	vst v0  }
0x1c8: {  	[tilespmem:$0x1C88] =	vst v0  }
0x1c9: {  	[tilespmem:$0x1C98] =	vst v0  }
0x1ca: {  	[tilespmem:$0x1CA8] =	vst v0  }
0x1cb: {  	[tilespmem:$0x1CB8] =	vst v0  }
0x1cc: {  	[tilespmem:$0x1CC8] =	vst v0  }
0x1cd: {  	[tilespmem:$0x1CD8] =	vst v0  }
0x1ce: {  	[tilespmem:$0x1CE8] =	vst v0  }
0x1cf: {  	[tilespmem:$0x1CF8] =	vst v0  }
0x1d0: {  	[tilespmem:$0x1D08] =	vst v0  }
0x1d1: {  	[tilespmem:$0x1D18] =	vst v0  }
0x1d2: {  	[tilespmem:$0x1D28] =	vst v0  }
0x1d3: {  	[tilespmem:$0x1D38] =	vst v0  }
0x1d4: {  	[tilespmem:$0x1D48] =	vst v0  }
0x1d5: {  	[tilespmem:$0x1D58] =	vst v0  }
0x1d6: {  	[tilespmem:$0x1D68] =	vst v0  }
0x1d7: {  	[tilespmem:$0x1D78] =	vst v0  }
0x1d8: {  	[tilespmem:$0x1D88] =	vst v0  }
0x1d9: {  	[tilespmem:$0x1D98] =	vst v0  }
0x1da: {  	[tilespmem:$0x1DA8] =	vst v0  }
0x1db: {  	[tilespmem:$0x1DB8] =	vst v0  }
0x1dc: {  	[tilespmem:$0x1DC8] =	vst v0  }
0x1dd: {  	[tilespmem:$0x1DD8] =	vst v0  }
0x1de: {  	[tilespmem:$0x1DE8] =	vst v0  }
0x1df: {  	[tilespmem:$0x1DF8] =	vst v0  }
0x1e0: {  	[tilespmem:$0x1E08] =	vst v0  }
0x1e1: {  	[tilespmem:$0x1E18] =	vst v0  }
0x1e2: {  	[tilespmem:$0x1E28] =	vst v0  }
0x1e3: {  	[tilespmem:$0x1E38] =	vst v0  }
0x1e4: {  	[tilespmem:$0x1E48] =	vst v0  }
0x1e5: {  	[tilespmem:$0x1E58] =	vst v0  }
0x1e6: {  	[tilespmem:$0x1E68] =	vst v0  }
0x1e7: {  	[tilespmem:$0x1E78] =	vst v0  }
0x1e8: {  	[tilespmem:$0x1E88] =	vst v0  }
0x1e9: {  	[tilespmem:$0x1E98] =	vst v0  }
0x1ea: {  	[tilespmem:$0x1EA8] =	vst v0  }
0x1eb: {  	[tilespmem:$0x1EB8] =	vst v0  }
0x1ec: {  	[tilespmem:$0x1EC8] =	vst v0  }
0x1ed: {  	[tilespmem:$0x1ED8] =	vst v0  }
0x1ee: {  	[tilespmem:$0x1EE8] =	vst v0  }
0x1ef: {  	[tilespmem:$0x1EF8] =	vst v0  }
0x1f0: {  	[tilespmem:$0x1F08] =	vst v0  }
0x1f1: {  	[tilespmem:$0x1F18] =	vst v0  }
0x1f2: {  	[tilespmem:$0x1F28] =	vst v0  }
0x1f3: {  	[tilespmem:$0x1F38] =	vst v0  }
0x1f4: {  	[tilespmem:$0x1F48] =	vst v0  }
0x1f5: {  	[tilespmem:$0x1F58] =	vst v0  }
0x1f6: {  	[tilespmem:$0x1F68] =	vst v0  }
0x1f7: {  	[tilespmem:$0x1F78] =	vst v0  }
0x1f8: {  	[tilespmem:$0x1F88] =	vst v0  }
0x1f9: {  	[tilespmem:$0x1F98] =	vst v0  }
0x1fa: {  	[tilespmem:$0x1FA8] =	vst v0  }
0x1fb: {  	[tilespmem:$0x1FB8] =	vst v0  }
0x1fc: {  	[tilespmem:$0x1FC8] =	vst v0  }
0x1fd: {  	[tilespmem:$0x1FD8] =	vst v0  }
0x1fe: {  	[tilespmem:$0x1FE8] =	vst v0  }
0x1ff: {  	[tilespmem:$0x1FF8] =	vst v0  }
0x200: {  	[tilespmem:$0x2008] =	vst v0  }
0x201: {  	[tilespmem:$0x2018] =	vst v0  }
0x202: {  	[tilespmem:$0x2028] =	vst v0  }
0x203: {  	[tilespmem:$0x2038] =	vst v0  }
0x204: {  	[tilespmem:$0x2048] =	vst v0  }
0x205: {  	[tilespmem:$0x2058] =	vst v0  }
0x206: {  	[tilespmem:$0x2068] =	vst v0  }
0x207: {  	[tilespmem:$0x2078] =	vst v0  }
0x208: {  	[tilespmem:$0x2088] =	vst v0  }
0x209: {  	[tilespmem:$0x2098] =	vst v0  }
0x20a: {  	[tilespmem:$0x20A8] =	vst v0  }
0x20b: {  	[tilespmem:$0x20B8] =	vst v0  }
0x20c: {  	[tilespmem:$0x20C8] =	vst v0  }
0x20d: {  	[tilespmem:$0x20D8] =	vst v0  }
0x20e: {  	[tilespmem:$0x20E8] =	vst v0  }
0x20f: {  	[tilespmem:$0x20F8] =	vst v0  }
0x210: {  	[tilespmem:$0x2108] =	vst v0  }
0x211: {  	[tilespmem:$0x2118] =	vst v0  }
0x212: {  	[tilespmem:$0x2128] =	vst v0  }
0x213: {  	[tilespmem:$0x2138] =	vst v0  }
0x214: {  	[tilespmem:$0x2148] =	vst v0  }
0x215: {  	[tilespmem:$0x2158] =	vst v0  }
0x216: {  	[tilespmem:$0x2168] =	vst v0  }
0x217: {  	[tilespmem:$0x2218] =	vst v0  }
0x218: {  	[tilespmem:$0x3058] =	vst v0  }
0x219: {  	[tilespmem:$0x3048] =	vst v0  }
0x21a: {  	[tilespmem:$0x3038] =	vst v0  }
0x21b: {  	[tilespmem:$0x3028] =	vst v0  }
0x21c: {  	[tilespmem:$0x3018] =	vst v0  }
0x21d: {  	[tilespmem:$0x3008] =	vst v0  }
0x21e: {  	[tilespmem:$0x2FF8] =	vst v0  }
0x21f: {  	[tilespmem:$0x2FE8] =	vst v0  }
0x220: {  	[tilespmem:$0x2FD8] =	vst v0  }
0x221: {  	[tilespmem:$0x2FC8] =	vst v0  }
0x222: {  	[tilespmem:$0x2FB8] =	vst v0  }
0x223: {  	[tilespmem:$0x2FA8] =	vst v0  }
0x224: {  	[tilespmem:$0x2F98] =	vst v0  }
0x225: {  	[tilespmem:$0x2F88] =	vst v0  }
0x226: {  	[tilespmem:$0x2F78] =	vst v0  }
0x227: {  	[tilespmem:$0x2F68] =	vst v0  }
0x228: {  	[tilespmem:$0x2F58] =	vst v0  }
0x229: {  	[tilespmem:$0x2F48] =	vst v0  }
0x22a: {  	[tilespmem:$0x2F38] =	vst v0  }
0x22b: {  	[tilespmem:$0x2F28] =	vst v0  }
0x22c: {  	[tilespmem:$0x2F18] =	vst v0  }
0x22d: {  	[tilespmem:$0x2F08] =	vst v0  }
0x22e: {  	[tilespmem:$0x2EF8] =	vst v0  }
0x22f: {  	[tilespmem:$0x2EE8] =	vst v0  }
0x230: {  	[tilespmem:$0x2ED8] =	vst v0  }
0x231: {  	[tilespmem:$0x2EC8] =	vst v0  }
0x232: {  	[tilespmem:$0x2EB8] =	vst v0  }
0x233: {  	[tilespmem:$0x2EA8] =	vst v0  }
0x234: {  	[tilespmem:$0x2E98] =	vst v0  }
0x235: {  	[tilespmem:$0x2E88] =	vst v0  }
0x236: {  	[tilespmem:$0x2E78] =	vst v0  }
0x237: {  	[tilespmem:$0x2E68] =	vst v0  }
0x238: {  	[tilespmem:$0x2E58] =	vst v0  }
0x239: {  	[tilespmem:$0x2E48] =	vst v0  }
0x23a: {  	[tilespmem:$0x2E38] =	vst v0  }
0x23b: {  	[tilespmem:$0x2E28] =	vst v0  }
0x23c: {  	[tilespmem:$0x2E18] =	vst v0  }
0x23d: {  	[tilespmem:$0x2E08] =	vst v0  }
0x23e: {  	[tilespmem:$0x2DF8] =	vst v0  }
0x23f: {  	[tilespmem:$0x2DE8] =	vst v0  }
0x240: {  	[tilespmem:$0x2DD8] =	vst v0  }
0x241: {  	[tilespmem:$0x2DC8] =	vst v0  }
0x242: {  	[tilespmem:$0x2DB8] =	vst v0  }
0x243: {  	[tilespmem:$0x2DA8] =	vst v0  }
0x244: {  	[tilespmem:$0x2D98] =	vst v0  }
0x245: {  	[tilespmem:$0x2D88] =	vst v0  }
0x246: {  	[tilespmem:$0x2D78] =	vst v0  }
0x247: {  	[tilespmem:$0x2D68] =	vst v0  }
0x248: {  	[tilespmem:$0x2D58] =	vst v0  }
0x249: {  	[tilespmem:$0x2D48] =	vst v0  }
0x24a: {  	[tilespmem:$0x2D38] =	vst v0  }
0x24b: {  	[tilespmem:$0x2D28] =	vst v0  }
0x24c: {  	[tilespmem:$0x2D18] =	vst v0  }
0x24d: {  	[tilespmem:$0x2D08] =	vst v0  }
0x24e: {  	[tilespmem:$0x2CF8] =	vst v0  }
0x24f: {  	[tilespmem:$0x2CE8] =	vst v0  }
0x250: {  	[tilespmem:$0x2CD8] =	vst v0  }
0x251: {  	[tilespmem:$0x2CC8] =	vst v0  }
0x252: {  	[tilespmem:$0x2CB8] =	vst v0  }
0x253: {  	[tilespmem:$0x2CA8] =	vst v0  }
0x254: {  	[tilespmem:$0x2C98] =	vst v0  }
0x255: {  	[tilespmem:$0x2C88] =	vst v0  }
0x256: {  	[tilespmem:$0x2C78] =	vst v0  }
0x257: {  	[tilespmem:$0x2C68] =	vst v0  }
0x258: {  	[tilespmem:$0x2C58] =	vst v0  }
0x259: {  	[tilespmem:$0x2C48] =	vst v0  }
0x25a: {  	[tilespmem:$0x2C38] =	vst v0  }
0x25b: {  	[tilespmem:$0x2C28] =	vst v0  }
0x25c: {  	[tilespmem:$0x2C18] =	vst v0  }
0x25d: {  	[tilespmem:$0x2C08] =	vst v0  }
0x25e: {  	[tilespmem:$0x2BF8] =	vst v0  }
0x25f: {  	[tilespmem:$0x2BE8] =	vst v0  }
0x260: {  	[tilespmem:$0x2BD8] =	vst v0  }
0x261: {  	[tilespmem:$0x2BC8] =	vst v0  }
0x262: {  	[tilespmem:$0x2BB8] =	vst v0  }
0x263: {  	[tilespmem:$0x2BA8] =	vst v0  }
0x264: {  	[tilespmem:$0x2B98] =	vst v0  }
0x265: {  	[tilespmem:$0x2B88] =	vst v0  }
0x266: {  	[tilespmem:$0x2B78] =	vst v0  }
0x267: {  	[tilespmem:$0x2B68] =	vst v0  }
0x268: {  	[tilespmem:$0x2B58] =	vst v0  }
0x269: {  	[tilespmem:$0x2B48] =	vst v0  }
0x26a: {  	[tilespmem:$0x2B38] =	vst v0  }
0x26b: {  	[tilespmem:$0x2B28] =	vst v0  }
0x26c: {  	[tilespmem:$0x2B18] =	vst v0  }
0x26d: {  	[tilespmem:$0x2B08] =	vst v0  }
0x26e: {  	[tilespmem:$0x2AF8] =	vst v0  }
0x26f: {  	[tilespmem:$0x2AE8] =	vst v0  }
0x270: {  	[tilespmem:$0x2AD8] =	vst v0  }
0x271: {  	[tilespmem:$0x2AC8] =	vst v0  }
0x272: {  	[tilespmem:$0x2AB8] =	vst v0  }
0x273: {  	[tilespmem:$0x2AA8] =	vst v0  }
0x274: {  	[tilespmem:$0x2A98] =	vst v0  }
0x275: {  	[tilespmem:$0x2A88] =	vst v0  }
0x276: {  	[tilespmem:$0x2A78] =	vst v0  }
0x277: {  	[tilespmem:$0x2A68] =	vst v0  }
0x278: {  	[tilespmem:$0x2A58] =	vst v0  }
0x279: {  	[tilespmem:$0x2A48] =	vst v0  }
0x27a: {  	[tilespmem:$0x2A38] =	vst v0  }
0x27b: {  	[tilespmem:$0x2A28] =	vst v0  }
0x27c: {  	[tilespmem:$0x2A18] =	vst v0  }
0x27d: {  	[tilespmem:$0x2A08] =	vst v0  }
0x27e: {  	[tilespmem:$0x29F8] =	vst v0  }
0x27f: {  	[tilespmem:$0x29E8] =	vst v0  }
0x280: {  	[tilespmem:$0x29D8] =	vst v0  }
0x281: {  	[tilespmem:$0x29C8] =	vst v0  }
0x282: {  	[tilespmem:$0x29B8] =	vst v0  }
0x283: {  	[tilespmem:$0x29A8] =	vst v0  }
0x284: {  	[tilespmem:$0x2998] =	vst v0  }
0x285: {  	[tilespmem:$0x2988] =	vst v0  }
0x286: {  	[tilespmem:$0x2978] =	vst v0  }
0x287: {  	[tilespmem:$0x2968] =	vst v0  }
0x288: {  	[tilespmem:$0x2958] =	vst v0  }
0x289: {  	[tilespmem:$0x2948] =	vst v0  }
0x28a: {  	[tilespmem:$0x2938] =	vst v0  }
0x28b: {  	[tilespmem:$0x2928] =	vst v0  }
0x28c: {  	[tilespmem:$0x2918] =	vst v0  }
0x28d: {  	[tilespmem:$0x2908] =	vst v0  }
0x28e: {  	[tilespmem:$0x28F8] =	vst v0  }
0x28f: {  	[tilespmem:$0x28E8] =	vst v0  }
0x290: {  	[tilespmem:$0x28D8] =	vst v0  }
0x291: {  	[tilespmem:$0x28C8] =	vst v0  }
0x292: {  	[tilespmem:$0x28B8] =	vst v0  }
0x293: {  	[tilespmem:$0x28A8] =	vst v0  }
0x294: {  	[tilespmem:$0x2898] =	vst v0  }
0x295: {  	[tilespmem:$0x2888] =	vst v0  }
0x296: {  	[tilespmem:$0x2878] =	vst v0  }
0x297: {  	[tilespmem:$0x2868] =	vst v0  }
0x298: {  	[tilespmem:$0x2858] =	vst v0  }
0x299: {  	[tilespmem:$0x2848] =	vst v0  }
0x29a: {  	[tilespmem:$0x2838] =	vst v0  }
0x29b: {  	[tilespmem:$0x2828] =	vst v0  }
0x29c: {  	[tilespmem:$0x2818] =	vst v0  }
0x29d: {  	[tilespmem:$0x2808] =	vst v0  }
0x29e: {  	[tilespmem:$0x27F8] =	vst v0  }
0x29f: {  	[tilespmem:$0x27E8] =	vst v0  }
0x2a0: {  	[tilespmem:$0x27D8] =	vst v0  }
0x2a1: {  	[tilespmem:$0x27C8] =	vst v0  }
0x2a2: {  	[tilespmem:$0x27B8] =	vst v0  }
0x2a3: {  	[tilespmem:$0x27A8] =	vst v0  }
0x2a4: {  	[tilespmem:$0x2798] =	vst v0  }
0x2a5: {  	[tilespmem:$0x2788] =	vst v0  }
0x2a6: {  	[tilespmem:$0x2778] =	vst v0  }
0x2a7: {  	[tilespmem:$0x2768] =	vst v0  }
0x2a8: {  	[tilespmem:$0x2758] =	vst v0  }
0x2a9: {  	[tilespmem:$0x2748] =	vst v0  }
0x2aa: {  	[tilespmem:$0x2738] =	vst v0  }
0x2ab: {  	[tilespmem:$0x2728] =	vst v0  }
0x2ac: {  	[tilespmem:$0x2718] =	vst v0  }
0x2ad: {  	[tilespmem:$0x2708] =	vst v0  }
0x2ae: {  	[tilespmem:$0x26F8] =	vst v0  }
0x2af: {  	[tilespmem:$0x26E8] =	vst v0  }
0x2b0: {  	[tilespmem:$0x26D8] =	vst v0  }
0x2b1: {  	[tilespmem:$0x26C8] =	vst v0  }
0x2b2: {  	[tilespmem:$0x26B8] =	vst v0  }
0x2b3: {  	[tilespmem:$0x26A8] =	vst v0  }
0x2b4: {  	[tilespmem:$0x2698] =	vst v0  }
0x2b5: {  	[tilespmem:$0x2688] =	vst v0  }
0x2b6: {  	[tilespmem:$0x2678] =	vst v0  }
0x2b7: {  	[tilespmem:$0x2668] =	vst v0  }
0x2b8: {  	[tilespmem:$0x2658] =	vst v0  }
0x2b9: {  	[tilespmem:$0x2648] =	vst v0  }
0x2ba: {  	[tilespmem:$0x2638] =	vst v0  }
0x2bb: {  	[tilespmem:$0x2628] =	vst v0  }
0x2bc: {  	[tilespmem:$0x2618] =	vst v0  }
0x2bd: {  	[tilespmem:$0x2608] =	vst v0  }
0x2be: {  	[tilespmem:$0x25F8] =	vst v0  }
0x2bf: {  	[tilespmem:$0x25E8] =	vst v0  }
0x2c0: {  	[tilespmem:$0x25D8] =	vst v0  }
0x2c1: {  	[tilespmem:$0x25C8] =	vst v0  }
0x2c2: {  	[tilespmem:$0x25B8] =	vst v0  }
0x2c3: {  	[tilespmem:$0x25A8] =	vst v0  }
0x2c4: {  	[tilespmem:$0x2598] =	vst v0  }
0x2c5: {  	[tilespmem:$0x2588] =	vst v0  }
0x2c6: {  	[tilespmem:$0x2578] =	vst v0  }
0x2c7: {  	[tilespmem:$0x2568] =	vst v0  }
0x2c8: {  	[tilespmem:$0x2558] =	vst v0  }
0x2c9: {  	[tilespmem:$0x2548] =	vst v0  }
0x2ca: {  	[tilespmem:$0x2538] =	vst v0  }
0x2cb: {  	[tilespmem:$0x2528] =	vst v0  }
0x2cc: {  	[tilespmem:$0x2518] =	vst v0  }
0x2cd: {  	[tilespmem:$0x2508] =	vst v0  }
0x2ce: {  	[tilespmem:$0x24F8] =	vst v0  }
0x2cf: {  	[tilespmem:$0x24E8] =	vst v0  }
0x2d0: {  	[tilespmem:$0x24D8] =	vst v0  }
0x2d1: {  	[tilespmem:$0x24C8] =	vst v0  }
0x2d2: {  	[tilespmem:$0x24B8] =	vst v0  }
0x2d3: {  	[tilespmem:$0x24A8] =	vst v0  }
0x2d4: {  	[tilespmem:$0x2498] =	vst v0  }
0x2d5: {  	[tilespmem:$0x2488] =	vst v0  }
0x2d6: {  	[tilespmem:$0x2478] =	vst v0  }
0x2d7: {  	[tilespmem:$0x2468] =	vst v0  }
0x2d8: {  	[tilespmem:$0x2458] =	vst v0  }
0x2d9: {  	[tilespmem:$0x2448] =	vst v0  }
0x2da: {  	[tilespmem:$0x2438] =	vst v0  }
0x2db: {  	[tilespmem:$0x2428] =	vst v0  }
0x2dc: {  	[tilespmem:$0x2418] =	vst v0  }
0x2dd: {  	[tilespmem:$0x2408] =	vst v0  }
0x2de: {  	[tilespmem:$0x23F8] =	vst v0  }
0x2df: {  	[tilespmem:$0x23E8] =	vst v0  }
0x2e0: {  	[tilespmem:$0x23D8] =	vst v0  }
0x2e1: {  	[tilespmem:$0x23C8] =	vst v0  }
0x2e2: {  	[tilespmem:$0x23B8] =	vst v0  }
0x2e3: {  	[tilespmem:$0x23A8] =	vst v0  }
0x2e4: {  	[tilespmem:$0x2398] =	vst v0  }
0x2e5: {  	[tilespmem:$0x2388] =	vst v0  }
0x2e6: {  	[tilespmem:$0x2378] =	vst v0  }
0x2e7: {  	[tilespmem:$0x2368] =	vst v0  }
0x2e8: {  	[tilespmem:$0x2358] =	vst v0  }
0x2e9: {  	[tilespmem:$0x2348] =	vst v0  }
0x2ea: {  	[tilespmem:$0x2338] =	vst v0  }
0x2eb: {  	[tilespmem:$0x2328] =	vst v0  }
0x2ec: {  	[tilespmem:$0x2318] =	vst v0  }
0x2ed: {  	[tilespmem:$0x2308] =	vst v0  }
0x2ee: {  	[tilespmem:$0x22F8] =	vst v0  }
0x2ef: {  	[tilespmem:$0x22E8] =	vst v0  }
0x2f0: {  	[tilespmem:$0x22D8] =	vst v0  }
0x2f1: {  	[tilespmem:$0x22C8] =	vst v0  }
0x2f2: {  	[tilespmem:$0x22B8] =	vst v0  }
0x2f3: {  	[tilespmem:$0x22A8] =	vst v0  }
0x2f4: {  	[tilespmem:$0x2298] =	vst v0  }
0x2f5: {  	[tilespmem:$0x2288] =	vst v0  }
0x2f6: {  	[tilespmem:$0x2278] =	vst v0  }
0x2f7: {  	s10 =	stileid.u32;
	[tilespmem:$0x2268] =	vst v0  }
0x2f8: {  	s0 =	simm.s32 $0x1;
	p0 =	sne.s32 s10, $0x0;
	s1 =	smul.u32 $0x1A, s10;
	[tilespmem:$0x2258] =	vst v0  }
0x2f9: {  	s0 =	simm.s32 @!p0 $0x0;
	[tilespmem:$0x2248] =	vst v0  }
0x2fa: {  	[tilespmem:$0x2238] =	vst v0;
	s0 =	sor.u32 s0, s1  }
0x2fb: {  	p1 =	seq.s32 s10, $0x0;
	[tilespmem:$0x2228] =	vst v0;
	s1 =	simm.s32 $0x2880;
	s8 =	smul.u32 $0x180, s0  }
0x2fc: {  	s1 =	simm.s32 @!p1 $0x2700;
	[tilespmem:$0x21F8] =	vst v0  }
0x2fd: {  	[tilespmem:$0x2208] =	vst v0;
	s0 =	sadd.s32 s1, s8  }
0x2fe: {  	s4 =	simm.s32 $0x2;
	[tilespmem:$0x21E8] =	vst v0;
	s9 =	smin.u32 s0, $0x27100  }
0x2ff: {  	s31 =	simm.s32 $0x9;
	s5 =	simm.s32 $0xA;
	[tilespmem:$0x2188] =	vst v0;
	s0 =	ssub.s32 s9, s8  }
0x300: {  	s12 =	simm.s32 $0xB;
	s18 =	simm.s32 $0x0;
	[tilespmem:$0x21D8] =	vst v0;
	p1 =	sgt.s32 s0, $0x0  }
0x301: {  	p2 =	por $0x0, $0x0;
	s19 =	simm.s32 $0xC;
	[tilespmem:$0x21C8] =	vst v0;
	s0 =	simm.s32 @!p1 $0x0  }
0x302: {  	s23 =	simm.s32 $0x0;
	s20 =	simm.s32 $0x0;
	[tilespmem:$0x21B8] =	vst v0;
	s30 =	smulhi.u32 $0x2AAAAAAB, s0  }
0x303: {  	s22 =	simm.s32 $0x0;
	s2 =	sand.u32 $0x1, s2;
	s16 =	sshll.u32 s10, $0x6;
	[tilespmem:$0x21A8] =	vst v0  }
0x304: {  	s1 =	sshrl.u32 s30, $0x6;
	[tilespmem:$0x2198] =	vst v0;
	[dreg:$0x4] =	wrdreg s2;
	s2 =	smul.u32 $0x4E20, s2  }
0x305: {  	[tilespmem:$0x2178] =	vst v0;
	[sflag:s4] =	ssyncpa.u1 $0x0;
	v0 =	vimm.s32 $0xFFFFFFFF;
	s4 =	sadd.s32 $0x53600, s7;
	s6 =	smul.u32 $0x180, s1  }
.Ltmp0:
0x306: {  	[tilespmem:$0x6088] =	vst v0;
	[sflag:s31] =	ssyncpa.u1 $0x0;
	s2 =	sadd.s32 s2, s7;
	(pc) =	sbr.rel .LBB2_1-.Ltmp0, $4  }
0x307: {  	[sflag:s5] =	ssyncpa.u1 $0x0;
	p1 =	sne.s32 s0, s6;
	s0 =	simm.s32 $0x1  }
0x308: {  	s7 =	sadd.s32 $0xF21600, s7;
	[sflag:s12] =	ssyncpa.u1 $0x0;
	s0 =	simm.s32 @!p1 $0x0  }
0x309: {  	s14 =	sadd.s32 $0xA35800, s2;
	s15 =	sadd.s32 $0x53FC00, s2;
	s13 =	sadd.s32 s0, s1  }
0x30a: {  	v0 =	vlaneseq.u32;
	s21 =	smov.u32 s8;
	p1 =	por $0x1, $0x1;
	s17 =	sadd.s32 $0x1, s13  }
.LBB2_22:
0x30b: {  	s0 =	sshrl.u32 s0, $0x2  }
.LBB2_24:
0x30c: {  	_ =	swait.ge [sflag:s19], s0  }
0x30d: {  	s30 =	ssub.s32 $0x0, s0;
	v1 =	vmov s25;
	vm0 =	veq.s32 v0, $0x0;
	[sflag:s19] =	ssyncset.done $0x0  }
0x30e: {  	vm15 =	veq.s32 v0, $0x2;
	v1 =	vsel vm0, s31, v1;
	[sflag:s19] =	ssyncadd.s32 s30  }
0x30f: {  	v1 =	vsel vm15, s23, v1;
	[sflag:s19] =	ssyncpa.u1 $0x1  }
0x310: {  	[tilespmem:$0x6088] =	vst v1  }
.LBB2_25:
0x311: {  	s0 =	sadd.s32 $0x180, s21  }
0x312: {  	s1 =	smov.u32 s8;
	p3 =	slt.s32 s0, s9  }
0x313: {  	s1 =	smov.u32 @p3 s0;
	p3 =	sne.s32 s22, s17  }
.Ltmp1:
0x314: {  	_ = 	snop;
	(pc) =	sbr.rel @!p3 .LBB2_26-.Ltmp1, $4  }
0x315: {  	_ = 	snop  }
0x316: {  	s23 =	smov.u32 s20  }
0x317: {  	s31 =	sadd.s32 $0x1, s22;
	s20 =	smov.u32 s21;
	p1 =	por !p1, !p1  }
0x318: {  	p2 =	por !p2, !p2;
	s22 =	smov.u32 s31;
	s21 =	smov.u32 s1  }
.LBB2_1:
0x319: {  	p3 =	sge.u32 s22, s13  }
0x31a: {  	s0 =	smulhi.u32 @!p3 $0xAAAAAAAB, s22  }
0x31b: {  	s1 =	smov.u32 s21;
	p4 =	sgt.s32 @!p3 s21, $0x26F80  }
0x31c: {  	s2 =	sshra.s32 @!p3 s21, $0x1F;
	p4 =	por !p4, p3;
	s0 =	sshrl.u32 @!p3 s0, $0x1  }
0x31d: {  	s2 =	sand.u32 @!p3 s2, s21;
	s1 =	simm.s32 @p4 $0x26F80;
	s0 =	smul.u32 @!p3 $0x3, s0  }
0x31e: {  	s1 =	ssub.s32 @!p3 s1, s2  }
0x31f: {  	s1 =	sadd.s32 @!p3 $0xFFFD9080, s1;
	s0 =	ssub.s32 @!p3 s22, s0  }
0x320: {  	s2 =	sshll.u32 @!p3 s1, $0x2;
	p4 =	sgt.s32 @!p3 s1, $0x17F;
	s0 =	smul.u32 @!p3 $0x600, s0  }
0x321: {  	s5 =	sand.u32 @!p3 $0x7, s21;
	s1 =	ssub.s32 @!p3 $0x600, s2;
	p4 =	por !p4, p3  }
0x322: {  	s2 =	sshrl.u32 @!p3 s21, $0x3;
	s1 =	sshrl.u32 @!p3 s1, $0x2;
	s0 =	sshrl.u32 @!p3 s0, $0x2  }
0x323: {  	s2 =	sadd.s32 @!p3 s2, s14;
	s1 =	simm.s32 @!p4 $0x0;
	s0 =	sadd.s32 @!p3 $0x64C8, s0  }
0x324: {  	[tilespmem:s0], [sflag:$0xA] =	stream.linear.gather @!p3 [hbm4b:s2+s5], s1, $0x38;
	[tilespmem:$0x1EC48] =	vst v63  }
0x325: {  	s1 =	sadd.s32 $0xFFFFFFFF, s22  }
0x326: {  	p3 =	sge.u32 s1, s13  }
0x327: {  	p4 =	sgt.s32 @!p3 s20, $0x26F80  }
0x328: {  	s0 =	smov.u32 s20;
	s2 =	sshra.s32 @!p3 s20, $0x1F;
	p4 =	por !p4, p3  }
0x329: {  	s2 =	sand.u32 @!p3 s2, s20;
	s0 =	simm.s32 @p4 $0x26F80  }
0x32a: {  	s0 =	ssub.s32 @!p3 s0, s2  }
0x32b: {  	s0 =	sadd.s32 @!p3 $0xFFFD9080, s0  }
0x32c: {  	s2 =	sshll.u32 @!p3 s0, $0x2  }
0x32d: {  	p4 =	sgt.s32 @!p3 s0, $0x17F;
	s0 =	ssub.s32 @!p3 $0x600, s2  }
0x32e: {  	p4 =	por !p4, p3;
	s0 =	sshrl.u32 @!p3 s0, $0x2  }
0x32f: {  	s5 =	simm.s32 @!p3 $0xA;
	s2 =	sand.u32 @!p3 $0x1, s1;
	s0 =	simm.s32 @!p4 $0x0  }
0x330: {  	s2 =	smul.u32 @!p3 $0x600, s2;
	_ =	swait.ge @!p3 [sflag:s5], s0  }
0x331: {  	s6 =	ssub.s32 @!p3 $0x0, s0;
	[sflag:s5] =	ssyncset.done @!p3 $0x0  }
0x332: {  	s2 =	sshrl.u32 @!p3 s2, $0x2;
	[sflag:s5] =	ssyncadd.s32 @!p3 s6;
	s5 =	sshrl.u32 @!p3 s20, $0x3  }
0x333: {  	s2 =	sadd.s32 @!p3 $0x6948, s2;
	s6 =	sand.u32 @!p3 $0x7, s20;
	s5 =	sadd.s32 @!p3 s5, s15  }
0x334: {  	[tilespmem:s2], [sflag:$0xB] =	stream.linear.gather @!p3 [hbm4b:s5+s6], s0, $0x38;
	[tilespmem:$0x1EC48] =	vst v63  }
0x335: {  	s0 =	ssub.s32 @!p3 $0x27100, s20  }
0x336: {  	p4 =	slt.s32 @!p3 s0, $0x1  }
0x337: {  	p4 =	por p3, p4  }
.Ltmp2:
0x338: {  	_ = 	snop;
	(pc) =	sbr.rel @p4 .LBB2_7-.Ltmp2, $1  }
0x339: {  	_ =	sdelay $0x3  }
0x33a: {  	s2 =	smulhi.u32 $0xAAAAAAAB, s1;
	_ =	sdelay $0x1  }
0x33b: {  	s2 =	sshrl.u32 s2, $0x1  }
0x33c: {  	s2 =	smul.u32 $0x3, s2;
	_ =	sdelay $0x1  }
0x33d: {  	s29 =	ssub.s32 s1, s2  }
0x33e: {  	s5 =	simm.s32 $0x1;
	s1 =	smul.u32 $0x600, s29  }
.Ltmp3:
0x33f: {  	s5 =	simm.s32 @!p1 $0x0;
	(pc) =	sbr.rel .LBB2_4-.Ltmp3, $4  }
0x340: {  	s30 =	smul.u32 $0x30000, s5  }
0x341: {  	p4 =	slt.s32 @!p3 s0, $0x180;
	s1 =	sshrl.u32 s1, $0x2  }
0x342: {  	p3 =	por !p4, p3;
	s2 =	sshrl.u32 s30, $0x2;
	s31 =	sadd.s32 $0x64C8, s1  }
0x343: {  	s24 =	simm.s32 $0x0;
	s0 =	simm.s32 @p3 $0x180;
	s1 =	sadd.s32 $0x6C48, s2;
	v1 =	vmov s31  }
.LBB2_3:
0x344: {  	p3 =	sge.s32 s24, s0  }
.Ltmp4:
0x345: {  	_ = 	snop;
	(pc) =	sbr.rel @p3 .LBB2_7-.Ltmp4, $2  }
0x346: {  	_ =	sdelay $0x2  }
0x347: {  	s1 =	sadd.s32 $0x800, s1  }
.LBB2_4:
0x348: {  	p3 =	sle.s32 s0, s24  }
.Ltmp5:
0x349: {  	_ = 	snop;
	(pc) =	sbr.rel @p3 .LBB2_3-.Ltmp5, $2  }
0x34a: {  	_ =	sdelay $0x2  }
0x34b: {  	s2 =	smov.u32 s24;
	s24 =	sadd.s32 $0x10, s24  }
0x34c: {  	s5 =	ssub.s32 s0, s2  }
0x34d: {  	p3 =	slt.s32 s5, $0x10  }
0x34e: {  	s5 =	simm.s32 @!p3 $0x10  }
0x34f: {  	v2 =	vmov s5  }
0x350: {  	vm0 =	vgt.s32 v2, v0;
	_ =	sdelay $0x5  }
0x351: {  	v2 =	vld.idx.msk [tilespmem:v1+s2+$0x0 ss:$0x1], vm0;
	_ =	sdelay $0x2  }
0x352: {  	s6 =	smov.u32 s0;
	p3 =	slt.s32 s24, s0  }
0x353: {  	s25 =	simm.s32 $0x0;
	s6 =	smov.u32 @p3 s24;
	s5 =	smov.u32 s1  }
.LBB2_6:
0x354: {  	(v2sf) =	vpush v2, s25;
	_ =	sdelay $0xc  }
0x355: {  	s25 =	sadd.s32 $0x1, s25  }
0x356: {  	s31 =	sadd.s32 s25, s2  }
0x357: {  	p3 =	slt.s32 s31, s6;
	s10 =	spop (v2sf)  }
.Ltmp6:
0x358: {  	s10 =	sshll.u32 s10, $0x4;
	(pc) =	sbr.rel @p3 .LBB2_6-.Ltmp6, $4  }
0x359: {  	s10 =	sand.u32 $0x1FFFFFF0, s10  }
0x35a: {  	s10 =	sadd.s32 s7, s10  }
0x35b: {  	[tilespmem:s5], [sflag:$0x9] =	stream.linear.gather [hbm4b:s10+s18], $0x20, $0x38;
	[tilespmem:$0x1EC48] =	vst v63  }
0x35c: {  	s5 =	sadd.s32 $0x80, s5  }
.Ltmp7:
0x35d: {  	_ = 	snop;
	(pc) =	sbr.rel .LBB2_3-.Ltmp7, $1  }
0x35e: {  	_ =	sdelay $0x3  }
.LBB2_7:
0x35f: {  	p3 =	slt.u32 s22, $0x2  }
.Ltmp8:
0x360: {  	_ = 	snop;
	(pc) =	sbr.rel @p3 .LBB2_25-.Ltmp8, $1  }
0x361: {  	_ =	sdelay $0x3  }
0x362: {  	p3 =	sgt.s32 s23, $0x26F80  }
0x363: {  	s0 =	smov.u32 s23;
	s1 =	sshra.s32 s23, $0x1F;
	s2 =	ssub.s32 $0x27100, s23  }
0x364: {  	s0 =	simm.s32 @!p3 $0x26F80;
	s1 =	sand.u32 s1, s23;
	p3 =	slt.s32 s2, $0x180  }
0x365: {  	s0 =	ssub.s32 s0, s1;
	s2 =	simm.s32 @!p3 $0x180  }
0x366: {  	s0 =	sadd.s32 $0xFFFD9080, s0;
	s11 =	sshll.u32 s2, $0x5  }
0x367: {  	s26 =	simm.s32 $0x9;
	s24 =	sshll.u32 s0, $0x2;
	s1 =	sand.u32 $0x3FFFFFE0, s11  }
0x368: {  	p3 =	sgt.s32 s0, $0x17F;
	s25 =	ssub.s32 $0x600, s24;
	_ =	swait.ge [sflag:s26], s1  }
0x369: {  	s1 =	ssub.s32 $0x0, s1;
	[sflag:s26] =	ssyncset.done $0x0;
	s0 =	sshrl.u32 s25, $0x2  }
0x36a: {  	[sflag:s26] =	ssyncadd.s32 s1;
	s0 =	simm.s32 @p3 $0x0  }
0x36b: {  	_ =	swait.ge [sflag:s12], s0  }
0x36c: {  	s0 =	ssub.s32 $0x0, s0;
	[sflag:s12] =	ssyncset.done $0x0  }
0x36d: {  	[sflag:s12] =	ssyncadd.s32 s0  }
0x36e: {  	v1 =	vld [tilespmem:$0x6088];
	_ =	sdelay $0x4  }
0x36f: {  	(v2sf) =	vpush v1, $0x0  }
0x370: {  	(v2sf) =	vpush v1, $0x1  }
0x371: {  	(v2sf) =	vpush v1, $0x2;
	_ =	sdelay $0x3  }
0x372: {  	s0 =	sadd.s32 $0x180, s23  }
0x373: {  	s1 =	ssub.s32 $0x4E200, s23;
	p3 =	slt.s32 s9, s0  }
0x374: {  	s0 =	smov.u32 @p3 s9;
	p3 =	sgt.s32 s1, $0x0  }
0x375: {  	s28 =	ssub.s32 s0, s23;
	s1 =	simm.s32 @!p3 $0x0  }
0x376: {  	p3 =	slt.s32 s1, s28  }
0x377: {  	s28 =	smov.u32 @p3 s1  }
0x378: {  	s26 =	simm.s32 $0x1;
	p3 =	slt.s32 s28, $0x1  }
.Ltmp9:
0x379: {  	s26 =	simm.s32 @!p2 $0x0;
	(pc) =	sbr.rel @p3 .LBB2_12-.Ltmp9, $4  }
0x37a: {  	s30 =	smul.u32 $0x600, s26  }
0x37b: {  	s0 =	spop (v2sf)  }
0x37c: {  	s31 =	sshrl.u32 s30, $0x2;
	s29 =	spop (v2sf)  }
0x37d: {  	s24 =	sadd.s32 $0x6948, s31;
	s23 =	spop (v2sf)  }
0x37e: {  	s1 =	smin.u32 s28, $0x10  }
0x37f: {  	v1 =	vmov s1  }
0x380: {  	p4 =	sgt.s32 s28, $0x10;
	vm1 =	vgt.u32 v1, v0  }
.Ltmp10:
0x381: {  	_ = 	snop;
	(pc) =	sbr.rel @!p4 .LBB2_11-.Ltmp10, $2  }
0x382: {  	_ =	sdelay $0x2  }
0x383: {  	s2 =	simm.s32 $0x10;
	s25 =	sadd.s32 $0xFFFFFFF0, s28;
	s1 =	smov.u32 s24;
	vm0 =	vmmov vm1  }
.LBB2_10:
0x384: {  	s5 =	smin.u32 s25, $0x10;
	s2 =	sadd.s32 $0x10, s2;
	v1 =	vld.msk [tilespmem:s1+$0x0 ss:$0x1], vm1  }
0x385: {  	v2 =	vmov s5;
	p4 =	slt.s32 s2, s28  }
0x386: {  	vm1 =	vgt.u32 v2, v0  }
.Ltmp11:
0x387: {  	(pc) =	sbr.rel @p4 .LBB2_10-.Ltmp11, $3  }
0x388: {  	_ =	sdelay $0x1  }
0x389: {  	v1 =	vshll.u32 v1, $0x4  }
0x38a: {  	s25 =	sadd.s32 $0xFFFFFFF0, s25;
	[tilespmem:s1+$0x0] =	vst.msk vm0, v1;
	s1 =	sadd.s32 $0x10, s1;
	vm0 =	vmmov vm1  }
.LBB2_11:
0x38b: {  	_ =	sdelay $0x4  }
0x38c: {  	v1 =	vld.msk [tilespmem:s1+$0x0 ss:$0x1], vm1;
	_ =	sdelay $0x4  }
0x38d: {  	v1 =	vshll.u32 v1, $0x4  }
0x38e: {  	[tilespmem:s1+$0x0] =	vst.msk vm0, v1  }
.LBB2_12:
0x38f: {  	s1 =	sand.u32 $0x1, s22  }
0x390: {  	s1 =	smul.u32 $0x180, s1  }
0x391: {  	p4 =	sne.s32 s29, $0xFFFFFFFF  }
0x392: {  	v1 =	vld.msk @!p4 [tilespmem:s1+$0x6948], $0x1;
	_ =	sdelay $0x4  }
0x393: {  	(v2sf) =	vpush @!p4 v1, $0x0;
	_ =	sdelay $0xc  }
.Ltmp12:
0x394: {  	_ = 	snop;
	(pc) =	sbr.rel @p3 .LBB2_23-.Ltmp12, $4  }
0x395: {  	_ = 	snop  }
0x396: {  	s30 =	spop @!p4 (v2sf)  }
0x397: {  	s23 =	simm.s32 @!p4 $0x0;
	s25 =	smov.u32 s30  }
0x398: {  	[sflag:s19] =	ssyncpa.u1 $0x0;
	s30 =	smov.u32 @p4 s0;
	s25 =	smov.u32 @p4 s29  }
0x399: {  	v1 =	vld.msk [tilespmem:s24+$0x0], $0x1;
	_ =	sdelay $0x4  }
0x39a: {  	(v2sf) =	vpush v1, $0x0;
	_ =	sdelay $0xe  }
0x39b: {  	s0 =	smul.u32 $0x30000, s26;
	s1 =	spop (v2sf)  }
0x39c: {  	s28 =	ssub.s32 $0x0, s28;
	p3 =	seq.s32 s30, s1  }
0x39d: {  	s31 =	sadd.s32 $0x1, s28;
	s0 =	sshrl.u32 s0, $0x2;
	p4 =	sgt.s32 @!p3 s30, $0x0  }
0x39e: {  	s26 =	sadd.s32 $0x6C58, s0;
	s0 =	smov.u32 s30;
	p4 =	por !p4, p3  }
0x39f: {  	s0 =	simm.s32 @p4 $0x0;
	p4 =	seq.s32 s31, $0x0  }
.Ltmp13:
0x3a0: {  	_ = 	snop;
	(pc) =	sbr.rel @p4 .LBB2_15-.Ltmp13, $4  }
0x3a1: {  	_ = 	snop  }
0x3a2: {  	s29 =	simm.s32 $0x0;
	s2 =	simm.s32 @!p3 $0x1;
	s0 =	smin.u32 @!p3 s0, $0x277FC  }
0x3a3: {  	s6 =	simm.s32 @!p3 $0x3068;
	s2 =	smov.u32 @p3 s29;
	s10 =	sand.u32 @!p3 $0x3FFF8, s0  }
0x3a4: {  	s5 =	sand.u32 @!p3 $0x7, s0;
	s0 =	sadd.s32 $0x1, s24;
	s10 =	sadd.s32 @!p3 s4, s10  }
.LBB2_14:
0x3a5: {  	s11 =	smov.u32 s2  }
0x3a6: {  	[tilespmem:s6], [sflag:$0x2] =	stream.linear.gather @!p3 [hbm4b:s10+s5], $0x20, $0x38;
	[tilespmem:$0x1EC48] =	vst v63  }
0x3a7: {  	s31 =	sadd.s32 $0x1, s31;
	s5 =	smov.u32 s1;
	v1 =	vld.msk [tilespmem:s0+$0x0], $0x1  }
0x3a8: {  	p4 =	seq.s32 s31, $0x0;
	_ =	sdelay $0x3  }
0x3a9: {  	(v2sf) =	vpush v1, $0x0;
	_ =	sdelay $0xe  }
0x3aa: {  	s1 =	spop (v2sf)  }
0x3ab: {  	p3 =	seq.s32 s5, s1  }
0x3ac: {  	p5 =	sgt.s32 @!p3 s5, $0x0;
	s6 =	sshll.u32 @!p3 s2, $0x7;
	s2 =	sadd.s32 @!p3 $0x1, s2  }
.Ltmp14:
0x3ad: {  	p5 =	por !p5, p3;
	s6 =	sshra.s32 @!p3 s6, $0x2;
	(pc) =	sbr.rel @!p4 .LBB2_14-.Ltmp14, $4  }
0x3ae: {  	s2 =	smov.u32 @p3 s11;
	s5 =	simm.s32 @p5 $0x0;
	s6 =	sadd.s32 @!p3 $0x3068, s6  }
0x3af: {  	s5 =	smin.u32 @!p3 s5, $0x277FC  }
0x3b0: {  	s10 =	sand.u32 @!p3 $0x3FFF8, s5;
	s5 =	sand.u32 @!p3 $0x7, s5  }
0x3b1: {  	s0 =	sadd.s32 $0x1, s0;
	s10 =	sadd.s32 @!p3 s4, s10  }
.LBB2_15:
0x3b2: {  	[tilespmem:s6], [sflag:$0x2] =	stream.linear.gather @!p3 [hbm4b:s10+s5], $0x20, $0x38;
	[tilespmem:$0x1EC48] =	vst v63  }
.Ltmp15:
0x3b3: {  	s0 =	sshll.u32 s2, $0x5;
	(pc) =	sbr.rel .LBB2_16-.Ltmp15, $4  }
0x3b4: {  	s1 =	simm.s32 $0x2;
	s0 =	sand.u32 $0x3FFFFFE0, s0  }
0x3b5: {  	_ =	swait.ge [sflag:s1], s0  }
0x3b6: {  	s0 =	ssub.s32 $0x0, s0;
	[sflag:s1] =	ssyncset.done $0x0  }
0x3b7: {  	[sflag:s1] =	ssyncadd.s32 s0;
	s0 =	simm.s32 $0x0  }
.LBB2_17:
0x3b8: {  	v1 =	vld [tilespmem:s26+$0xFFFFFFF0];
	_ =	sdelay $0x4  }
0x3b9: {  	[tilespmem:s1+$0x48] =	vst.add.f32.msk $0xffff, v1  }
0x3ba: {  	v1 =	vld [tilespmem:s26+$0x0];
	_ =	sdelay $0x4  }
0x3bb: {  	[tilespmem:s1+$0x58] =	vst.add.f32.msk $0xffff, v1  }
.LBB2_21:
0x3bc: {  	s28 =	sadd.s32 $0x1, s28  }
0x3bd: {  	p3 =	seq.s32 s28, $0x0  }
.Ltmp16:
0x3be: {  	_ = 	snop;
	(pc) =	sbr.rel @p3 .LBB2_22-.Ltmp16, $2  }
0x3bf: {  	_ =	sdelay $0x2  }
0x3c0: {  	s26 =	sadd.s32 $0x80, s26;
	s24 =	sadd.s32 $0x1, s24;
	s30 =	smov.u32 s31  }
.LBB2_16:
0x3c1: {  	v1 =	vld.msk [tilespmem:s24+$0x0], $0x1;
	_ =	sdelay $0x4  }
0x3c2: {  	(v2sf) =	vpush v1, $0x0;
	_ =	sdelay $0xe  }
0x3c3: {  	s31 =	spop (v2sf)  }
0x3c4: {  	p3 =	sne.s32 s30, s31  }
.Ltmp17:
0x3c5: {  	_ = 	snop;
	(pc) =	sbr.rel @!p3 .LBB2_17-.Ltmp17, $3  }
0x3c6: {  	_ =	sdelay $0x1  }
0x3c7: {  	s1 =	sshll.u32 s23, $0x7  }
0x3c8: {  	s1 =	sshra.s32 s1, $0x2  }
0x3c9: {  	p3 =	seq.s32 s30, s25  }
.Ltmp18:
0x3ca: {  	_ = 	snop;
	(pc) =	sbr.rel @!p3 .LBB2_19-.Ltmp18, $1  }
0x3cb: {  	_ =	sdelay $0x3  }
.Ltmp19:
0x3cc: {  	s1 =	sadd.s32 $0x48, s1;
	(pc) =	sbr.rel .LBB2_20-.Ltmp19, $4  }
0x3cd: {  	[spmem:s16] =	stream.linear.scatter [tilespmem:s1], [sflag:$0x1], $0x20, $0x38;
	[tilespmem:$0x1EC48] =	vst v63  }
0x3ce: {  	_ =	swait.ge [sflag:s3], $0x20  }
0x3cf: {  	[sflag:s3] =	ssyncset.done $0x0  }
0x3d0: {  	[sflag:s3] =	ssyncadd.s32 $0xFFFFFFE0  }
.LBB2_19:
0x3d1: {  	s2 =	sshll.u32 s29, $0x7  }
0x3d2: {  	s2 =	sshra.s32 s2, $0x2  }
0x3d3: {  	v1 =	vld [tilespmem:s2+$0x3068];
	_ =	sdelay $0x4  }
0x3d4: {  	[tilespmem:s1+$0x48] =	vst.add.f32.msk $0xffff, v1  }
0x3d5: {  	v1 =	vld [tilespmem:s2+$0x3078];
	_ =	sdelay $0x2  }
0x3d6: {  	p3 =	sgt.u32 s30, $0x277FC  }
0x3d7: {  	s2 =	sand.u32 @!p3 $0x3FFF8, s30  }
0x3d8: {  	s5 =	sadd.s32 $0x48, s1;
	[tilespmem:s1+$0x58] =	vst.add.f32.msk $0xffff, v1;
	s1 =	sadd.s32 @!p3 s4, s2;
	s2 =	sand.u32 @!p3 $0x7, s30  }
0x3d9: {  	[hbm4b:s1+s2] =	stream.linear.scatter @!p3 [tilespmem:s5], [sflag:$0xC], $0x20, $0x38;
	[tilespmem:$0x1EC48] =	vst v63  }
0x3da: {  	s1 =	simm.s32 $0x0  }
0x3db: {  	s1 =	simm.s32 @!p3 $0x80  }
0x3dc: {  	s0 =	sadd.s32 s1, s0  }
.LBB2_20:
0x3dd: {  	s1 =	sadd.s32 $0x1, s23  }
0x3de: {  	s2 =	smulhi.u32 $0xAAAAAAAB, s1;
	_ =	sdelay $0x1  }
0x3df: {  	v1 =	vld [tilespmem:s26+$0xFFFFFFF0];
	s2 =	sshrl.u32 s2, $0x8  }
0x3e0: {  	s2 =	smul.u32 $0x180, s2;
	_ =	sdelay $0x1  }
0x3e1: {  	s23 =	ssub.s32 s1, s2  }
0x3e2: {  	s1 =	sshll.u32 s23, $0x5  }
0x3e3: {  	[tilespmem:s1+$0x48] =	vst v1  }
0x3e4: {  	v1 =	vld [tilespmem:s26+$0x0]  }
.Ltmp20:
0x3e5: {  	_ = 	snop;
	(pc) =	sbr.rel .LBB2_21-.Ltmp20, $2  }
0x3e6: {  	_ =	sdelay $0x2  }
0x3e7: {  	s29 =	sadd.s32 $0x1, s29;
	[tilespmem:s1+$0x58] =	vst v1  }
.LBB2_23:
.Ltmp21:
0x3e8: {  	(pc) =	sbr.rel .LBB2_24-.Ltmp21, $4  }
0x3e9: {  	_ = 	snop  }
0x3ea: {  	s0 =	simm.s32 $0x2  }
0x3eb: {  	_ =	swait.ge [sflag:s0], $0x0  }
0x3ec: {  	s31 =	smov.u32 s30;
	[sflag:s0] =	ssyncset.done $0x0;
	s0 =	simm.s32 $0x0  }
.LBB2_26:
0x3ed: {  	_ =	sfence.sel $0x180000  }
0x3ee: {  	s0 =	simm.s32 $0x9;
	[bflag:$0x0] =	sbarrier.arrive $0xFFFF  }
0x3ef: {  	s24 =	simm.s32 $0xA;
	[sflag:s0] =	ssyncpa.u1 $0x1  }
0x3f0: {  	s25 =	simm.s32 $0xB;
	[sflag:s24] =	ssyncpa.u1 $0x1  }
0x3f1: {  	s26 =	simm.s32 $0x2;
	[sflag:s25] =	ssyncpa.u1 $0x1  }
0x3f2: {  	[sflag:s26] =	ssyncpa.u1 $0x1  }
0x3f3: {  	v0 =	vld [tilespmem:$0x6088];
	_ =	sdelay $0x4  }
0x3f4: {  	(v2sf) =	vpush v0, $0x0  }
0x3f5: {  	(v2sf) =	vpush v0, $0x1;
	_ =	sdelay $0x1  }
0x3f6: {  	(v2sf) =	vpush v0, $0x2;
	_ =	sdelay $0xb  }
0x3f7: {  	s0 =	spop (v2sf)  }
0x3f8: {  	s1 =	spop (v2sf)  }
0x3f9: {  	s2 =	smov.u32 s0;
	p1 =	sne.s32 s0, s1  }
0x3fa: {  	s3 =	spop (v2sf);
	s2 =	simm.s32 @!p1 $0xFFFFFFFF  }
0x3fb: {  	v2 =	vimm.s32 $0x1;
	v3 =	vlaneseq.u32;
	p1 =	seq.s32 s3, $0xFFFFFFFF;
	v1 =	vmov s2  }
0x3fc: {  	s14 =	stileid.u32;
	v0 =	vperm.xlane v0, v2;
	p2 =	sne.s32 @!p1 s0, s1;
	v1 =	vperm.xlane v1, v3  }
0x3fd: {  	vm0 =	vcmask $0x3F04;
	s6 =	simm.s32 $0x6088;
	s0 =	simm.s32 @!p1 $0x1;
	p2 =	por !p2, p1  }
0x3fe: {  	s2 =	sshll.u32 s14, $0x1;
	s1 =	sshll.u32 @!p1 s3, $0x7;
	s0 =	simm.s32 @p2 $0x0;
	v0 =	vsel vm0, v1, v0  }
0x3ff: {  	s5 =	sor.u32 $0x400, s2;
	s1 =	sshra.s32 @!p1 s1, $0x2;
	s0 =	sor.u32 @!p1 s0, s2;
	[tilespmem:$0x6088] =	vst v0  }
0x400: {  	[spmem:s5] =	stream.linear.scatter [tilespmem:s6], [sflag:$0x1], $0x2, $0x38;
	[tilespmem:$0x1EC48] =	vst v63  }
0x401: {  	s1 =	sadd.s32 @!p1 $0x48, s1;
	s0 =	sshll.u32 @!p1 s0, $0x5  }
0x402: {  	[spmem:s0] =	stream.linear.scatter @!p1 [tilespmem:s1], [sflag:$0x1], $0x20, $0x38;
	[tilespmem:$0x1EC48] =	vst v63  }
0x403: {  	s0 =	simm.s32 @!p1 $0x22  }
0x404: {  	s28 =	simm.s32 $0x1;
	s0 =	simm.s32 @p1 $0x2  }
0x405: {  	_ =	swait.ge [sflag:s28], s0  }
0x406: {  	s0 =	ssub.s32 $0x0, s0;
	[sflag:s28] =	ssyncset.done $0x0  }
0x407: {  	[sflag:s28] =	ssyncadd.s32 s0  }
.Ltmp22:
0x408: {  	_ =	sfence.stream.spmem;
	(pc) =	sbr.rel @p0 .LBB2_43-.Ltmp22, $4  }
0x409: {  	s29 =	simm.s32 $0x3;
	[bflag:$0x0] =	sbarrier.arrive $0xFFFF  }
0x40a: {  	s30 =	simm.s32 $0x4;
	[sflag:s29] =	ssyncpa.u1 $0x1  }
0x40b: {  	s31 =	simm.s32 $0x3C;
	[sflag:s30] =	ssyncpa.u1 $0x1  }
0x40c: {  	s15 =	rddreg [dreg:$0x4];
	[sflag:s31] =	ssyncpa.u1 $0x1  }
0x40d: {  	_ =	sfence.stream.spmem;
	s0 =	simm.s32 $0x5  }
0x40e: {  	s1 =	simm.s32 $0x400;
	s2 =	simm.s32 $0x6098;
	[sflag:s0] =	ssyncpa.u1 $0x0  }
0x40f: {  	[tilespmem:s2], [sflag:$0x5] =	stream.linear.gather [spmem:s1], $0x20, $0x38;
	[tilespmem:$0x1EC48] =	vst v63  }
0x410: {  	s26 =	simm.s32 $0x0;
	s28 =	simm.s32 $0x60B8  }
0x411: {  	[tilespmem:s28], [sflag:$0x5] =	stream.linear.gather [spmem:s26], $0x400, $0x38;
	[tilespmem:$0x1EC48] =	vst v63  }
0x412: {  	_ =	swait.ge [sflag:s0], $0x420  }
0x413: {  	[sflag:s0] =	ssyncset.done $0x0  }
0x414: {  	s29 =	simm.s32 $0x0;
	[sflag:s0] =	ssyncadd.s32 $0xFFFFFBE0  }
0x415: {  	v0 =	vld.msk [tilespmem:s29+$0x6098], $0x1;
	_ =	sdelay $0x1  }
0x416: {  	s30 =	simm.s32 $0x1  }
0x417: {  	v1 =	vld.msk [tilespmem:s30+$0x6098], $0x1;
	_ =	sdelay $0x1  }
0x418: {  	(v2sf) =	vpush v0, $0x0;
	_ =	sdelay $0x2  }
0x419: {  	(v2sf) =	vpush v1, $0x0;
	_ =	sdelay $0x2  }
0x41a: {  	s31 =	simm.s32 $0x2  }
0x41b: {  	v0 =	vld.msk [tilespmem:s31+$0x6098], $0x1;
	_ =	sdelay $0x2  }
0x41c: {  	s1 =	simm.s32 $0xFFFFFFFF;
	s2 =	simm.s32 $0xFFFFFFFF;
	s0 =	simm.s32 $0xC  }
.LBB2_28:
0x41d: {  	s3 =	smov.u32 s2;
	s5 =	smov.u32 s1  }
0x41e: {  	s1 =	sshra.s32 s0, $0x2;
	p1 =	sne.s32 s0, $0x7C;
	s0 =	sadd.s32 $0x4, s0;
	(v2sf) =	vpush v0, $0x0  }
0x41f: {  	v0 =	vld.msk [tilespmem:s1+$0x6098], $0x1  }
.Ltmp23:
0x420: {  	(pc) =	sbr.rel @p1 .LBB2_28-.Ltmp23, $4  }
0x421: {  	s2 =	spop (v2sf)  }
0x422: {  	p2 =	sne.s32 s5, $0xFFFFFFFF;
	s1 =	smov.u32 s2  }
0x423: {  	p3 =	seq.s32 s2, $0xFFFFFFFF;
	s1 =	smov.u32 @p2 s5  }
0x424: {  	s2 =	smov.u32 @p3 s3;
	s1 =	smov.u32 @p3 s5  }
0x425: {  	(v2sf) =	vpush v0, $0x0;
	_ =	sdelay $0x8  }
0x426: {  	s0 =	spop (v2sf)  }
0x427: {  	p1 =	sne.s32 s1, $0xFFFFFFFF;
	s3 =	smov.u32 s0  }
0x428: {  	s9 =	simm.s32 $0x6;
	p2 =	seq.s32 s0, $0xFFFFFFFF;
	s3 =	smov.u32 @p1 s1  }
0x429: {  	s10 =	simm.s32 $0x6068;
	s3 =	smov.u32 @p2 s1;
	s1 =	spop (v2sf)  }
0x42a: {  	s0 =	smov.u32 @p2 s2;
	p1 =	sne.s32 s3, $0xFFFFFFFF;
	s5 =	smov.u32 s1  }
.Ltmp24:
0x42b: {  	p2 =	seq.s32 s1, $0xFFFFFFFF;
	s5 =	smov.u32 @p1 s3;
	(pc) =	sbr.rel .LBB2_30-.Ltmp24, $4  }
0x42c: {  	s11 =	simm.s32 $0x0;
	s5 =	smov.u32 @p2 s3;
	s7 =	spop (v2sf)  }
0x42d: {  	[sflag:s9] =	ssyncpa.u1 $0x0;
	p1 =	sne.s32 s5, $0xFFFFFFFF;
	s8 =	smov.u32 s7  }
0x42e: {  	s1 =	smov.u32 @p2 s0;
	p2 =	seq.s32 s7, $0xFFFFFFFF;
	s8 =	smov.u32 @p1 s5  }
0x42f: {  	s3 =	simm.s32 $0x0;
	s7 =	smov.u32 @p2 s1;
	s8 =	smov.u32 @p2 s5  }
.LBB2_36:
0x430: {  	p1 =	sgt.u32 s12, $0x277FC  }
0x431: {  	p2 =	seq.s32 @!p1 s12, s8  }
0x432: {  	p1 =	por p1, p2  }
0x433: {  	p2 =	sne.s32 @!p1 s12, s7  }
0x434: {  	p1 =	por p1, !p2  }
0x435: {  	s0 =	sshll.u32 @p1 s11, $0x7  }
0x436: {  	s0 =	sand.u32 @!p1 $0x3FFF8, s12  }
0x437: {  	s1 =	sand.u32 @!p1 $0x7, s12;
	s0 =	sadd.s32 @!p1 s4, s0  }
0x438: {  	[tilespmem:s10], [sflag:$0x6] =	stream.linear.gather @!p1 [hbm4b:s0+s1], $0x20, $0x38;
	[tilespmem:$0x1EC48] =	vst v63  }
0x439: {  	_ =	swait.ge @!p1 [sflag:s9], $0x20  }
0x43a: {  	[sflag:s9] =	ssyncset.done @!p1 $0x0  }
0x43b: {  	[sflag:s9] =	ssyncadd.s32 @!p1 $0xFFFFFFE0  }
0x43c: {  	v1 =	vld @!p1 [tilespmem:$0x6068];
	_ =	sdelay $0x2  }
0x43d: {  	s0 =	sshll.u32 @!p1 s11, $0x7  }
0x43e: {  	s1 =	sshrl.u32 @!p1 s0, $0x2  }
0x43f: {  	[tilespmem:s1+$0x60B8] =	vst.add.f32.msk @!p1 $0xffff, v1  }
0x440: {  	v1 =	vld @!p1 [tilespmem:$0x6078];
	_ =	sdelay $0x4  }
0x441: {  	[tilespmem:s1+$0x60C8] =	vst.add.f32.msk @!p1 $0xffff, v1  }
0x442: {  	s0 =	sshrl.u32 s0, $0x2;
	[tilespmem:s3+$0x6098] =	vst.msk $0x1, v0  }
0x443: {  	v0 =	vld [tilespmem:s0+$0x60B8];
	_ =	sdelay $0x2  }
0x444: {  	s31 =	sshll.u32 s3, $0x7  }
0x445: {  	s1 =	sshra.s32 s31, $0x2  }
0x446: {  	[tilespmem:s1+$0x60B8] =	vst v0  }
0x447: {  	v0 =	vld [tilespmem:s0+$0x60C8];
	_ =	sdelay $0x4  }
0x448: {  	s3 =	sadd.s32 $0x1, s3;
	[tilespmem:s1+$0x60C8] =	vst v0  }
.LBB2_37:
0x449: {  	s11 =	sadd.s32 $0x1, s11  }
0x44a: {  	p1 =	sne.s32 s11, $0x20  }
.Ltmp25:
0x44b: {  	_ = 	snop;
	(pc) =	sbr.rel @!p1 .LBB2_38-.Ltmp25, $1  }
0x44c: {  	_ =	sdelay $0x3  }
.LBB2_30:
0x44d: {  	v0 =	vld.msk [tilespmem:s11+$0x6098], $0x1;
	_ =	sdelay $0x4  }
0x44e: {  	(v2sf) =	vpush v0, $0x0;
	_ =	sdelay $0xe  }
0x44f: {  	s12 =	spop (v2sf)  }
0x450: {  	p1 =	seq.s32 s12, $0xFFFFFFFF  }
.Ltmp26:
0x451: {  	_ = 	snop;
	(pc) =	sbr.rel @p1 .LBB2_37-.Ltmp26, $1  }
0x452: {  	_ =	sdelay $0x3  }
0x453: {  	p1 =	slt.s32 s3, $0x1  }
.Ltmp27:
0x454: {  	_ = 	snop;
	(pc) =	sbr.rel @p1 .LBB2_36-.Ltmp27, $1  }
0x455: {  	_ =	sdelay $0x3  }
0x456: {  	s0 =	simm.s32 $0x6098;
	p1 =	por $0x0, $0x0  }
0x457: {  	v1 =	vld.msk @!p1 [tilespmem:s0+$0x0], $0x1;
	_ =	sdelay $0x4  }
0x458: {  	(v2sf) =	vpush @!p1 v1, $0x0;
	_ =	sdelay $0xd  }
0x459: {  	p3 =	sne.s32 s3, $0x1  }
.Ltmp28:
0x45a: {  	s1 =	spop @!p1 (v2sf);
	(pc) =	sbr.rel @!p3 .LBB2_34-.Ltmp28, $4  }
0x45b: {  	p2 =	seq.s32 @!p1 s12, s1  }
0x45c: {  	s13 =	simm.s32 $0x0;
	p2 =	por !p2, p1  }
0x45d: {  	s2 =	simm.s32 $0xFFFFFFFF;
	s13 =	simm.s32 @p2 $0xFFFFFFFF  }
0x45e: {  	s1 =	simm.s32 $0x1;
	s13 =	smov.u32 @p1 s2  }
.LBB2_33:
0x45f: {  	s2 =	smov.u32 s13;
	p1 =	sne.s32 s13, $0xFFFFFFFF  }
0x460: {  	s0 =	sadd.s32 $0x1, s0;
	s13 =	smov.u32 s1;
	s1 =	sadd.s32 $0x1, s1  }
0x461: {  	p2 =	sne.s32 s3, s1;
	v1 =	vld.msk @!p1 [tilespmem:s0+$0x0], $0x1;
	_ =	sdelay $0x4  }
0x462: {  	(v2sf) =	vpush @!p1 v1, $0x0;
	_ =	sdelay $0xe  }
.Ltmp29:
0x463: {  	s5 =	spop @!p1 (v2sf);
	(pc) =	sbr.rel @p2 .LBB2_33-.Ltmp29, $4  }
0x464: {  	p3 =	seq.s32 @!p1 s12, s5  }
0x465: {  	p3 =	por !p3, p1  }
0x466: {  	s13 =	simm.s32 @p3 $0xFFFFFFFF  }
0x467: {  	s13 =	smov.u32 @p1 s2  }
.LBB2_34:
0x468: {  	p1 =	seq.s32 s13, $0xFFFFFFFF  }
.Ltmp30:
0x469: {  	_ = 	snop;
	(pc) =	sbr.rel @p1 .LBB2_36-.Ltmp30, $1  }
0x46a: {  	_ =	sdelay $0x3  }
0x46b: {  	s0 =	sshll.u32 s11, $0x5  }
0x46c: {  	s0 =	sand.u32 $0x3FFFFFE0, s0  }
0x46d: {  	v0 =	vld [tilespmem:s0+$0x60B8];
	_ =	sdelay $0x2  }
0x46e: {  	s1 =	sshll.u32 s13, $0x7  }
0x46f: {  	s1 =	sshra.s32 s1, $0x2  }
0x470: {  	[tilespmem:s1+$0x60B8] =	vst.add.f32.msk $0xffff, v0  }
0x471: {  	v0 =	vld [tilespmem:s0+$0x60C8]  }
.Ltmp31:
0x472: {  	_ = 	snop;
	(pc) =	sbr.rel .LBB2_37-.Ltmp31, $2  }
0x473: {  	_ =	sdelay $0x2  }
0x474: {  	[tilespmem:s1+$0x60C8] =	vst.add.f32.msk $0xffff, v0  }
.LBB2_38:
0x475: {  	s0 =	simm.s32 $0x6;
	p1 =	seq.s32 s3, $0x0  }
0x476: {  	[sflag:s0] =	ssyncpa.u1 $0x1;
	v0 =	vimm.s32 @p1 $0xFFFFFFFF  }
0x477: {  	s9 =	sadd.s32 $0xFFFFFFFF, s3;
	[tilespmem:$0x64B8] =	vst @p1 v0  }
0x478: {  	v0 =	vld.msk @!p1 [tilespmem:s9+$0x6098], $0x1;
	_ =	sdelay $0x1  }
0x479: {  	v1 =	vld.msk @!p1 [tilespmem:$0x6098], $0x1;
	_ =	sdelay $0x2  }
0x47a: {  	p2 =	seq.s32 @!p1 s9, $0x0;
	v0 =	vbroadcast @!p1 v0, $0x0  }
0x47b: {  	vm0 =	vmmov @!p1 $0x1;
	p2 =	por !p2, p1  }
0x47c: {  	v1 =	vnsel @!p1 vm0, $0xFFFFFFFF, v1;
	vm0 =	vcmask @!p1 $0x308;
	v0 =	vpsel !p2, $0xFFFFFFFF, v0  }
0x47d: {  	p2 =	sne.s32 @!p1 s8, s7;
	v0 =	vsel @!p1 vm0, v1, v0  }
0x47e: {  	s0 =	simm.s32 @!p1 $0x60B8;
	s1 =	simm.s32 @!p1 $0x0;
	p3 =	por !p2, p1;
	[tilespmem:$0x64B8] =	vst @!p1 v0  }
0x47f: {  	[spmem:s1] =	stream.linear.scatter @!p1 [tilespmem:s0], [sflag:$0x1], $0x20, $0x38;
	[tilespmem:$0x1EC48] =	vst v63  }
0x480: {  	s0 =	sshll.u32 @!p3 s9, $0x7  }
0x481: {  	s0 =	sshra.s32 @!p3 s0, $0x2  }
0x482: {  	s1 =	simm.s32 @!p3 $0x20;
	s0 =	sadd.s32 @!p3 $0x60B8, s0  }
0x483: {  	[spmem:s1] =	stream.linear.scatter @!p3 [tilespmem:s0], [sflag:$0x1], $0x20, $0x38;
	[tilespmem:$0x1EC48] =	vst v63  }
0x484: {  	s0 =	simm.s32 @!p3 $0x1  }
0x485: {  	_ =	swait.ge @!p3 [sflag:s0], $0x40  }
0x486: {  	p1 =	por p2, p1;
	[sflag:s0] =	ssyncset.done @!p3 $0x0  }
0x487: {  	[sflag:s0] =	ssyncadd.s32 @!p3 $0xFFFFFFC0;
	s0 =	simm.s32 @!p1 $0x1  }
0x488: {  	_ =	swait.ge @!p1 [sflag:s0], $0x20  }
0x489: {  	s29 =	simm.s32 $0x64B8;
	[sflag:s0] =	ssyncset.done @!p1 $0x0  }
0x48a: {  	s30 =	simm.s32 $0x400;
	s31 =	simm.s32 $0x1;
	[sflag:s0] =	ssyncadd.s32 @!p1 $0xFFFFFFE0  }
0x48b: {  	[spmem:s30] =	stream.linear.scatter [tilespmem:s29], [sflag:$0x1], $0x10, $0x38;
	[tilespmem:$0x1EC48] =	vst v63  }
0x48c: {  	_ =	swait.ge [sflag:s31], $0x10  }
0x48d: {  	[sflag:s31] =	ssyncset.done $0x0  }
0x48e: {  	p1 =	seq.s32 s15, $0x0;
	s8 =	rddreg [dreg:$0x1];
	[sflag:s31] =	ssyncadd.s32 $0xFFFFFFF0  }
0x48f: {  	s1 =	sshll.u32 @p1 s8, $0xE;
	s7 =	rddreg [dreg:$0x2]  }
0x490: {  	s0 =	sadd.s32 @p1 $0x15C3C, s1;
	s1 =	sshll.u32 @p1 s7, $0x11  }
0x491: {  	_ =	sfence.stream.spmem;
	s0 =	sor.u32 @p1 s1, s0  }
0x492: {  	[sflag:s0] =	ssyncadd.remote.s32 @p1 $0x1;
	s0 =	simm.s32 @p1 $0x4  }
0x493: {  	s2 =	simm.s32 @!p1 $0x3C;
	s1 =	sand.u32 $0xFFFFFFFE, s8;
	_ =	swait.ge @p1 [sflag:s0], $0xA  }
0x494: {  	s5 =	simm.s32 @!p1 $0x0;
	s1 =	sadd.s32 @!p1 $0x4, s1;
	[sflag:s0] =	ssyncset.done @p1 $0x0  }
0x495: {  	s6 =	simm.s32 @!p1 $0x40;
	[sflag:s0] =	ssyncadd.s32 @p1 $0xFFFFFFF6;
	s0 =	sshll.u32 @!p1 s1, $0x1A  }
0x496: {  	s1 =	sshll.u32 @!p1 s1, $0xD;
	s0 =	sor.u32 @!p1 s0, s7;
	_ =	swait.eq @!p1 [sflag:s2], $0x1  }
0x497: {  	s1 =	sor.u32 @!p1 $0x1C04, s1;
	s2 =	simm.s32 @!p1 $0x1C03;
	s0 =	sor.u32 @!p1 $0x80004000, s0  }
0x498: {  	[spmem:s6], [sflag:s1] =	dma.general @!p1 [spmem:s5], [sflag:s2], length:$0x8, [dreg:$0x0], stride_count:$0x0, ici_dest:s0, dma_misc:DstOpCode:WRITE  }
0x499: {  	p2 =	slt.s32 s9, $0x2;
	s5 =	simm.s32 @!p1 $0x80;
	s6 =	simm.s32 @!p1 $0x82  }
0x49a: {  	[spmem:s6], [sflag:s1] =	dma.general @!p1 [spmem:s5], [sflag:s2], length:$0x2, [dreg:$0x0], stride_count:$0x0, ici_dest:s0, dma_misc:DstOpCode:WRITE  }
.Ltmp32:
0x49b: {  	s0 =	simm.s32 @!p1 $0x3;
	(pc) =	sbr.rel @p2 .LBB2_42-.Ltmp32, $4  }
0x49c: {  	s1 =	sshll.u32 @!p1 s8, $0xE;
	_ =	swait.ge @!p1 [sflag:s0], $0xA  }
0x49d: {  	s2 =	sshll.u32 @!p1 s7, $0x11;
	s1 =	sadd.s32 @!p1 $0x11C3C, s1;
	[sflag:s0] =	ssyncset.done @!p1 $0x0  }
0x49e: {  	[sflag:s0] =	ssyncadd.s32 @!p1 $0xFFFFFFF6;
	s0 =	sor.u32 @!p1 s2, s1  }
0x49f: {  	[sflag:s0] =	ssyncadd.remote.s32 @!p1 $0xFFFFFFFF;
	s0 =	simm.s32 $0x0  }
0x4a0: {  	s0 =	simm.s32 $0x6099  }
0x4a1: {  	v0 =	vld.msk [tilespmem:s0+$0x0], $0x1;
	_ =	sdelay $0x4  }
0x4a2: {  	(v2sf) =	vpush v0, $0x0;
	_ =	sdelay $0xc  }
0x4a3: {  	s1 =	sadd.s32 $0xFFFFFFFE, s3  }
0x4a4: {  	s1 =	sadd.s32 $0xFFFFFFFF, s1  }
0x4a5: {  	p2 =	sne.s32 s1, $0x0;
	s2 =	spop (v2sf)  }
.Ltmp33:
0x4a6: {  	p1 =	sgt.u32 s2, $0x277FC;
	(pc) =	sbr.rel @!p2 .LBB2_41-.Ltmp33, $4  }
0x4a7: {  	s6 =	simm.s32 $0x0;
	s3 =	sand.u32 @!p1 $0x3FFF8, s2  }
0x4a8: {  	s0 =	simm.s32 $0x60D8;
	s2 =	sand.u32 @!p1 $0x7, s2;
	s3 =	sadd.s32 @!p1 s4, s3  }
0x4a9: {  	[hbm4b:s3+s2] =	stream.linear.scatter @!p1 [tilespmem:s0], [sflag:$0x5], $0x20, $0x38;
	[tilespmem:$0x1EC48] =	vst v63  }
0x4aa: {  	s6 =	simm.s32 @!p1 $0x80;
	s2 =	simm.s32 $0x0;
	s3 =	simm.s32 $0x609A  }
.LBB2_40:
0x4ab: {  	v0 =	vld.msk [tilespmem:s3+$0x0], $0x1;
	s1 =	sadd.s32 $0xFFFFFFFF, s1;
	s2 =	sadd.s32 s2, s6  }
0x4ac: {  	p1 =	sne.s32 s1, $0x0;
	_ =	sdelay $0x3  }
0x4ad: {  	(v2sf) =	vpush v0, $0x0;
	_ =	sdelay $0xe  }
.Ltmp34:
0x4ae: {  	s5 =	spop (v2sf);
	(pc) =	sbr.rel @p1 .LBB2_40-.Ltmp34, $4  }
0x4af: {  	s6 =	simm.s32 $0x0;
	p2 =	sgt.u32 s5, $0x277FC  }
0x4b0: {  	s0 =	sadd.s32 $0x20, s0;
	s6 =	simm.s32 @!p2 $0x80;
	s7 =	sand.u32 @!p2 $0x3FFF8, s5  }
0x4b1: {  	s3 =	sadd.s32 $0x1, s3;
	s5 =	sand.u32 @!p2 $0x7, s5;
	s7 =	sadd.s32 @!p2 s4, s7  }
0x4b2: {  	[hbm4b:s7+s5] =	stream.linear.scatter @!p2 [tilespmem:s0], [sflag:$0x5], $0x20, $0x38;
	[tilespmem:$0x1EC48] =	vst v63  }
.LBB2_41:
0x4b3: {  	s0 =	sadd.s32 s2, s6  }
0x4b4: {  	s0 =	sshrl.u32 s0, $0x2  }
.LBB2_42:
0x4b5: {  	s1 =	simm.s32 $0x5  }
0x4b6: {  	_ =	swait.ge [sflag:s1], s0  }
0x4b7: {  	s31 =	ssub.s32 $0x0, s0;
	[sflag:s1] =	ssyncset.done $0x0  }
0x4b8: {  	[sflag:s1] =	ssyncadd.s32 s31  }
0x4b9: {  	[sflag:s1] =	ssyncpa.u1 $0x1  }
.LBB2_43:
0x4ba: {  	s0 =	sor.u32 s15, s14  }
0x4bb: {  	p1 =	sne.s32 s0, $0x0  }
.Ltmp35:
0x4bc: {  	_ = 	snop;
	(pc) =	sbr.rel @p1 .LBB2_58-.Ltmp35, $3  }
0x4bd: {  	_ =	sdelay $0x1  }
0x4be: {  	[bflag:$0x0] =	sbarrier.arrive $0xFFFF  }
0x4bf: {  	_ =	sfence  }
0x4c0: {  	s0 =	simm.s32 $0x7  }
0x4c1: {  	s1 =	simm.s32 $0x400;
	s2 =	simm.s32 $0x6098;
	[sflag:s0] =	ssyncpa.u1 $0x0  }
0x4c2: {  	[tilespmem:s2], [sflag:$0x7] =	stream.linear.gather [spmem:s1], $0x20, $0x38;
	[tilespmem:$0x1EC48] =	vst v63  }
0x4c3: {  	s30 =	simm.s32 $0x60B8;
	s1 =	simm.s32 $0x0  }
0x4c4: {  	[tilespmem:s30], [sflag:$0x7] =	stream.linear.gather [spmem:s1], $0x400, $0x38;
	[tilespmem:$0x1EC48] =	vst v63  }
.Ltmp36:
0x4c5: {  	_ = 	snop;
	(pc) =	sbr.rel .LBB2_45-.Ltmp36, $4  }
0x4c6: {  	_ =	swait.ge [sflag:s0], $0x420  }
0x4c7: {  	[sflag:s0] =	ssyncset.done $0x0  }
0x4c8: {  	s31 =	simm.s32 $0x8;
	[sflag:s0] =	ssyncadd.s32 $0xFFFFFBE0  }
0x4c9: {  	s2 =	simm.s32 $0x0;
	[sflag:s31] =	ssyncpa.u1 $0x0  }
.LBB2_51:
0x4ca: {  	p1 =	slt.u32 s3, $0x277FD  }
0x4cb: {  	s0 =	sand.u32 @p1 $0x3FFF8, s3  }
0x4cc: {  	s3 =	sand.u32 @p1 $0x7, s3;
	s5 =	simm.s32 @p1 $0x6068;
	s0 =	sadd.s32 @p1 s4, s0  }
0x4cd: {  	[tilespmem:s5], [sflag:$0x8] =	stream.linear.gather @p1 [hbm4b:s0+s3], $0x20, $0x38;
	[tilespmem:$0x1EC48] =	vst v63  }
0x4ce: {  	s0 =	simm.s32 @p1 $0x8  }
0x4cf: {  	_ =	swait.ge @p1 [sflag:s0], $0x20  }
0x4d0: {  	[sflag:s0] =	ssyncset.done @p1 $0x0  }
0x4d1: {  	[sflag:s0] =	ssyncadd.s32 @p1 $0xFFFFFFE0  }
0x4d2: {  	v1 =	vld @p1 [tilespmem:$0x6068];
	_ =	sdelay $0x2  }
0x4d3: {  	s0 =	sshll.u32 @p1 s2, $0x7  }
0x4d4: {  	s3 =	sshrl.u32 @p1 s0, $0x2  }
0x4d5: {  	[tilespmem:s3+$0x60B8] =	vst.add.f32.msk @p1 $0xffff, v1  }
0x4d6: {  	v1 =	vld @p1 [tilespmem:$0x6078];
	_ =	sdelay $0x3  }
0x4d7: {  	s5 =	sshll.u32 @!p1 s2, $0x7  }
0x4d8: {  	s5 =	smov.u32 @p1 s0;
	[tilespmem:s3+$0x60C8] =	vst.add.f32.msk @p1 $0xffff, v1  }
0x4d9: {  	s0 =	sshrl.u32 s5, $0x2;
	[tilespmem:s1+$0x6098] =	vst.msk $0x1, v0  }
0x4da: {  	v0 =	vld [tilespmem:s0+$0x60B8];
	_ =	sdelay $0x2  }
0x4db: {  	s31 =	sshll.u32 s1, $0x7  }
0x4dc: {  	s3 =	sshra.s32 s31, $0x2  }
0x4dd: {  	[tilespmem:s3+$0x60B8] =	vst v0  }
0x4de: {  	v0 =	vld [tilespmem:s0+$0x60C8];
	_ =	sdelay $0x4  }
0x4df: {  	s1 =	sadd.s32 $0x1, s1;
	[tilespmem:s3+$0x60C8] =	vst v0  }
.LBB2_52:
0x4e0: {  	s2 =	sadd.s32 $0x1, s2  }
0x4e1: {  	p1 =	sne.s32 s2, $0x20  }
.Ltmp37:
0x4e2: {  	_ = 	snop;
	(pc) =	sbr.rel @!p1 .LBB2_53-.Ltmp37, $1  }
0x4e3: {  	_ =	sdelay $0x3  }
.LBB2_45:
0x4e4: {  	v0 =	vld.msk [tilespmem:s2+$0x6098], $0x1;
	_ =	sdelay $0x4  }
0x4e5: {  	(v2sf) =	vpush v0, $0x0;
	_ =	sdelay $0xe  }
0x4e6: {  	s3 =	spop (v2sf)  }
0x4e7: {  	p1 =	seq.s32 s3, $0xFFFFFFFF  }
.Ltmp38:
0x4e8: {  	_ = 	snop;
	(pc) =	sbr.rel @p1 .LBB2_52-.Ltmp38, $1  }
0x4e9: {  	_ =	sdelay $0x3  }
0x4ea: {  	p1 =	slt.s32 s1, $0x1  }
.Ltmp39:
0x4eb: {  	_ = 	snop;
	(pc) =	sbr.rel @p1 .LBB2_51-.Ltmp39, $1  }
0x4ec: {  	_ =	sdelay $0x3  }
0x4ed: {  	s0 =	simm.s32 $0x6098;
	p1 =	por $0x0, $0x0  }
0x4ee: {  	v1 =	vld.msk @!p1 [tilespmem:s0+$0x0], $0x1;
	_ =	sdelay $0x4  }
0x4ef: {  	(v2sf) =	vpush @!p1 v1, $0x0;
	_ =	sdelay $0xd  }
0x4f0: {  	p3 =	sne.s32 s1, $0x1  }
.Ltmp40:
0x4f1: {  	s5 =	spop @!p1 (v2sf);
	(pc) =	sbr.rel @!p3 .LBB2_49-.Ltmp40, $4  }
0x4f2: {  	p2 =	seq.s32 @!p1 s3, s5  }
0x4f3: {  	s5 =	simm.s32 $0x0;
	p2 =	por !p2, p1  }
0x4f4: {  	s7 =	simm.s32 $0xFFFFFFFF;
	s5 =	simm.s32 @p2 $0xFFFFFFFF  }
0x4f5: {  	s6 =	simm.s32 $0x1;
	s5 =	smov.u32 @p1 s7  }
.LBB2_48:
0x4f6: {  	s7 =	smov.u32 s5;
	p1 =	sne.s32 s5, $0xFFFFFFFF  }
0x4f7: {  	s0 =	sadd.s32 $0x1, s0;
	s5 =	smov.u32 s6;
	s6 =	sadd.s32 $0x1, s6  }
0x4f8: {  	p2 =	sne.s32 s1, s6;
	v1 =	vld.msk @!p1 [tilespmem:s0+$0x0], $0x1;
	_ =	sdelay $0x4  }
0x4f9: {  	(v2sf) =	vpush @!p1 v1, $0x0;
	_ =	sdelay $0xe  }
.Ltmp41:
0x4fa: {  	s8 =	spop @!p1 (v2sf);
	(pc) =	sbr.rel @p2 .LBB2_48-.Ltmp41, $4  }
0x4fb: {  	p3 =	seq.s32 @!p1 s3, s8  }
0x4fc: {  	p3 =	por !p3, p1  }
0x4fd: {  	s5 =	simm.s32 @p3 $0xFFFFFFFF  }
0x4fe: {  	s5 =	smov.u32 @p1 s7  }
.LBB2_49:
0x4ff: {  	p1 =	seq.s32 s5, $0xFFFFFFFF  }
.Ltmp42:
0x500: {  	_ = 	snop;
	(pc) =	sbr.rel @p1 .LBB2_51-.Ltmp42, $1  }
0x501: {  	_ =	sdelay $0x3  }
0x502: {  	s0 =	sshll.u32 s2, $0x5  }
0x503: {  	s0 =	sand.u32 $0x3FFFFFE0, s0  }
0x504: {  	v0 =	vld [tilespmem:s0+$0x60B8];
	_ =	sdelay $0x2  }
0x505: {  	s3 =	sshll.u32 s5, $0x7  }
0x506: {  	s3 =	sshra.s32 s3, $0x2  }
0x507: {  	[tilespmem:s3+$0x60B8] =	vst.add.f32.msk $0xffff, v0  }
0x508: {  	v0 =	vld [tilespmem:s0+$0x60C8]  }
.Ltmp43:
0x509: {  	_ = 	snop;
	(pc) =	sbr.rel .LBB2_52-.Ltmp43, $2  }
0x50a: {  	_ =	sdelay $0x2  }
0x50b: {  	[tilespmem:s3+$0x60C8] =	vst.add.f32.msk $0xffff, v0  }
.LBB2_53:
0x50c: {  	p1 =	slt.s32 s1, $0x1  }
.Ltmp44:
0x50d: {  	_ = 	snop;
	(pc) =	sbr.rel @p1 .LBB2_57-.Ltmp44, $3  }
0x50e: {  	_ =	sdelay $0x1  }
0x50f: {  	s0 =	simm.s32 $0x8  }
0x510: {  	s2 =	simm.s32 $0x0;
	[sflag:s0] =	ssyncpa.u1 $0x1  }
0x511: {  	s0 =	simm.s32 $0x6098  }
0x512: {  	v0 =	vld.msk [tilespmem:s0+$0x0], $0x1;
	_ =	sdelay $0x4  }
0x513: {  	(v2sf) =	vpush v0, $0x0;
	_ =	sdelay $0xe  }
0x514: {  	s1 =	sadd.s32 $0xFFFFFFFF, s1;
	s3 =	spop (v2sf)  }
0x515: {  	p2 =	sne.s32 s1, $0x0;
	p1 =	sgt.u32 s3, $0x277FC  }
.Ltmp45:
0x516: {  	s5 =	sand.u32 @!p1 $0x3FFF8, s3;
	(pc) =	sbr.rel @!p2 .LBB2_56-.Ltmp45, $4  }
0x517: {  	s0 =	simm.s32 $0x60B8;
	s3 =	sand.u32 @!p1 $0x7, s3;
	s5 =	sadd.s32 @!p1 s4, s5  }
0x518: {  	[hbm4b:s5+s3] =	stream.linear.scatter @!p1 [tilespmem:s0], [sflag:$0x7], $0x20, $0x38;
	[tilespmem:$0x1EC48] =	vst v63  }
0x519: {  	s5 =	simm.s32 $0x0  }
0x51a: {  	s3 =	simm.s32 $0x6099;
	s5 =	simm.s32 @!p1 $0x80  }
.LBB2_55:
0x51b: {  	v0 =	vld.msk [tilespmem:s3+$0x0], $0x1;
	s1 =	sadd.s32 $0xFFFFFFFF, s1;
	s2 =	sadd.s32 s2, s5  }
0x51c: {  	p1 =	sne.s32 s1, $0x0;
	_ =	sdelay $0x3  }
0x51d: {  	(v2sf) =	vpush v0, $0x0;
	_ =	sdelay $0xe  }
.Ltmp46:
0x51e: {  	s6 =	spop (v2sf);
	(pc) =	sbr.rel @p1 .LBB2_55-.Ltmp46, $4  }
0x51f: {  	s5 =	simm.s32 $0x0;
	p2 =	sgt.u32 s6, $0x277FC  }
0x520: {  	s0 =	sadd.s32 $0x20, s0;
	s5 =	simm.s32 @!p2 $0x80;
	s7 =	sand.u32 @!p2 $0x3FFF8, s6  }
0x521: {  	s3 =	sadd.s32 $0x1, s3;
	s6 =	sand.u32 @!p2 $0x7, s6;
	s7 =	sadd.s32 @!p2 s4, s7  }
0x522: {  	[hbm4b:s7+s6] =	stream.linear.scatter @!p2 [tilespmem:s0], [sflag:$0x7], $0x20, $0x38;
	[tilespmem:$0x1EC48] =	vst v63  }
.LBB2_56:
0x523: {  	s0 =	sadd.s32 s2, s5  }
0x524: {  	s2 =	sshrl.u32 s0, $0x2  }
.LBB2_57:
0x525: {  	s0 =	simm.s32 $0x7  }
0x526: {  	_ =	swait.ge [sflag:s0], s2  }
0x527: {  	s1 =	ssub.s32 $0x0, s2;
	[sflag:s0] =	ssyncset.done $0x0  }
0x528: {  	[sflag:s0] =	ssyncadd.s32 s1  }
0x529: {  	[sflag:s0] =	ssyncpa.u1 $0x1  }
.LBB2_58:
0x52a: {  	_ =	sfence;
	s0 =	simm.s32 $0x1  }
0x52b: {  	[sflag:s0] =	ssyncpa.u1 $0x1  }
0x52c: {  	_ =	strace $0x9000004A  }
0x52d: {  	[bflag:$0x2] =	sbarrier.arrive $0xFFFF  }
0x52e: {  	s0 =	rddreg [dreg:$0x3]  }
0x52f: {  	s0 =	sadd.s32 @!p0 $0x100000, s0  }
0x530: {  	[sflag:s0] =	ssyncadd.tile.s32 @!p0 $0x1;
	_ =	shalt  }
.Lfunc_end2:
_tile_overlayer_lowered:
.L_overlay_start_2:
0x531: {  	(tag) =	ssettag $0x2  }
0x532: {  	s0 =	rddreg [dreg:$0x0];
	s2 =	stileid.u32  }
0x533: {  	s1 =	rddreg [dreg:$0x1];
	p0 =	sne.s32 s2, $0x0  }
0x534: {  	s3 =	rddreg [dreg:$0x2];
	[bflag:$0x3] =	sbarrier.arrive $0xFFFF;
	s2 =	simm.s32 @!p0 $0x1C01  }
0x535: {  	[timem:s3], [sflag:s2] =	dma.local @!p0 [hbm:s0], s1  }
0x536: {  	s0 =	simm.s32 @!p0 $0x1  }
0x537: {  	_ =	swait.ge @!p0 [sflag:s0], s1  }
0x538: {  	s1 =	ssub.s32 @!p0 $0x0, s1;
	[sflag:s0] =	ssyncset.done @!p0 $0x0  }
0x539: {  	[sflag:s0] =	ssyncadd.s32 @!p0 s1  }
0x53a: {  	[bflag:$0x3] =	sbarrier.arrive $0xFFFF  }
0x53b: {  	_ =	shalt  }

// kernel: scatter_offload_async_start
scs
__scs_entry_jumppad:
0x0: {  	(pc) =	sbr.rel $0x88, $3  }
0x1: {  	(tag) =	ssettag $0x0;
	lr =	simm.s32 $0x1  }
0x2: {  	[smem:$0x3F81] =	sst lr;
	_ =	strace $0xD0000000  }
0x3: {  	_ = 	snop  }
0x4: {  	_ = 	snop  }
0x5: {  	_ = 	snop  }
0x6: {  	_ = 	snop  }
0x7: {  	_ = 	snop  }
__scs_overlays_trampoline_lowered:
0x8: {  	[smem:$0x3F90] =	sst s0  }
0x9: {  	[smem:$0x3F91] =	sst s1  }
0xa: {  	[smem:$0x3F92] =	sst s2  }
0xb: {  	[smem:$0x3F93] =	sst s3  }
0xc: {  	[smem:$0x3F94] =	sst s4  }
0xd: {  	[smem:$0x3F95] =	sst s5  }
0xe: {  	[smem:$0x3F96] =	sst s6  }
0xf: {  	[smem:$0x3F97] =	sst s7  }
0x10: {  	[smem:$0x3F98] =	sst s8  }
0x11: {  	[smem:$0x3F99] =	sst s9;
	s0 =	simm.s32 @!p0 $0x0  }
0x12: {  	s1 =	sld [smem:$0x3F7F];
	s0 =	simm.s32 @p0 $0x1  }
0x13: {  	[smem:$0x3F9A] =	sst s0;
	s0 =	simm.s32 @!p1 $0x0  }
0x14: {  	s2 =	sld [smem:$0x3F7E];
	s0 =	simm.s32 @p1 $0x1  }
0x15: {  	[smem:$0x3F9B] =	sst s0;
	s0 =	simm.s32 @!p2 $0x0  }
0x16: {  	s3 =	sld [smem:$0x3FDB];
	s0 =	simm.s32 @p2 $0x1  }
0x17: {  	s4 =	simm.s32 $0x1BF5;
	[smem:$0x3F9D] =	sst s0  }
0x18: {  	s0 =	sld [smem:$0x3F80];
	_ =	swait.ge [sflag:s4], $0x0  }
0x19: {  	s7 =	sld [smem:$0x3F81]  }
0x1a: {  	s8 =	sadd.s32 $0xFFFFE003, lr  }
0x1b: {  	s9 =	sadd.s32 $0xFFFFFEF7, lr;
	s5 =	simm.s32 $0xFFFFFFFF;
	p2 =	slt.u32 s8, $0xFFFFF086  }
0x1c: {  	p1 =	slt.u32 s9, $0xF7A;
	s5 =	simm.s32 @!p2 $0x0  }
0x1d: {  	s5 =	simm.s32 @p1 $0x1;
	p0 =	seq.s32 s7, s2  }
0x1e: {  	s7 =	smul.u32 @!p0 $0xF7A, s2;
	p2 =	seq.s32 @!p0 s5, $0x0  }
0x1f: {  	s9 =	smul.u32 $0xF7A, s1;
	s8 =	simm.s32 @!p0 $0x1BF5;
	p2 =	por !p2, p0  }
0x20: {  	[sflag:s8] =	ssyncset.s32 @!p0 $0xFFFFF086;
	s6 =	sadd.s32 @!p0 s3, s7;
	s7 =	simm.s32 @!p0 $0x108  }
0x21: {  	s3 =	sadd.s32 s3, s9;
	s6 =	sadd.s32 @!p0 $0x88, s6;
	s7 =	simm.s32 @p2 $0x1082  }
0x22: {  	[simem:s7], [sflag:s8] =	dma.local @!p0 [hbm:s6], $0xF7A  }
0x23: {  	s9 =	sor.u32 $0xD0000000, s2;
	s6 =	simm.s32 $0x108;
	_ =	swait.ge @!p0 [sflag:s8], $0x0  }
0x24: {  	s3 =	sadd.s32 $0x88, s3;
	s6 =	simm.s32 @!p1 $0x1082;
	[sflag:s4] =	ssyncset.s32 $0xFFFFF086  }
0x25: {  	[simem:s6], [sflag:s4] =	dma.local [hbm:s3], $0xF7A  }
0x26: {  	[smem:$0x3F81] =	sst s1;
	(tag) =	ssettag s2;
	_ =	strace s9  }
0x27: {  	s1 =	sld [smem:$0x3F91]  }
0x28: {  	s2 =	sld [smem:$0x3F92]  }
0x29: {  	s4 =	sld [smem:$0x3F94]  }
0x2a: {  	p0 =	seq.s32 s5, $0x0;
	s5 =	sld [smem:$0x3F95]  }
0x2b: {  	s6 =	sld [smem:$0x3F96]  }
0x2c: {  	s7 =	sld [smem:$0x3F97]  }
0x2d: {  	s3 =	simm.s32 $0x108;
	s8 =	sld [smem:$0x3F98]  }
0x2e: {  	s3 =	simm.s32 @!p0 $0x1082;
	s9 =	sld [smem:$0x3F99]  }
0x2f: {  	lr =	sadd.s32 s0, s3;
	s0 =	sld [smem:$0x3F90]  }
0x30: {  	s3 =	sld [smem:$0x3F93]  }
0x31: {  	[smem:$0x3F9C] =	sst s10  }
0x32: {  	s10 =	sld [smem:$0x3F9A];
	_ =	sdelay $0x3  }
0x33: {  	p0 =	seq.s32 s10, $0x1;
	s10 =	sld [smem:$0x3F9C];
	_ =	sdelay $0x3  }
0x34: {  	[smem:$0x3F9C] =	sst s10  }
0x35: {  	s10 =	sld [smem:$0x3F9B];
	_ =	sdelay $0x3  }
0x36: {  	p1 =	seq.s32 s10, $0x1;
	s10 =	sld [smem:$0x3F9C];
	_ =	sdelay $0x3  }
0x37: {  	[smem:$0x3F9C] =	sst s10  }
0x38: {  	s10 =	sld [smem:$0x3F9D]  }
0x39: {  	_ = 	snop;
	(pc) =	sbr.ind lr, $3  }
0x3a: {  	_ = 	snop  }
0x3b: {  	_ = 	snop  }
0x3c: {  	p2 =	seq.s32 s10, $0x1;
	s10 =	sld [smem:$0x3F9C]  }
0x3d: {  	_ =	shalt  }
0x3e: {  	_ =	shalt  }
0x3f: {  	_ =	shalt  }
0x40: {  	_ =	shalt  }
0x41: {  	_ =	shalt  }
0x42: {  	_ =	shalt  }
0x43: {  	_ =	shalt  }
0x44: {  	_ =	shalt  }
0x45: {  	_ =	shalt  }
0x46: {  	_ =	shalt  }
0x47: {  	_ =	shalt  }
0x48: {  	_ =	shalt  }
0x49: {  	_ =	shalt  }
0x4a: {  	_ =	shalt  }
0x4b: {  	_ =	shalt  }
0x4c: {  	_ =	shalt  }
0x4d: {  	_ =	shalt  }
0x4e: {  	_ =	shalt  }
0x4f: {  	_ =	shalt  }
0x50: {  	_ =	shalt  }
0x51: {  	_ =	shalt  }
0x52: {  	_ =	shalt  }
0x53: {  	_ =	shalt  }
0x54: {  	_ =	shalt  }
0x55: {  	_ =	shalt  }
0x56: {  	_ =	shalt  }
0x57: {  	_ =	shalt  }
0x58: {  	_ =	shalt  }
0x59: {  	_ =	shalt  }
0x5a: {  	_ =	shalt  }
0x5b: {  	_ =	shalt  }
0x5c: {  	_ =	shalt  }
0x5d: {  	_ =	shalt  }
0x5e: {  	_ =	shalt  }
0x5f: {  	_ =	shalt  }
0x60: {  	_ =	shalt  }
0x61: {  	_ =	shalt  }
0x62: {  	_ =	shalt  }
0x63: {  	_ =	shalt  }
0x64: {  	_ =	shalt  }
0x65: {  	_ =	shalt  }
0x66: {  	_ =	shalt  }
0x67: {  	_ =	shalt  }
0x68: {  	_ =	shalt  }
0x69: {  	_ =	shalt  }
0x6a: {  	_ =	shalt  }
0x6b: {  	_ =	shalt  }
0x6c: {  	_ =	shalt  }
0x6d: {  	_ =	shalt  }
0x6e: {  	_ =	shalt  }
0x6f: {  	_ =	shalt  }
0x70: {  	_ =	shalt  }
0x71: {  	_ =	shalt  }
0x72: {  	_ =	shalt  }
0x73: {  	_ =	shalt  }
0x74: {  	_ =	shalt  }
0x75: {  	_ =	shalt  }
0x76: {  	_ =	shalt  }
0x77: {  	_ =	shalt  }
0x78: {  	_ =	shalt  }
0x79: {  	_ =	shalt  }
0x7a: {  	_ =	shalt  }
0x7b: {  	_ =	shalt  }
0x7c: {  	_ =	shalt  }
0x7d: {  	_ =	shalt  }
0x7e: {  	_ =	shalt  }
0x7f: {  	_ =	shalt  }
0x80: {  	_ =	shalt  }
0x81: {  	_ =	shalt  }
0x82: {  	_ =	shalt  }
0x83: {  	_ =	shalt  }
0x84: {  	_ =	shalt  }
0x85: {  	_ =	shalt  }
0x86: {  	_ =	shalt  }
0x87: {  	_ =	shalt  }
.Lfunc_end0:
.L_simem_size_0:
called_computation_lowered:
.L_overlay_start_0:
0x88: {  	s2 =	sld [smem:$0x3FD9]  }
0x89: {  	s3 =	sld [smem:$0x3FFE];
	_ =	sdelay $0x1  }
0x8a: {  	s1 =	srdreg.scid  }
0x8b: {  	s0 =	sand.u32 $0x1, s1  }
0x8c: {  	s15 =	sshll.u32 s0, $0xA;
	s2 =	sadd.s32 s3, s2  }
0x8d: {  	s2 =	sadd.s32 s2, s15  }
0x8e: {  	[smem:$0x3FA8] =	sst s2  }
0x8f: {  	_ = 	snop  }
0x90: {  	(tm) =	ssettm $0x1  }
0x91: {  	s16 =	sld [smem:$0x3FFB];
	_ =	sdelay $0x3  }
0x92: {  	_ =	strace s16  }
0x93: {  	s2 =	sld [smem:$0x3FFC];
	_ =	sdelay $0x3  }
0x94: {  	_ =	strace s2  }
0x95: {  	s2 =	sld [smem:$0x3FFD];
	_ =	sdelay $0x3  }
0x96: {  	_ =	strace s2  }
0x97: {  	_ =	strace $0x8FFFFFFF  }
0x98: {  	s17 =	sld [smem:$0x3FDB];
	_ =	sdelay $0x1  }
0x99: {  	s18 =	simm.s32 $_scs_section_size  }
0x9a: {  	s4 =	simm.s32 $_size__tile_overlayer_lowered;
	s5 =	simm.s32 $_tile_overlayer_lowered  }
0x9b: {  	s21 =	simm.s32 $0x1BFF;
	s20 =	sshll.u32 s5, $0x1;
	s2 =	sadd.s32 s18, s17  }
0x9c: {  	s6 =	simm.s32 $0x0;
	s19 =	sshll.u32 s4, $0x1;
	s4 =	sadd.s32 s20, s2  }
0x9d: {  	[timem:s6], [sflag:s21] =	dma.local [hbm:s4], s19  }
0x9e: {  	_ =	swait.ge [sflag:s21], s19  }
0x9f: {  	s3 =	ssub.s32 $0x0, s19;
	[sflag:s21] =	ssyncset.done $0x0  }
0xa0: {  	[sflag:s21] =	ssyncadd.s32 s3;
	_ =	sdelay $0x1  }
0xa1: {  	s22 =	simm.s32 $0x1B8B  }
0xa2: {  	_ =	swait.ge [sflag:s22], $0x1  }
0xa3: {  	[sflag:s22] =	ssyncset.done $0x0  }
0xa4: {  	s23 =	sld [smem:$0x3FFE];
	[sflag:s22] =	ssyncadd.s32 $0xFFFFFFFF  }
0xa5: {  	s25 =	simm.s32 $0x1B8E;
	s24 =	sld [smem:$0x0]  }
0xa6: {  	s26 =	simm.s32 $execute0_lowered;
	[smem:$0x3FD2] =	sst s25  }
0xa7: {  	s5 =	sshll.u32 s26, $0x1;
	_ =	strace $0x80000046;
	[dreg:$0x1] =	wrdreg $0xFFFFFFFF  }
0xa8: {  	s28 =	simm.s32 $_size_execute0_lowered;
	s2 =	sadd.s32 s2, s5;
	[dreg:$0x0] =	wrdreg $0x0  }
0xa9: {  	s5 =	sshll.u32 s28, $0x1;
	[dreg:$0x2] =	wrdreg s2  }
0xaa: {  	[dreg:$0x3] =	wrdreg s5  }
0xab: {  	[dreg:$0x4] =	wrdreg $0xC0  }
0xac: {  	_ =	task [dreg:s6], $0x5FFFF  }
0xad: {  	[dreg:$0x1] =	wrdreg $0xFFFFFFFF  }
0xae: {  	[dreg:$0x0] =	wrdreg $0x60  }
0xaf: {  	[dreg:$0x2] =	wrdreg s23  }
0xb0: {  	[dreg:$0x3] =	wrdreg s1  }
0xb1: {  	[dreg:$0x4] =	wrdreg s24  }
0xb2: {  	[dreg:$0x5] =	wrdreg $0x9  }
0xb3: {  	_ =	task.clear_ibuf [dreg:s6], $0x6FFFF;
	_ =	strace $0x90000046  }
0xb4: {  	s29 =	simm.s32 $0x9;
	_ =	strace $0x80000048  }
0xb5: {  	_ =	swait.ge [sflag:s29], $0x1  }
0xb6: {  	[sflag:s29] =	ssyncadd.s32 $0xFFFFFFFF  }
0xb7: {  	_ =	strace $0x90000048  }
0xb8: {  	_ =	sfence  }
0xb9: {  	s30 =	sld [smem:$0x0];
	_ =	sdelay $0x2  }
0xba: {  	s31 =	sshll.u32 s1, $0xD;
	s1 =	sshrl.u32 s1, $0x2  }
0xbb: {  	s3 =	sand.u32 $0x4000, s31;
	s1 =	sadd.s32 s1, s30  }
0xbc: {  	s0 =	sor.u32 s3, s0;
	s1 =	sshll.u32 s1, $0x11  }
0xbd: {  	s0 =	sor.u32 s1, s0  }
0xbe: {  	s0 =	sadd.s32 $0x8F2B, s0  }
0xbf: {  	[sflag:s0] =	ssyncadd.remote.s32 $0x1  }
0xc0: {  	_ =	sfence.sel $0xFFFF  }
0xc1: {  	[dreg:$0x0] =	wrdreg $0xFFFFFFFF;
	(pc) =	sbr.abs _section_cstart, $3  }
0xc2: {  	[dreg:$0x1] =	wrdreg $0xFFFFFFFF  }
0xc3: {  	_ =	task.clear_ibuf [dreg:s6], $0x2FFFF;
	_ =	strace $0x9FFFFFFF  }
0xc4: {  	(tm) =	ssettm $0x7FFFFFFF  }
0xc5: {  	_ =	shalt  }
tec
execute0_lowered:
.L_overlay_start_1:
0x0: {  	(tag) =	ssettag $0x1  }
0x1: {  	s4 =	rddreg [dreg:$0x0]  }
0x2: {  	s2 =	rddreg [dreg:$0x1];
	_ =	strace $0x80000047;
	s3 =	simm.s32 $0x1  }
0x3: {  	v0 =	vimm.s32 $0x0;
	[sflag:s3] =	ssyncpa.u1 $0x0  }
0x4: {  	[tilespmem:$0x68] =	vst v0  }
0x5: {  	[tilespmem:$0x78] =	vst v0  }
0x6: {  	[tilespmem:$0x88] =	vst v0  }
0x7: {  	[tilespmem:$0x98] =	vst v0  }
0x8: {  	[tilespmem:$0xA8] =	vst v0  }
0x9: {  	[tilespmem:$0xB8] =	vst v0  }
0xa: {  	[tilespmem:$0xC8] =	vst v0  }
0xb: {  	[tilespmem:$0xD8] =	vst v0  }
0xc: {  	[tilespmem:$0xE8] =	vst v0  }
0xd: {  	[tilespmem:$0xF8] =	vst v0  }
0xe: {  	[tilespmem:$0x108] =	vst v0  }
0xf: {  	[tilespmem:$0x118] =	vst v0  }
0x10: {  	[tilespmem:$0x128] =	vst v0  }
0x11: {  	[tilespmem:$0x138] =	vst v0  }
0x12: {  	[tilespmem:$0x148] =	vst v0  }
0x13: {  	[tilespmem:$0x158] =	vst v0  }
0x14: {  	[tilespmem:$0x168] =	vst v0  }
0x15: {  	[tilespmem:$0x178] =	vst v0  }
0x16: {  	[tilespmem:$0x188] =	vst v0  }
0x17: {  	[tilespmem:$0x198] =	vst v0  }
0x18: {  	[tilespmem:$0x1A8] =	vst v0  }
0x19: {  	[tilespmem:$0x1B8] =	vst v0  }
0x1a: {  	[tilespmem:$0x1C8] =	vst v0  }
0x1b: {  	[tilespmem:$0x1D8] =	vst v0  }
0x1c: {  	[tilespmem:$0x1E8] =	vst v0  }
0x1d: {  	[tilespmem:$0x1F8] =	vst v0  }
0x1e: {  	[tilespmem:$0x208] =	vst v0  }
0x1f: {  	[tilespmem:$0x218] =	vst v0  }
0x20: {  	[tilespmem:$0x228] =	vst v0  }
0x21: {  	[tilespmem:$0x238] =	vst v0  }
0x22: {  	[tilespmem:$0x248] =	vst v0  }
0x23: {  	[tilespmem:$0x258] =	vst v0  }
0x24: {  	[tilespmem:$0x268] =	vst v0  }
0x25: {  	[tilespmem:$0x278] =	vst v0  }
0x26: {  	[tilespmem:$0x288] =	vst v0  }
0x27: {  	[tilespmem:$0x298] =	vst v0  }
0x28: {  	[tilespmem:$0x2A8] =	vst v0  }
0x29: {  	[tilespmem:$0x2B8] =	vst v0  }
0x2a: {  	[tilespmem:$0x2C8] =	vst v0  }
0x2b: {  	[tilespmem:$0x2D8] =	vst v0  }
0x2c: {  	[tilespmem:$0x2E8] =	vst v0  }
0x2d: {  	[tilespmem:$0x2F8] =	vst v0  }
0x2e: {  	[tilespmem:$0x308] =	vst v0  }
0x2f: {  	[tilespmem:$0x318] =	vst v0  }
0x30: {  	[tilespmem:$0x328] =	vst v0  }
0x31: {  	[tilespmem:$0x338] =	vst v0  }
0x32: {  	[tilespmem:$0x348] =	vst v0  }
0x33: {  	[tilespmem:$0x358] =	vst v0  }
0x34: {  	[tilespmem:$0x368] =	vst v0  }
0x35: {  	[tilespmem:$0x378] =	vst v0  }
0x36: {  	[tilespmem:$0x388] =	vst v0  }
0x37: {  	[tilespmem:$0x398] =	vst v0  }
0x38: {  	[tilespmem:$0x3A8] =	vst v0  }
0x39: {  	[tilespmem:$0x3B8] =	vst v0  }
0x3a: {  	[tilespmem:$0x3C8] =	vst v0  }
0x3b: {  	[tilespmem:$0x3D8] =	vst v0  }
0x3c: {  	[tilespmem:$0x3E8] =	vst v0  }
0x3d: {  	[tilespmem:$0x3F8] =	vst v0  }
0x3e: {  	[tilespmem:$0x408] =	vst v0  }
0x3f: {  	[tilespmem:$0x418] =	vst v0  }
0x40: {  	[tilespmem:$0x428] =	vst v0  }
0x41: {  	[tilespmem:$0x438] =	vst v0  }
0x42: {  	[tilespmem:$0x448] =	vst v0  }
0x43: {  	[tilespmem:$0x458] =	vst v0  }
0x44: {  	[tilespmem:$0x468] =	vst v0  }
0x45: {  	[tilespmem:$0x478] =	vst v0  }
0x46: {  	[tilespmem:$0x488] =	vst v0  }
0x47: {  	[tilespmem:$0x498] =	vst v0  }
0x48: {  	[tilespmem:$0x4A8] =	vst v0  }
0x49: {  	[tilespmem:$0x4B8] =	vst v0  }
0x4a: {  	[tilespmem:$0x4C8] =	vst v0  }
0x4b: {  	[tilespmem:$0x4D8] =	vst v0  }
0x4c: {  	[tilespmem:$0x4E8] =	vst v0  }
0x4d: {  	[tilespmem:$0x4F8] =	vst v0  }
0x4e: {  	[tilespmem:$0x508] =	vst v0  }
0x4f: {  	[tilespmem:$0x518] =	vst v0  }
0x50: {  	[tilespmem:$0x528] =	vst v0  }
0x51: {  	[tilespmem:$0x538] =	vst v0  }
0x52: {  	[tilespmem:$0x548] =	vst v0  }
0x53: {  	[tilespmem:$0x558] =	vst v0  }
0x54: {  	[tilespmem:$0x568] =	vst v0  }
0x55: {  	[tilespmem:$0x578] =	vst v0  }
0x56: {  	[tilespmem:$0x588] =	vst v0  }
0x57: {  	[tilespmem:$0x598] =	vst v0  }
0x58: {  	[tilespmem:$0x5A8] =	vst v0  }
0x59: {  	[tilespmem:$0x5B8] =	vst v0  }
0x5a: {  	[tilespmem:$0x5C8] =	vst v0  }
0x5b: {  	[tilespmem:$0x5D8] =	vst v0  }
0x5c: {  	[tilespmem:$0x5E8] =	vst v0  }
0x5d: {  	[tilespmem:$0x5F8] =	vst v0  }
0x5e: {  	[tilespmem:$0x608] =	vst v0  }
0x5f: {  	[tilespmem:$0x618] =	vst v0  }
0x60: {  	[tilespmem:$0x628] =	vst v0  }
0x61: {  	[tilespmem:$0x638] =	vst v0  }
0x62: {  	[tilespmem:$0x648] =	vst v0  }
0x63: {  	[tilespmem:$0x658] =	vst v0  }
0x64: {  	[tilespmem:$0x668] =	vst v0  }
0x65: {  	[tilespmem:$0x678] =	vst v0  }
0x66: {  	[tilespmem:$0x688] =	vst v0  }
0x67: {  	[tilespmem:$0x698] =	vst v0  }
0x68: {  	[tilespmem:$0x6A8] =	vst v0  }
0x69: {  	[tilespmem:$0x6B8] =	vst v0  }
0x6a: {  	[tilespmem:$0x6C8] =	vst v0  }
0x6b: {  	[tilespmem:$0x6D8] =	vst v0  }
0x6c: {  	[tilespmem:$0x6E8] =	vst v0  }
0x6d: {  	[tilespmem:$0x6F8] =	vst v0  }
0x6e: {  	[tilespmem:$0x708] =	vst v0  }
0x6f: {  	[tilespmem:$0x718] =	vst v0  }
0x70: {  	[tilespmem:$0x728] =	vst v0  }
0x71: {  	[tilespmem:$0x738] =	vst v0  }
0x72: {  	[tilespmem:$0x748] =	vst v0  }
0x73: {  	[tilespmem:$0x758] =	vst v0  }
0x74: {  	[tilespmem:$0x768] =	vst v0  }
0x75: {  	[tilespmem:$0x778] =	vst v0  }
0x76: {  	[tilespmem:$0x788] =	vst v0  }
0x77: {  	[tilespmem:$0x798] =	vst v0  }
0x78: {  	[tilespmem:$0x7A8] =	vst v0  }
0x79: {  	[tilespmem:$0x7B8] =	vst v0  }
0x7a: {  	[tilespmem:$0x7C8] =	vst v0  }
0x7b: {  	[tilespmem:$0x7D8] =	vst v0  }
0x7c: {  	[tilespmem:$0x7E8] =	vst v0  }
0x7d: {  	[tilespmem:$0x7F8] =	vst v0  }
0x7e: {  	[tilespmem:$0x808] =	vst v0  }
0x7f: {  	[tilespmem:$0x818] =	vst v0  }
0x80: {  	[tilespmem:$0x828] =	vst v0  }
0x81: {  	[tilespmem:$0x838] =	vst v0  }
0x82: {  	[tilespmem:$0x848] =	vst v0  }
0x83: {  	[tilespmem:$0x858] =	vst v0  }
0x84: {  	[tilespmem:$0x868] =	vst v0  }
0x85: {  	[tilespmem:$0x878] =	vst v0  }
0x86: {  	[tilespmem:$0x888] =	vst v0  }
0x87: {  	[tilespmem:$0x898] =	vst v0  }
0x88: {  	[tilespmem:$0x8A8] =	vst v0  }
0x89: {  	[tilespmem:$0x8B8] =	vst v0  }
0x8a: {  	[tilespmem:$0x8C8] =	vst v0  }
0x8b: {  	[tilespmem:$0x8D8] =	vst v0  }
0x8c: {  	[tilespmem:$0x8E8] =	vst v0  }
0x8d: {  	[tilespmem:$0x8F8] =	vst v0  }
0x8e: {  	[tilespmem:$0x908] =	vst v0  }
0x8f: {  	[tilespmem:$0x918] =	vst v0  }
0x90: {  	[tilespmem:$0x928] =	vst v0  }
0x91: {  	[tilespmem:$0x938] =	vst v0  }
0x92: {  	[tilespmem:$0x948] =	vst v0  }
0x93: {  	[tilespmem:$0x958] =	vst v0  }
0x94: {  	[tilespmem:$0x968] =	vst v0  }
0x95: {  	[tilespmem:$0x978] =	vst v0  }
0x96: {  	[tilespmem:$0x988] =	vst v0  }
0x97: {  	[tilespmem:$0x998] =	vst v0  }
0x98: {  	[tilespmem:$0x9A8] =	vst v0  }
0x99: {  	[tilespmem:$0x9B8] =	vst v0  }
0x9a: {  	[tilespmem:$0x9C8] =	vst v0  }
0x9b: {  	[tilespmem:$0x9D8] =	vst v0  }
0x9c: {  	[tilespmem:$0x9E8] =	vst v0  }
0x9d: {  	[tilespmem:$0x9F8] =	vst v0  }
0x9e: {  	[tilespmem:$0xA08] =	vst v0  }
0x9f: {  	[tilespmem:$0xA18] =	vst v0  }
0xa0: {  	[tilespmem:$0xA28] =	vst v0  }
0xa1: {  	[tilespmem:$0xA38] =	vst v0  }
0xa2: {  	[tilespmem:$0xA48] =	vst v0  }
0xa3: {  	[tilespmem:$0xA58] =	vst v0  }
0xa4: {  	[tilespmem:$0xA68] =	vst v0  }
0xa5: {  	[tilespmem:$0xA78] =	vst v0  }
0xa6: {  	[tilespmem:$0xA88] =	vst v0  }
0xa7: {  	[tilespmem:$0xA98] =	vst v0  }
0xa8: {  	[tilespmem:$0xAA8] =	vst v0  }
0xa9: {  	[tilespmem:$0xAB8] =	vst v0  }
0xaa: {  	[tilespmem:$0xAC8] =	vst v0  }
0xab: {  	[tilespmem:$0xAD8] =	vst v0  }
0xac: {  	[tilespmem:$0xAE8] =	vst v0  }
0xad: {  	[tilespmem:$0xAF8] =	vst v0  }
0xae: {  	[tilespmem:$0xB08] =	vst v0  }
0xaf: {  	[tilespmem:$0xB18] =	vst v0  }
0xb0: {  	[tilespmem:$0xB28] =	vst v0  }
0xb1: {  	[tilespmem:$0xB38] =	vst v0  }
0xb2: {  	[tilespmem:$0xB48] =	vst v0  }
0xb3: {  	[tilespmem:$0xB58] =	vst v0  }
0xb4: {  	[tilespmem:$0xB68] =	vst v0  }
0xb5: {  	[tilespmem:$0xB78] =	vst v0  }
0xb6: {  	[tilespmem:$0xB88] =	vst v0  }
0xb7: {  	[tilespmem:$0xB98] =	vst v0  }
0xb8: {  	[tilespmem:$0xBA8] =	vst v0  }
0xb9: {  	[tilespmem:$0xBB8] =	vst v0  }
0xba: {  	[tilespmem:$0xBC8] =	vst v0  }
0xbb: {  	[tilespmem:$0xBD8] =	vst v0  }
0xbc: {  	[tilespmem:$0xBE8] =	vst v0  }
0xbd: {  	[tilespmem:$0xBF8] =	vst v0  }
0xbe: {  	[tilespmem:$0xC08] =	vst v0  }
0xbf: {  	[tilespmem:$0xC18] =	vst v0  }
0xc0: {  	[tilespmem:$0xC28] =	vst v0  }
0xc1: {  	[tilespmem:$0xC38] =	vst v0  }
0xc2: {  	[tilespmem:$0xC48] =	vst v0  }
0xc3: {  	[tilespmem:$0xC58] =	vst v0  }
0xc4: {  	[tilespmem:$0xC68] =	vst v0  }
0xc5: {  	[tilespmem:$0xC78] =	vst v0  }
0xc6: {  	[tilespmem:$0xC88] =	vst v0  }
0xc7: {  	[tilespmem:$0xC98] =	vst v0  }
0xc8: {  	[tilespmem:$0xCA8] =	vst v0  }
0xc9: {  	[tilespmem:$0xCB8] =	vst v0  }
0xca: {  	[tilespmem:$0xCC8] =	vst v0  }
0xcb: {  	[tilespmem:$0xCD8] =	vst v0  }
0xcc: {  	[tilespmem:$0xCE8] =	vst v0  }
0xcd: {  	[tilespmem:$0xCF8] =	vst v0  }
0xce: {  	[tilespmem:$0xD08] =	vst v0  }
0xcf: {  	[tilespmem:$0xD18] =	vst v0  }
0xd0: {  	[tilespmem:$0xD28] =	vst v0  }
0xd1: {  	[tilespmem:$0xD38] =	vst v0  }
0xd2: {  	[tilespmem:$0xD48] =	vst v0  }
0xd3: {  	[tilespmem:$0xD58] =	vst v0  }
0xd4: {  	[tilespmem:$0xD68] =	vst v0  }
0xd5: {  	[tilespmem:$0xD78] =	vst v0  }
0xd6: {  	[tilespmem:$0xD88] =	vst v0  }
0xd7: {  	[tilespmem:$0xD98] =	vst v0  }
0xd8: {  	[tilespmem:$0xDA8] =	vst v0  }
0xd9: {  	[tilespmem:$0xDB8] =	vst v0  }
0xda: {  	[tilespmem:$0xDC8] =	vst v0  }
0xdb: {  	[tilespmem:$0xDD8] =	vst v0  }
0xdc: {  	[tilespmem:$0xDE8] =	vst v0  }
0xdd: {  	[tilespmem:$0xDF8] =	vst v0  }
0xde: {  	[tilespmem:$0xE08] =	vst v0  }
0xdf: {  	[tilespmem:$0xE18] =	vst v0  }
0xe0: {  	[tilespmem:$0xE28] =	vst v0  }
0xe1: {  	[tilespmem:$0xE38] =	vst v0  }
0xe2: {  	[tilespmem:$0xE48] =	vst v0  }
0xe3: {  	[tilespmem:$0xE58] =	vst v0  }
0xe4: {  	[tilespmem:$0xE68] =	vst v0  }
0xe5: {  	[tilespmem:$0xE78] =	vst v0  }
0xe6: {  	[tilespmem:$0xE88] =	vst v0  }
0xe7: {  	[tilespmem:$0xE98] =	vst v0  }
0xe8: {  	[tilespmem:$0xEA8] =	vst v0  }
0xe9: {  	[tilespmem:$0xEB8] =	vst v0  }
0xea: {  	[tilespmem:$0xEC8] =	vst v0  }
0xeb: {  	[tilespmem:$0xED8] =	vst v0  }
0xec: {  	[tilespmem:$0xEE8] =	vst v0  }
0xed: {  	[tilespmem:$0xEF8] =	vst v0  }
0xee: {  	[tilespmem:$0xF08] =	vst v0  }
0xef: {  	[tilespmem:$0xF18] =	vst v0  }
0xf0: {  	[tilespmem:$0xF28] =	vst v0  }
0xf1: {  	[tilespmem:$0xF38] =	vst v0  }
0xf2: {  	[tilespmem:$0xF48] =	vst v0  }
0xf3: {  	[tilespmem:$0xF58] =	vst v0  }
0xf4: {  	[tilespmem:$0xF68] =	vst v0  }
0xf5: {  	[tilespmem:$0xF78] =	vst v0  }
0xf6: {  	[tilespmem:$0xF88] =	vst v0  }
0xf7: {  	[tilespmem:$0xF98] =	vst v0  }
0xf8: {  	[tilespmem:$0xFA8] =	vst v0  }
0xf9: {  	[tilespmem:$0xFB8] =	vst v0  }
0xfa: {  	[tilespmem:$0xFC8] =	vst v0  }
0xfb: {  	[tilespmem:$0xFD8] =	vst v0  }
0xfc: {  	[tilespmem:$0xFE8] =	vst v0  }
0xfd: {  	[tilespmem:$0xFF8] =	vst v0  }
0xfe: {  	[tilespmem:$0x1008] =	vst v0  }
0xff: {  	[tilespmem:$0x1018] =	vst v0  }
0x100: {  	[tilespmem:$0x1028] =	vst v0  }
0x101: {  	[tilespmem:$0x1038] =	vst v0  }
0x102: {  	[tilespmem:$0x1048] =	vst v0  }
0x103: {  	[tilespmem:$0x1058] =	vst v0  }
0x104: {  	[tilespmem:$0x1068] =	vst v0  }
0x105: {  	[tilespmem:$0x1078] =	vst v0  }
0x106: {  	[tilespmem:$0x1088] =	vst v0  }
0x107: {  	[tilespmem:$0x1098] =	vst v0  }
0x108: {  	[tilespmem:$0x10A8] =	vst v0  }
0x109: {  	[tilespmem:$0x10B8] =	vst v0  }
0x10a: {  	[tilespmem:$0x10C8] =	vst v0  }
0x10b: {  	[tilespmem:$0x10D8] =	vst v0  }
0x10c: {  	[tilespmem:$0x10E8] =	vst v0  }
0x10d: {  	[tilespmem:$0x10F8] =	vst v0  }
0x10e: {  	[tilespmem:$0x1108] =	vst v0  }
0x10f: {  	[tilespmem:$0x1118] =	vst v0  }
0x110: {  	[tilespmem:$0x1128] =	vst v0  }
0x111: {  	[tilespmem:$0x1138] =	vst v0  }
0x112: {  	[tilespmem:$0x1148] =	vst v0  }
0x113: {  	[tilespmem:$0x1158] =	vst v0  }
0x114: {  	[tilespmem:$0x1168] =	vst v0  }
0x115: {  	[tilespmem:$0x1178] =	vst v0  }
0x116: {  	[tilespmem:$0x1188] =	vst v0  }
0x117: {  	[tilespmem:$0x1198] =	vst v0  }
0x118: {  	[tilespmem:$0x11A8] =	vst v0  }
0x119: {  	[tilespmem:$0x11B8] =	vst v0  }
0x11a: {  	[tilespmem:$0x11C8] =	vst v0  }
0x11b: {  	[tilespmem:$0x11D8] =	vst v0  }
0x11c: {  	[tilespmem:$0x11E8] =	vst v0  }
0x11d: {  	[tilespmem:$0x11F8] =	vst v0  }
0x11e: {  	[tilespmem:$0x1208] =	vst v0  }
0x11f: {  	[tilespmem:$0x1218] =	vst v0  }
0x120: {  	[tilespmem:$0x1228] =	vst v0  }
0x121: {  	[tilespmem:$0x1238] =	vst v0  }
0x122: {  	[tilespmem:$0x1248] =	vst v0  }
0x123: {  	[tilespmem:$0x1258] =	vst v0  }
0x124: {  	[tilespmem:$0x1268] =	vst v0  }
0x125: {  	[tilespmem:$0x1278] =	vst v0  }
0x126: {  	[tilespmem:$0x1288] =	vst v0  }
0x127: {  	[tilespmem:$0x1298] =	vst v0  }
0x128: {  	[tilespmem:$0x12A8] =	vst v0  }
0x129: {  	[tilespmem:$0x12B8] =	vst v0  }
0x12a: {  	[tilespmem:$0x12C8] =	vst v0  }
0x12b: {  	[tilespmem:$0x12D8] =	vst v0  }
0x12c: {  	[tilespmem:$0x12E8] =	vst v0  }
0x12d: {  	[tilespmem:$0x12F8] =	vst v0  }
0x12e: {  	[tilespmem:$0x1308] =	vst v0  }
0x12f: {  	[tilespmem:$0x1318] =	vst v0  }
0x130: {  	[tilespmem:$0x1328] =	vst v0  }
0x131: {  	[tilespmem:$0x1338] =	vst v0  }
0x132: {  	[tilespmem:$0x1348] =	vst v0  }
0x133: {  	[tilespmem:$0x1358] =	vst v0  }
0x134: {  	[tilespmem:$0x1368] =	vst v0  }
0x135: {  	[tilespmem:$0x1378] =	vst v0  }
0x136: {  	[tilespmem:$0x1388] =	vst v0  }
0x137: {  	[tilespmem:$0x1398] =	vst v0  }
0x138: {  	[tilespmem:$0x13A8] =	vst v0  }
0x139: {  	[tilespmem:$0x13B8] =	vst v0  }
0x13a: {  	[tilespmem:$0x13C8] =	vst v0  }
0x13b: {  	[tilespmem:$0x13D8] =	vst v0  }
0x13c: {  	[tilespmem:$0x13E8] =	vst v0  }
0x13d: {  	[tilespmem:$0x13F8] =	vst v0  }
0x13e: {  	[tilespmem:$0x1408] =	vst v0  }
0x13f: {  	[tilespmem:$0x1418] =	vst v0  }
0x140: {  	[tilespmem:$0x1428] =	vst v0  }
0x141: {  	[tilespmem:$0x1438] =	vst v0  }
0x142: {  	[tilespmem:$0x1448] =	vst v0  }
0x143: {  	[tilespmem:$0x1458] =	vst v0  }
0x144: {  	[tilespmem:$0x2388] =	vst v0  }
0x145: {  	[tilespmem:$0x2398] =	vst v0  }
0x146: {  	[tilespmem:$0x1468] =	vst v0  }
0x147: {  	[tilespmem:$0x1478] =	vst v0  }
0x148: {  	[tilespmem:$0x1488] =	vst v0  }
0x149: {  	[tilespmem:$0x1498] =	vst v0  }
0x14a: {  	[tilespmem:$0x14A8] =	vst v0  }
0x14b: {  	[tilespmem:$0x14B8] =	vst v0  }
0x14c: {  	[tilespmem:$0x14C8] =	vst v0  }
0x14d: {  	[tilespmem:$0x14D8] =	vst v0  }
0x14e: {  	[tilespmem:$0x14E8] =	vst v0  }
0x14f: {  	[tilespmem:$0x14F8] =	vst v0  }
0x150: {  	[tilespmem:$0x1508] =	vst v0  }
0x151: {  	[tilespmem:$0x1518] =	vst v0  }
0x152: {  	[tilespmem:$0x1528] =	vst v0  }
0x153: {  	[tilespmem:$0x1538] =	vst v0  }
0x154: {  	[tilespmem:$0x1548] =	vst v0  }
0x155: {  	[tilespmem:$0x1558] =	vst v0  }
0x156: {  	[tilespmem:$0x1568] =	vst v0  }
0x157: {  	[tilespmem:$0x1578] =	vst v0  }
0x158: {  	[tilespmem:$0x1588] =	vst v0  }
0x159: {  	[tilespmem:$0x1598] =	vst v0  }
0x15a: {  	[tilespmem:$0x15A8] =	vst v0  }
0x15b: {  	[tilespmem:$0x15B8] =	vst v0  }
0x15c: {  	[tilespmem:$0x15C8] =	vst v0  }
0x15d: {  	[tilespmem:$0x15D8] =	vst v0  }
0x15e: {  	[tilespmem:$0x15E8] =	vst v0  }
0x15f: {  	[tilespmem:$0x15F8] =	vst v0  }
0x160: {  	[tilespmem:$0x1608] =	vst v0  }
0x161: {  	[tilespmem:$0x1618] =	vst v0  }
0x162: {  	[tilespmem:$0x1628] =	vst v0  }
0x163: {  	[tilespmem:$0x1638] =	vst v0  }
0x164: {  	[tilespmem:$0x1648] =	vst v0  }
0x165: {  	[tilespmem:$0x1658] =	vst v0  }
0x166: {  	[tilespmem:$0x1668] =	vst v0  }
0x167: {  	[tilespmem:$0x1678] =	vst v0  }
0x168: {  	[tilespmem:$0x1688] =	vst v0  }
0x169: {  	[tilespmem:$0x1698] =	vst v0  }
0x16a: {  	[tilespmem:$0x16A8] =	vst v0  }
0x16b: {  	[tilespmem:$0x16B8] =	vst v0  }
0x16c: {  	[tilespmem:$0x16C8] =	vst v0  }
0x16d: {  	[tilespmem:$0x16D8] =	vst v0  }
0x16e: {  	[tilespmem:$0x16E8] =	vst v0  }
0x16f: {  	[tilespmem:$0x16F8] =	vst v0  }
0x170: {  	[tilespmem:$0x1708] =	vst v0  }
0x171: {  	[tilespmem:$0x1718] =	vst v0  }
0x172: {  	[tilespmem:$0x1728] =	vst v0  }
0x173: {  	[tilespmem:$0x1738] =	vst v0  }
0x174: {  	[tilespmem:$0x1748] =	vst v0  }
0x175: {  	[tilespmem:$0x1758] =	vst v0  }
0x176: {  	[tilespmem:$0x1768] =	vst v0  }
0x177: {  	[tilespmem:$0x1778] =	vst v0  }
0x178: {  	[tilespmem:$0x1788] =	vst v0  }
0x179: {  	[tilespmem:$0x1798] =	vst v0  }
0x17a: {  	[tilespmem:$0x17A8] =	vst v0  }
0x17b: {  	[tilespmem:$0x17B8] =	vst v0  }
0x17c: {  	[tilespmem:$0x17C8] =	vst v0  }
0x17d: {  	[tilespmem:$0x17D8] =	vst v0  }
0x17e: {  	[tilespmem:$0x17E8] =	vst v0  }
0x17f: {  	[tilespmem:$0x17F8] =	vst v0  }
0x180: {  	[tilespmem:$0x1808] =	vst v0  }
0x181: {  	[tilespmem:$0x1818] =	vst v0  }
0x182: {  	[tilespmem:$0x1828] =	vst v0  }
0x183: {  	[tilespmem:$0x1838] =	vst v0  }
0x184: {  	[tilespmem:$0x1848] =	vst v0  }
0x185: {  	[tilespmem:$0x1858] =	vst v0  }
0x186: {  	[tilespmem:$0x1868] =	vst v0  }
0x187: {  	[tilespmem:$0x1878] =	vst v0  }
0x188: {  	[tilespmem:$0x1888] =	vst v0  }
0x189: {  	[tilespmem:$0x1898] =	vst v0  }
0x18a: {  	[tilespmem:$0x18A8] =	vst v0  }
0x18b: {  	[tilespmem:$0x18B8] =	vst v0  }
0x18c: {  	[tilespmem:$0x18C8] =	vst v0  }
0x18d: {  	[tilespmem:$0x18D8] =	vst v0  }
0x18e: {  	[tilespmem:$0x18E8] =	vst v0  }
0x18f: {  	[tilespmem:$0x18F8] =	vst v0  }
0x190: {  	[tilespmem:$0x1908] =	vst v0  }
0x191: {  	[tilespmem:$0x1918] =	vst v0  }
0x192: {  	[tilespmem:$0x1928] =	vst v0  }
0x193: {  	[tilespmem:$0x1938] =	vst v0  }
0x194: {  	[tilespmem:$0x1948] =	vst v0  }
0x195: {  	[tilespmem:$0x1958] =	vst v0  }
0x196: {  	[tilespmem:$0x1968] =	vst v0  }
0x197: {  	[tilespmem:$0x1978] =	vst v0  }
0x198: {  	[tilespmem:$0x1988] =	vst v0  }
0x199: {  	[tilespmem:$0x1998] =	vst v0  }
0x19a: {  	[tilespmem:$0x19A8] =	vst v0  }
0x19b: {  	[tilespmem:$0x19B8] =	vst v0  }
0x19c: {  	[tilespmem:$0x19C8] =	vst v0  }
0x19d: {  	[tilespmem:$0x19D8] =	vst v0  }
0x19e: {  	[tilespmem:$0x19E8] =	vst v0  }
0x19f: {  	[tilespmem:$0x19F8] =	vst v0  }
0x1a0: {  	[tilespmem:$0x1A08] =	vst v0  }
0x1a1: {  	[tilespmem:$0x1A18] =	vst v0  }
0x1a2: {  	[tilespmem:$0x1A28] =	vst v0  }
0x1a3: {  	[tilespmem:$0x1A38] =	vst v0  }
0x1a4: {  	[tilespmem:$0x1A48] =	vst v0  }
0x1a5: {  	[tilespmem:$0x1A58] =	vst v0  }
0x1a6: {  	[tilespmem:$0x1A68] =	vst v0  }
0x1a7: {  	[tilespmem:$0x1A78] =	vst v0  }
0x1a8: {  	[tilespmem:$0x1A88] =	vst v0  }
0x1a9: {  	[tilespmem:$0x1A98] =	vst v0  }
0x1aa: {  	[tilespmem:$0x1AA8] =	vst v0  }
0x1ab: {  	[tilespmem:$0x1AB8] =	vst v0  }
0x1ac: {  	[tilespmem:$0x1AC8] =	vst v0  }
0x1ad: {  	[tilespmem:$0x1AD8] =	vst v0  }
0x1ae: {  	[tilespmem:$0x1AE8] =	vst v0  }
0x1af: {  	[tilespmem:$0x1AF8] =	vst v0  }
0x1b0: {  	[tilespmem:$0x1B08] =	vst v0  }
0x1b1: {  	[tilespmem:$0x1B18] =	vst v0  }
0x1b2: {  	[tilespmem:$0x1B28] =	vst v0  }
0x1b3: {  	[tilespmem:$0x1B38] =	vst v0  }
0x1b4: {  	[tilespmem:$0x1B48] =	vst v0  }
0x1b5: {  	[tilespmem:$0x1B58] =	vst v0  }
0x1b6: {  	[tilespmem:$0x1B68] =	vst v0  }
0x1b7: {  	[tilespmem:$0x1B78] =	vst v0  }
0x1b8: {  	[tilespmem:$0x1B88] =	vst v0  }
0x1b9: {  	[tilespmem:$0x1B98] =	vst v0  }
0x1ba: {  	[tilespmem:$0x1BA8] =	vst v0  }
0x1bb: {  	[tilespmem:$0x1BB8] =	vst v0  }
0x1bc: {  	[tilespmem:$0x1BC8] =	vst v0  }
0x1bd: {  	[tilespmem:$0x1BD8] =	vst v0  }
0x1be: {  	[tilespmem:$0x1BE8] =	vst v0  }
0x1bf: {  	[tilespmem:$0x1BF8] =	vst v0  }
0x1c0: {  	[tilespmem:$0x1C08] =	vst v0  }
0x1c1: {  	[tilespmem:$0x1C18] =	vst v0  }
0x1c2: {  	[tilespmem:$0x1C28] =	vst v0  }
0x1c3: {  	[tilespmem:$0x1C38] =	vst v0  }
0x1c4: {  	[tilespmem:$0x1C48] =	vst v0  }
0x1c5: {  	[tilespmem:$0x1C58] =	vst v0  }
0x1c6: {  	[tilespmem:$0x1C68] =	vst v0  }
0x1c7: {  	[tilespmem:$0x1C78] =	vst v0  }
0x1c8: {  	[tilespmem:$0x1C88] =	vst v0  }
0x1c9: {  	[tilespmem:$0x1C98] =	vst v0  }
0x1ca: {  	[tilespmem:$0x1CA8] =	vst v0  }
0x1cb: {  	[tilespmem:$0x1CB8] =	vst v0  }
0x1cc: {  	[tilespmem:$0x1CC8] =	vst v0  }
0x1cd: {  	[tilespmem:$0x1CD8] =	vst v0  }
0x1ce: {  	[tilespmem:$0x1CE8] =	vst v0  }
0x1cf: {  	[tilespmem:$0x1CF8] =	vst v0  }
0x1d0: {  	[tilespmem:$0x1D08] =	vst v0  }
0x1d1: {  	[tilespmem:$0x1D18] =	vst v0  }
0x1d2: {  	[tilespmem:$0x1D28] =	vst v0  }
0x1d3: {  	[tilespmem:$0x1D38] =	vst v0  }
0x1d4: {  	[tilespmem:$0x1D48] =	vst v0  }
0x1d5: {  	[tilespmem:$0x1D58] =	vst v0  }
0x1d6: {  	[tilespmem:$0x1D68] =	vst v0  }
0x1d7: {  	[tilespmem:$0x1D78] =	vst v0  }
0x1d8: {  	[tilespmem:$0x1D88] =	vst v0  }
0x1d9: {  	[tilespmem:$0x1D98] =	vst v0  }
0x1da: {  	[tilespmem:$0x1DA8] =	vst v0  }
0x1db: {  	[tilespmem:$0x1DB8] =	vst v0  }
0x1dc: {  	[tilespmem:$0x1DC8] =	vst v0  }
0x1dd: {  	[tilespmem:$0x1DD8] =	vst v0  }
0x1de: {  	[tilespmem:$0x1DE8] =	vst v0  }
0x1df: {  	[tilespmem:$0x1DF8] =	vst v0  }
0x1e0: {  	[tilespmem:$0x1E08] =	vst v0  }
0x1e1: {  	[tilespmem:$0x1E18] =	vst v0  }
0x1e2: {  	[tilespmem:$0x1E28] =	vst v0  }
0x1e3: {  	[tilespmem:$0x1E38] =	vst v0  }
0x1e4: {  	[tilespmem:$0x1E48] =	vst v0  }
0x1e5: {  	[tilespmem:$0x1E58] =	vst v0  }
0x1e6: {  	[tilespmem:$0x1E68] =	vst v0  }
0x1e7: {  	[tilespmem:$0x1E78] =	vst v0  }
0x1e8: {  	[tilespmem:$0x1E88] =	vst v0  }
0x1e9: {  	[tilespmem:$0x1E98] =	vst v0  }
0x1ea: {  	[tilespmem:$0x1EA8] =	vst v0  }
0x1eb: {  	[tilespmem:$0x1EB8] =	vst v0  }
0x1ec: {  	[tilespmem:$0x1EC8] =	vst v0  }
0x1ed: {  	[tilespmem:$0x1ED8] =	vst v0  }
0x1ee: {  	[tilespmem:$0x1EE8] =	vst v0  }
0x1ef: {  	[tilespmem:$0x1EF8] =	vst v0  }
0x1f0: {  	[tilespmem:$0x1F08] =	vst v0  }
0x1f1: {  	[tilespmem:$0x1F18] =	vst v0  }
0x1f2: {  	[tilespmem:$0x1F28] =	vst v0  }
0x1f3: {  	[tilespmem:$0x1F38] =	vst v0  }
0x1f4: {  	[tilespmem:$0x1F48] =	vst v0  }
0x1f5: {  	[tilespmem:$0x1F58] =	vst v0  }
0x1f6: {  	[tilespmem:$0x1F68] =	vst v0  }
0x1f7: {  	[tilespmem:$0x1F78] =	vst v0  }
0x1f8: {  	[tilespmem:$0x1F88] =	vst v0  }
0x1f9: {  	[tilespmem:$0x1F98] =	vst v0  }
0x1fa: {  	[tilespmem:$0x1FA8] =	vst v0  }
0x1fb: {  	[tilespmem:$0x1FB8] =	vst v0  }
0x1fc: {  	[tilespmem:$0x1FC8] =	vst v0  }
0x1fd: {  	[tilespmem:$0x1FD8] =	vst v0  }
0x1fe: {  	[tilespmem:$0x1FE8] =	vst v0  }
0x1ff: {  	[tilespmem:$0x1FF8] =	vst v0  }
0x200: {  	[tilespmem:$0x2008] =	vst v0  }
0x201: {  	[tilespmem:$0x2018] =	vst v0  }
0x202: {  	[tilespmem:$0x2028] =	vst v0  }
0x203: {  	[tilespmem:$0x2038] =	vst v0  }
0x204: {  	[tilespmem:$0x2048] =	vst v0  }
0x205: {  	[tilespmem:$0x2058] =	vst v0  }
0x206: {  	[tilespmem:$0x2068] =	vst v0  }
0x207: {  	[tilespmem:$0x2078] =	vst v0  }
0x208: {  	[tilespmem:$0x2088] =	vst v0  }
0x209: {  	[tilespmem:$0x2098] =	vst v0  }
0x20a: {  	[tilespmem:$0x20A8] =	vst v0  }
0x20b: {  	[tilespmem:$0x20B8] =	vst v0  }
0x20c: {  	[tilespmem:$0x20C8] =	vst v0  }
0x20d: {  	[tilespmem:$0x20D8] =	vst v0  }
0x20e: {  	[tilespmem:$0x20E8] =	vst v0  }
0x20f: {  	[tilespmem:$0x20F8] =	vst v0  }
0x210: {  	[tilespmem:$0x2108] =	vst v0  }
0x211: {  	[tilespmem:$0x2118] =	vst v0  }
0x212: {  	[tilespmem:$0x2128] =	vst v0  }
0x213: {  	[tilespmem:$0x2138] =	vst v0  }
0x214: {  	[tilespmem:$0x2148] =	vst v0  }
0x215: {  	[tilespmem:$0x2158] =	vst v0  }
0x216: {  	[tilespmem:$0x2168] =	vst v0  }
0x217: {  	[tilespmem:$0x2178] =	vst v0  }
0x218: {  	[tilespmem:$0x2188] =	vst v0  }
0x219: {  	[tilespmem:$0x2198] =	vst v0  }
0x21a: {  	[tilespmem:$0x21A8] =	vst v0  }
0x21b: {  	[tilespmem:$0x21B8] =	vst v0  }
0x21c: {  	[tilespmem:$0x21C8] =	vst v0  }
0x21d: {  	[tilespmem:$0x21D8] =	vst v0  }
0x21e: {  	[tilespmem:$0x21E8] =	vst v0  }
0x21f: {  	[tilespmem:$0x21F8] =	vst v0  }
0x220: {  	[tilespmem:$0x2208] =	vst v0  }
0x221: {  	[tilespmem:$0x2218] =	vst v0  }
0x222: {  	[tilespmem:$0x2228] =	vst v0  }
0x223: {  	[tilespmem:$0x2238] =	vst v0  }
0x224: {  	[tilespmem:$0x2248] =	vst v0  }
0x225: {  	[tilespmem:$0x2258] =	vst v0  }
0x226: {  	[tilespmem:$0x2268] =	vst v0  }
0x227: {  	[tilespmem:$0x2278] =	vst v0  }
0x228: {  	[tilespmem:$0x2288] =	vst v0  }
0x229: {  	[tilespmem:$0x2298] =	vst v0  }
0x22a: {  	[tilespmem:$0x22A8] =	vst v0  }
0x22b: {  	[tilespmem:$0x22B8] =	vst v0  }
0x22c: {  	[tilespmem:$0x22C8] =	vst v0  }
0x22d: {  	[tilespmem:$0x22D8] =	vst v0  }
0x22e: {  	[tilespmem:$0x22E8] =	vst v0  }
0x22f: {  	[tilespmem:$0x22F8] =	vst v0  }
0x230: {  	[tilespmem:$0x2308] =	vst v0  }
0x231: {  	[tilespmem:$0x2318] =	vst v0  }
0x232: {  	[tilespmem:$0x2328] =	vst v0  }
0x233: {  	[tilespmem:$0x2338] =	vst v0  }
0x234: {  	[tilespmem:$0x2348] =	vst v0  }
0x235: {  	[tilespmem:$0x2358] =	vst v0  }
0x236: {  	[tilespmem:$0x2368] =	vst v0  }
0x237: {  	[tilespmem:$0x2378] =	vst v0  }
0x238: {  	[tilespmem:$0x23A8] =	vst v0  }
0x239: {  	[tilespmem:$0x23B8] =	vst v0  }
0x23a: {  	[tilespmem:$0x23C8] =	vst v0  }
0x23b: {  	[tilespmem:$0x23D8] =	vst v0  }
0x23c: {  	[tilespmem:$0x23E8] =	vst v0  }
0x23d: {  	[tilespmem:$0x23F8] =	vst v0  }
0x23e: {  	[tilespmem:$0x2408] =	vst v0  }
0x23f: {  	[tilespmem:$0x2418] =	vst v0  }
0x240: {  	[tilespmem:$0x2428] =	vst v0  }
0x241: {  	[tilespmem:$0x2438] =	vst v0  }
0x242: {  	[tilespmem:$0x2448] =	vst v0  }
0x243: {  	[tilespmem:$0x2458] =	vst v0  }
0x244: {  	[tilespmem:$0x2468] =	vst v0  }
0x245: {  	[tilespmem:$0x2478] =	vst v0  }
0x246: {  	[tilespmem:$0x2488] =	vst v0  }
0x247: {  	[tilespmem:$0x2498] =	vst v0  }
0x248: {  	[tilespmem:$0x24A8] =	vst v0  }
0x249: {  	[tilespmem:$0x24B8] =	vst v0  }
0x24a: {  	[tilespmem:$0x24C8] =	vst v0  }
0x24b: {  	[tilespmem:$0x24D8] =	vst v0  }
0x24c: {  	[tilespmem:$0x24E8] =	vst v0  }
0x24d: {  	[tilespmem:$0x24F8] =	vst v0  }
0x24e: {  	[tilespmem:$0x2508] =	vst v0  }
0x24f: {  	[tilespmem:$0x2518] =	vst v0  }
0x250: {  	[tilespmem:$0x2528] =	vst v0  }
0x251: {  	[tilespmem:$0x2538] =	vst v0  }
0x252: {  	[tilespmem:$0x2548] =	vst v0  }
0x253: {  	[tilespmem:$0x2558] =	vst v0  }
0x254: {  	[tilespmem:$0x2568] =	vst v0  }
0x255: {  	[tilespmem:$0x2578] =	vst v0  }
0x256: {  	[tilespmem:$0x2588] =	vst v0  }
0x257: {  	[tilespmem:$0x2598] =	vst v0  }
0x258: {  	[tilespmem:$0x25A8] =	vst v0  }
0x259: {  	[tilespmem:$0x25B8] =	vst v0  }
0x25a: {  	[tilespmem:$0x25C8] =	vst v0  }
0x25b: {  	[tilespmem:$0x25D8] =	vst v0  }
0x25c: {  	[tilespmem:$0x25E8] =	vst v0  }
0x25d: {  	[tilespmem:$0x25F8] =	vst v0  }
0x25e: {  	[tilespmem:$0x2608] =	vst v0  }
0x25f: {  	[tilespmem:$0x2618] =	vst v0  }
0x260: {  	[tilespmem:$0x2628] =	vst v0  }
0x261: {  	[tilespmem:$0x2638] =	vst v0  }
0x262: {  	[tilespmem:$0x2648] =	vst v0  }
0x263: {  	[tilespmem:$0x2658] =	vst v0  }
0x264: {  	[tilespmem:$0x2668] =	vst v0  }
0x265: {  	[tilespmem:$0x2678] =	vst v0  }
0x266: {  	[tilespmem:$0x2688] =	vst v0  }
0x267: {  	[tilespmem:$0x2698] =	vst v0  }
0x268: {  	[tilespmem:$0x26A8] =	vst v0  }
0x269: {  	[tilespmem:$0x26B8] =	vst v0  }
0x26a: {  	[tilespmem:$0x26C8] =	vst v0  }
0x26b: {  	[tilespmem:$0x26D8] =	vst v0  }
0x26c: {  	[tilespmem:$0x26E8] =	vst v0  }
0x26d: {  	[tilespmem:$0x26F8] =	vst v0  }
0x26e: {  	[tilespmem:$0x2708] =	vst v0  }
0x26f: {  	[tilespmem:$0x2718] =	vst v0  }
0x270: {  	[tilespmem:$0x2728] =	vst v0  }
0x271: {  	[tilespmem:$0x2738] =	vst v0  }
0x272: {  	[tilespmem:$0x2748] =	vst v0  }
0x273: {  	[tilespmem:$0x2758] =	vst v0  }
0x274: {  	[tilespmem:$0x2768] =	vst v0  }
0x275: {  	[tilespmem:$0x2778] =	vst v0  }
0x276: {  	[tilespmem:$0x2788] =	vst v0  }
0x277: {  	[tilespmem:$0x2798] =	vst v0  }
0x278: {  	[tilespmem:$0x27A8] =	vst v0  }
0x279: {  	[tilespmem:$0x27B8] =	vst v0  }
0x27a: {  	[tilespmem:$0x27C8] =	vst v0  }
0x27b: {  	[tilespmem:$0x27D8] =	vst v0  }
0x27c: {  	[tilespmem:$0x27E8] =	vst v0  }
0x27d: {  	[tilespmem:$0x27F8] =	vst v0  }
0x27e: {  	[tilespmem:$0x2808] =	vst v0  }
0x27f: {  	[tilespmem:$0x2818] =	vst v0  }
0x280: {  	[tilespmem:$0x2828] =	vst v0  }
0x281: {  	[tilespmem:$0x2838] =	vst v0  }
0x282: {  	[tilespmem:$0x2848] =	vst v0  }
0x283: {  	[tilespmem:$0x2858] =	vst v0  }
0x284: {  	[tilespmem:$0x2868] =	vst v0  }
0x285: {  	[tilespmem:$0x2878] =	vst v0  }
0x286: {  	[tilespmem:$0x2888] =	vst v0  }
0x287: {  	[tilespmem:$0x2898] =	vst v0  }
0x288: {  	[tilespmem:$0x28A8] =	vst v0  }
0x289: {  	[tilespmem:$0x28B8] =	vst v0  }
0x28a: {  	[tilespmem:$0x28C8] =	vst v0  }
0x28b: {  	[tilespmem:$0x28D8] =	vst v0  }
0x28c: {  	[tilespmem:$0x28E8] =	vst v0  }
0x28d: {  	[tilespmem:$0x28F8] =	vst v0  }
0x28e: {  	[tilespmem:$0x2908] =	vst v0  }
0x28f: {  	[tilespmem:$0x2918] =	vst v0  }
0x290: {  	[tilespmem:$0x2928] =	vst v0  }
0x291: {  	[tilespmem:$0x2938] =	vst v0  }
0x292: {  	[tilespmem:$0x2948] =	vst v0  }
0x293: {  	[tilespmem:$0x2958] =	vst v0  }
0x294: {  	[tilespmem:$0x2968] =	vst v0  }
0x295: {  	[tilespmem:$0x2978] =	vst v0  }
0x296: {  	[tilespmem:$0x2988] =	vst v0  }
0x297: {  	[tilespmem:$0x2998] =	vst v0  }
0x298: {  	[tilespmem:$0x29A8] =	vst v0  }
0x299: {  	[tilespmem:$0x29B8] =	vst v0  }
0x29a: {  	[tilespmem:$0x29C8] =	vst v0  }
0x29b: {  	[tilespmem:$0x29D8] =	vst v0  }
0x29c: {  	[tilespmem:$0x29E8] =	vst v0  }
0x29d: {  	[tilespmem:$0x29F8] =	vst v0  }
0x29e: {  	[tilespmem:$0x2A08] =	vst v0  }
0x29f: {  	[tilespmem:$0x2A18] =	vst v0  }
0x2a0: {  	[tilespmem:$0x2A28] =	vst v0  }
0x2a1: {  	[tilespmem:$0x2A38] =	vst v0  }
0x2a2: {  	[tilespmem:$0x2A48] =	vst v0  }
0x2a3: {  	[tilespmem:$0x2A58] =	vst v0  }
0x2a4: {  	[tilespmem:$0x2A68] =	vst v0  }
0x2a5: {  	[tilespmem:$0x2A78] =	vst v0  }
0x2a6: {  	[tilespmem:$0x2A88] =	vst v0  }
0x2a7: {  	[tilespmem:$0x2A98] =	vst v0  }
0x2a8: {  	[tilespmem:$0x2AA8] =	vst v0  }
0x2a9: {  	[tilespmem:$0x2AB8] =	vst v0  }
0x2aa: {  	[tilespmem:$0x2AC8] =	vst v0  }
0x2ab: {  	[tilespmem:$0x2AD8] =	vst v0  }
0x2ac: {  	[tilespmem:$0x2AE8] =	vst v0  }
0x2ad: {  	[tilespmem:$0x2AF8] =	vst v0  }
0x2ae: {  	[tilespmem:$0x2B08] =	vst v0  }
0x2af: {  	[tilespmem:$0x2B18] =	vst v0  }
0x2b0: {  	[tilespmem:$0x2B28] =	vst v0  }
0x2b1: {  	[tilespmem:$0x2B38] =	vst v0  }
0x2b2: {  	[tilespmem:$0x2B48] =	vst v0  }
0x2b3: {  	[tilespmem:$0x2B58] =	vst v0  }
0x2b4: {  	[tilespmem:$0x2B68] =	vst v0  }
0x2b5: {  	[tilespmem:$0x2B78] =	vst v0  }
0x2b6: {  	[tilespmem:$0x2B88] =	vst v0  }
0x2b7: {  	[tilespmem:$0x2B98] =	vst v0  }
0x2b8: {  	[tilespmem:$0x2BA8] =	vst v0  }
0x2b9: {  	[tilespmem:$0x2BB8] =	vst v0  }
0x2ba: {  	[tilespmem:$0x2BC8] =	vst v0  }
0x2bb: {  	[tilespmem:$0x2BD8] =	vst v0  }
0x2bc: {  	[tilespmem:$0x2BE8] =	vst v0  }
0x2bd: {  	[tilespmem:$0x2BF8] =	vst v0  }
0x2be: {  	[tilespmem:$0x2C08] =	vst v0  }
0x2bf: {  	[tilespmem:$0x2C18] =	vst v0  }
0x2c0: {  	[tilespmem:$0x2C28] =	vst v0  }
0x2c1: {  	[tilespmem:$0x2C38] =	vst v0  }
0x2c2: {  	[tilespmem:$0x2C48] =	vst v0  }
0x2c3: {  	[tilespmem:$0x2C58] =	vst v0  }
0x2c4: {  	[tilespmem:$0x2C68] =	vst v0  }
0x2c5: {  	[tilespmem:$0x2C78] =	vst v0  }
0x2c6: {  	[tilespmem:$0x2C88] =	vst v0  }
0x2c7: {  	[tilespmem:$0x2C98] =	vst v0  }
0x2c8: {  	[tilespmem:$0x2CA8] =	vst v0  }
0x2c9: {  	[tilespmem:$0x2CB8] =	vst v0  }
0x2ca: {  	[tilespmem:$0x2CC8] =	vst v0  }
0x2cb: {  	[tilespmem:$0x2CD8] =	vst v0  }
0x2cc: {  	[tilespmem:$0x2CE8] =	vst v0  }
0x2cd: {  	[tilespmem:$0x2CF8] =	vst v0  }
0x2ce: {  	[tilespmem:$0x2D08] =	vst v0  }
0x2cf: {  	[tilespmem:$0x2D18] =	vst v0  }
0x2d0: {  	[tilespmem:$0x2D28] =	vst v0  }
0x2d1: {  	[tilespmem:$0x2D38] =	vst v0  }
0x2d2: {  	[tilespmem:$0x2D48] =	vst v0  }
0x2d3: {  	[tilespmem:$0x2D58] =	vst v0  }
0x2d4: {  	[tilespmem:$0x2D68] =	vst v0  }
0x2d5: {  	[tilespmem:$0x2D78] =	vst v0  }
0x2d6: {  	[tilespmem:$0x2D88] =	vst v0  }
0x2d7: {  	[tilespmem:$0x2D98] =	vst v0  }
0x2d8: {  	[tilespmem:$0x2DA8] =	vst v0  }
0x2d9: {  	[tilespmem:$0x2DB8] =	vst v0  }
0x2da: {  	[tilespmem:$0x2DC8] =	vst v0  }
0x2db: {  	[tilespmem:$0x2DD8] =	vst v0  }
0x2dc: {  	[tilespmem:$0x2DE8] =	vst v0  }
0x2dd: {  	[tilespmem:$0x2DF8] =	vst v0  }
0x2de: {  	[tilespmem:$0x2E08] =	vst v0  }
0x2df: {  	[tilespmem:$0x2E18] =	vst v0  }
0x2e0: {  	[tilespmem:$0x2E28] =	vst v0  }
0x2e1: {  	[tilespmem:$0x2E38] =	vst v0  }
0x2e2: {  	[tilespmem:$0x2E48] =	vst v0  }
0x2e3: {  	[tilespmem:$0x2E58] =	vst v0  }
0x2e4: {  	[tilespmem:$0x2E68] =	vst v0  }
0x2e5: {  	[tilespmem:$0x2E78] =	vst v0  }
0x2e6: {  	[tilespmem:$0x2E88] =	vst v0  }
0x2e7: {  	[tilespmem:$0x2E98] =	vst v0  }
0x2e8: {  	[tilespmem:$0x2EA8] =	vst v0  }
0x2e9: {  	[tilespmem:$0x2EB8] =	vst v0  }
0x2ea: {  	[tilespmem:$0x2EC8] =	vst v0  }
0x2eb: {  	[tilespmem:$0x2ED8] =	vst v0  }
0x2ec: {  	[tilespmem:$0x2EE8] =	vst v0  }
0x2ed: {  	[tilespmem:$0x2EF8] =	vst v0  }
0x2ee: {  	[tilespmem:$0x2F08] =	vst v0  }
0x2ef: {  	[tilespmem:$0x2F18] =	vst v0  }
0x2f0: {  	[tilespmem:$0x2F28] =	vst v0  }
0x2f1: {  	[tilespmem:$0x2F38] =	vst v0  }
0x2f2: {  	[tilespmem:$0x2F48] =	vst v0  }
0x2f3: {  	[tilespmem:$0x2F58] =	vst v0  }
0x2f4: {  	[tilespmem:$0x2F68] =	vst v0  }
0x2f5: {  	[tilespmem:$0x2F78] =	vst v0  }
0x2f6: {  	[tilespmem:$0x2F88] =	vst v0  }
0x2f7: {  	[tilespmem:$0x2F98] =	vst v0  }
0x2f8: {  	[tilespmem:$0x2FA8] =	vst v0  }
0x2f9: {  	[tilespmem:$0x2FB8] =	vst v0  }
0x2fa: {  	[tilespmem:$0x2FC8] =	vst v0  }
0x2fb: {  	[tilespmem:$0x2FD8] =	vst v0  }
0x2fc: {  	[tilespmem:$0x2FE8] =	vst v0  }
0x2fd: {  	[tilespmem:$0x2FF8] =	vst v0  }
0x2fe: {  	[tilespmem:$0x3008] =	vst v0  }
0x2ff: {  	[tilespmem:$0x3018] =	vst v0  }
0x300: {  	[tilespmem:$0x3028] =	vst v0  }
0x301: {  	[tilespmem:$0x3038] =	vst v0  }
0x302: {  	[tilespmem:$0x3048] =	vst v0  }
0x303: {  	[tilespmem:$0x3058] =	vst v0  }
0x304: {  	[tilespmem:$0x3068] =	vst v0  }
0x305: {  	[tilespmem:$0x3078] =	vst v0  }
0x306: {  	[tilespmem:$0x3088] =	vst v0  }
0x307: {  	[tilespmem:$0x3098] =	vst v0  }
0x308: {  	[tilespmem:$0x30A8] =	vst v0  }
0x309: {  	[tilespmem:$0x30B8] =	vst v0  }
0x30a: {  	[tilespmem:$0x30C8] =	vst v0  }
0x30b: {  	[tilespmem:$0x30D8] =	vst v0  }
0x30c: {  	[tilespmem:$0x30E8] =	vst v0  }
0x30d: {  	[tilespmem:$0x30F8] =	vst v0  }
0x30e: {  	[tilespmem:$0x3108] =	vst v0  }
0x30f: {  	[tilespmem:$0x3118] =	vst v0  }
0x310: {  	[tilespmem:$0x3128] =	vst v0  }
0x311: {  	[tilespmem:$0x3138] =	vst v0  }
0x312: {  	[tilespmem:$0x3148] =	vst v0  }
0x313: {  	[tilespmem:$0x3158] =	vst v0  }
0x314: {  	[tilespmem:$0x3168] =	vst v0  }
0x315: {  	[tilespmem:$0x3178] =	vst v0  }
0x316: {  	[tilespmem:$0x3188] =	vst v0  }
0x317: {  	[tilespmem:$0x3198] =	vst v0  }
0x318: {  	[tilespmem:$0x31A8] =	vst v0  }
0x319: {  	[tilespmem:$0x31B8] =	vst v0  }
0x31a: {  	[tilespmem:$0x31C8] =	vst v0  }
0x31b: {  	[tilespmem:$0x31D8] =	vst v0  }
0x31c: {  	[tilespmem:$0x31E8] =	vst v0  }
0x31d: {  	[tilespmem:$0x31F8] =	vst v0  }
0x31e: {  	[tilespmem:$0x3208] =	vst v0  }
0x31f: {  	[tilespmem:$0x3218] =	vst v0  }
0x320: {  	[tilespmem:$0x3228] =	vst v0  }
0x321: {  	[tilespmem:$0x3238] =	vst v0  }
0x322: {  	[tilespmem:$0x3248] =	vst v0  }
0x323: {  	[tilespmem:$0x3258] =	vst v0  }
0x324: {  	[tilespmem:$0x3268] =	vst v0  }
0x325: {  	[tilespmem:$0x3278] =	vst v0  }
0x326: {  	[tilespmem:$0x3288] =	vst v0  }
0x327: {  	[tilespmem:$0x3298] =	vst v0  }
0x328: {  	[tilespmem:$0x32A8] =	vst v0  }
0x329: {  	[tilespmem:$0x32B8] =	vst v0  }
0x32a: {  	[tilespmem:$0x32C8] =	vst v0  }
0x32b: {  	[tilespmem:$0x32D8] =	vst v0  }
0x32c: {  	[tilespmem:$0x32E8] =	vst v0  }
0x32d: {  	[tilespmem:$0x32F8] =	vst v0  }
0x32e: {  	[tilespmem:$0x3308] =	vst v0  }
0x32f: {  	[tilespmem:$0x3318] =	vst v0  }
0x330: {  	[tilespmem:$0x3328] =	vst v0  }
0x331: {  	[tilespmem:$0x3338] =	vst v0  }
0x332: {  	[tilespmem:$0x3348] =	vst v0  }
0x333: {  	[tilespmem:$0x3358] =	vst v0  }
0x334: {  	[tilespmem:$0x3368] =	vst v0  }
0x335: {  	[tilespmem:$0x3378] =	vst v0  }
0x336: {  	[tilespmem:$0x3388] =	vst v0  }
0x337: {  	[tilespmem:$0x3398] =	vst v0  }
0x338: {  	[tilespmem:$0x3448] =	vst v0  }
0x339: {  	[tilespmem:$0x4288] =	vst v0  }
0x33a: {  	[tilespmem:$0x4278] =	vst v0  }
0x33b: {  	[tilespmem:$0x4268] =	vst v0  }
0x33c: {  	[tilespmem:$0x4258] =	vst v0  }
0x33d: {  	[tilespmem:$0x4248] =	vst v0  }
0x33e: {  	[tilespmem:$0x4238] =	vst v0  }
0x33f: {  	[tilespmem:$0x4228] =	vst v0  }
0x340: {  	[tilespmem:$0x4218] =	vst v0  }
0x341: {  	[tilespmem:$0x4208] =	vst v0  }
0x342: {  	[tilespmem:$0x41F8] =	vst v0  }
0x343: {  	[tilespmem:$0x41E8] =	vst v0  }
0x344: {  	[tilespmem:$0x41D8] =	vst v0  }
0x345: {  	[tilespmem:$0x41C8] =	vst v0  }
0x346: {  	[tilespmem:$0x41B8] =	vst v0  }
0x347: {  	[tilespmem:$0x41A8] =	vst v0  }
0x348: {  	[tilespmem:$0x4198] =	vst v0  }
0x349: {  	[tilespmem:$0x4188] =	vst v0  }
0x34a: {  	[tilespmem:$0x4178] =	vst v0  }
0x34b: {  	[tilespmem:$0x4168] =	vst v0  }
0x34c: {  	[tilespmem:$0x4158] =	vst v0  }
0x34d: {  	[tilespmem:$0x4148] =	vst v0  }
0x34e: {  	[tilespmem:$0x4138] =	vst v0  }
0x34f: {  	[tilespmem:$0x4128] =	vst v0  }
0x350: {  	[tilespmem:$0x4118] =	vst v0  }
0x351: {  	[tilespmem:$0x4108] =	vst v0  }
0x352: {  	[tilespmem:$0x40F8] =	vst v0  }
0x353: {  	[tilespmem:$0x40E8] =	vst v0  }
0x354: {  	[tilespmem:$0x40D8] =	vst v0  }
0x355: {  	[tilespmem:$0x40C8] =	vst v0  }
0x356: {  	[tilespmem:$0x40B8] =	vst v0  }
0x357: {  	[tilespmem:$0x40A8] =	vst v0  }
0x358: {  	[tilespmem:$0x4098] =	vst v0  }
0x359: {  	[tilespmem:$0x4088] =	vst v0  }
0x35a: {  	[tilespmem:$0x4078] =	vst v0  }
0x35b: {  	[tilespmem:$0x4068] =	vst v0  }
0x35c: {  	[tilespmem:$0x4058] =	vst v0  }
0x35d: {  	[tilespmem:$0x4048] =	vst v0  }
0x35e: {  	[tilespmem:$0x4038] =	vst v0  }
0x35f: {  	[tilespmem:$0x4028] =	vst v0  }
0x360: {  	[tilespmem:$0x4018] =	vst v0  }
0x361: {  	[tilespmem:$0x4008] =	vst v0  }
0x362: {  	[tilespmem:$0x3FF8] =	vst v0  }
0x363: {  	[tilespmem:$0x3FE8] =	vst v0  }
0x364: {  	[tilespmem:$0x3FD8] =	vst v0  }
0x365: {  	[tilespmem:$0x3FC8] =	vst v0  }
0x366: {  	[tilespmem:$0x3FB8] =	vst v0  }
0x367: {  	[tilespmem:$0x3FA8] =	vst v0  }
0x368: {  	[tilespmem:$0x3F98] =	vst v0  }
0x369: {  	[tilespmem:$0x3F88] =	vst v0  }
0x36a: {  	[tilespmem:$0x3F78] =	vst v0  }
0x36b: {  	[tilespmem:$0x3F68] =	vst v0  }
0x36c: {  	[tilespmem:$0x3F58] =	vst v0  }
0x36d: {  	[tilespmem:$0x3F48] =	vst v0  }
0x36e: {  	[tilespmem:$0x3F38] =	vst v0  }
0x36f: {  	[tilespmem:$0x3F28] =	vst v0  }
0x370: {  	[tilespmem:$0x3F18] =	vst v0  }
0x371: {  	[tilespmem:$0x3F08] =	vst v0  }
0x372: {  	[tilespmem:$0x3EF8] =	vst v0  }
0x373: {  	[tilespmem:$0x3EE8] =	vst v0  }
0x374: {  	[tilespmem:$0x3ED8] =	vst v0  }
0x375: {  	[tilespmem:$0x3EC8] =	vst v0  }
0x376: {  	[tilespmem:$0x3EB8] =	vst v0  }
0x377: {  	[tilespmem:$0x3EA8] =	vst v0  }
0x378: {  	[tilespmem:$0x3E98] =	vst v0  }
0x379: {  	[tilespmem:$0x3E88] =	vst v0  }
0x37a: {  	[tilespmem:$0x3E78] =	vst v0  }
0x37b: {  	[tilespmem:$0x3E68] =	vst v0  }
0x37c: {  	[tilespmem:$0x3E58] =	vst v0  }
0x37d: {  	[tilespmem:$0x3E48] =	vst v0  }
0x37e: {  	[tilespmem:$0x3E38] =	vst v0  }
0x37f: {  	[tilespmem:$0x3E28] =	vst v0  }
0x380: {  	[tilespmem:$0x3E18] =	vst v0  }
0x381: {  	[tilespmem:$0x3E08] =	vst v0  }
0x382: {  	[tilespmem:$0x3DF8] =	vst v0  }
0x383: {  	[tilespmem:$0x3DE8] =	vst v0  }
0x384: {  	[tilespmem:$0x3DD8] =	vst v0  }
0x385: {  	[tilespmem:$0x3DC8] =	vst v0  }
0x386: {  	[tilespmem:$0x3DB8] =	vst v0  }
0x387: {  	[tilespmem:$0x3DA8] =	vst v0  }
0x388: {  	[tilespmem:$0x3D98] =	vst v0  }
0x389: {  	[tilespmem:$0x3D88] =	vst v0  }
0x38a: {  	[tilespmem:$0x3D78] =	vst v0  }
0x38b: {  	[tilespmem:$0x3D68] =	vst v0  }
0x38c: {  	[tilespmem:$0x3D58] =	vst v0  }
0x38d: {  	[tilespmem:$0x3D48] =	vst v0  }
0x38e: {  	[tilespmem:$0x3D38] =	vst v0  }
0x38f: {  	[tilespmem:$0x3D28] =	vst v0  }
0x390: {  	[tilespmem:$0x3D18] =	vst v0  }
0x391: {  	[tilespmem:$0x3D08] =	vst v0  }
0x392: {  	[tilespmem:$0x3CF8] =	vst v0  }
0x393: {  	[tilespmem:$0x3CE8] =	vst v0  }
0x394: {  	[tilespmem:$0x3CD8] =	vst v0  }
0x395: {  	[tilespmem:$0x3CC8] =	vst v0  }
0x396: {  	[tilespmem:$0x3CB8] =	vst v0  }
0x397: {  	[tilespmem:$0x3CA8] =	vst v0  }
0x398: {  	[tilespmem:$0x3C98] =	vst v0  }
0x399: {  	[tilespmem:$0x3C88] =	vst v0  }
0x39a: {  	[tilespmem:$0x3C78] =	vst v0  }
0x39b: {  	[tilespmem:$0x3C68] =	vst v0  }
0x39c: {  	[tilespmem:$0x3C58] =	vst v0  }
0x39d: {  	[tilespmem:$0x3C48] =	vst v0  }
0x39e: {  	[tilespmem:$0x3C38] =	vst v0  }
0x39f: {  	[tilespmem:$0x3C28] =	vst v0  }
0x3a0: {  	[tilespmem:$0x3C18] =	vst v0  }
0x3a1: {  	[tilespmem:$0x3C08] =	vst v0  }
0x3a2: {  	[tilespmem:$0x3BF8] =	vst v0  }
0x3a3: {  	[tilespmem:$0x3BE8] =	vst v0  }
0x3a4: {  	[tilespmem:$0x3BD8] =	vst v0  }
0x3a5: {  	[tilespmem:$0x3BC8] =	vst v0  }
0x3a6: {  	[tilespmem:$0x3BB8] =	vst v0  }
0x3a7: {  	[tilespmem:$0x3BA8] =	vst v0  }
0x3a8: {  	[tilespmem:$0x3B98] =	vst v0  }
0x3a9: {  	[tilespmem:$0x3B88] =	vst v0  }
0x3aa: {  	[tilespmem:$0x3B78] =	vst v0  }
0x3ab: {  	[tilespmem:$0x3B68] =	vst v0  }
0x3ac: {  	[tilespmem:$0x3B58] =	vst v0  }
0x3ad: {  	[tilespmem:$0x3B48] =	vst v0  }
0x3ae: {  	[tilespmem:$0x3B38] =	vst v0  }
0x3af: {  	[tilespmem:$0x3B28] =	vst v0  }
0x3b0: {  	[tilespmem:$0x3B18] =	vst v0  }
0x3b1: {  	[tilespmem:$0x3B08] =	vst v0  }
0x3b2: {  	[tilespmem:$0x3AF8] =	vst v0  }
0x3b3: {  	[tilespmem:$0x3AE8] =	vst v0  }
0x3b4: {  	[tilespmem:$0x3AD8] =	vst v0  }
0x3b5: {  	[tilespmem:$0x3AC8] =	vst v0  }
0x3b6: {  	[tilespmem:$0x3AB8] =	vst v0  }
0x3b7: {  	[tilespmem:$0x3AA8] =	vst v0  }
0x3b8: {  	[tilespmem:$0x3A98] =	vst v0  }
0x3b9: {  	[tilespmem:$0x3A88] =	vst v0  }
0x3ba: {  	[tilespmem:$0x3A78] =	vst v0  }
0x3bb: {  	[tilespmem:$0x3A68] =	vst v0  }
0x3bc: {  	[tilespmem:$0x3A58] =	vst v0  }
0x3bd: {  	[tilespmem:$0x3A48] =	vst v0  }
0x3be: {  	[tilespmem:$0x3A38] =	vst v0  }
0x3bf: {  	[tilespmem:$0x3A28] =	vst v0  }
0x3c0: {  	[tilespmem:$0x3A18] =	vst v0  }
0x3c1: {  	[tilespmem:$0x3A08] =	vst v0  }
0x3c2: {  	[tilespmem:$0x39F8] =	vst v0  }
0x3c3: {  	[tilespmem:$0x39E8] =	vst v0  }
0x3c4: {  	[tilespmem:$0x39D8] =	vst v0  }
0x3c5: {  	[tilespmem:$0x39C8] =	vst v0  }
0x3c6: {  	[tilespmem:$0x39B8] =	vst v0  }
0x3c7: {  	[tilespmem:$0x39A8] =	vst v0  }
0x3c8: {  	[tilespmem:$0x3998] =	vst v0  }
0x3c9: {  	[tilespmem:$0x3988] =	vst v0  }
0x3ca: {  	[tilespmem:$0x3978] =	vst v0  }
0x3cb: {  	[tilespmem:$0x3968] =	vst v0  }
0x3cc: {  	[tilespmem:$0x3958] =	vst v0  }
0x3cd: {  	[tilespmem:$0x3948] =	vst v0  }
0x3ce: {  	[tilespmem:$0x3938] =	vst v0  }
0x3cf: {  	[tilespmem:$0x3928] =	vst v0  }
0x3d0: {  	[tilespmem:$0x3918] =	vst v0  }
0x3d1: {  	[tilespmem:$0x3908] =	vst v0  }
0x3d2: {  	[tilespmem:$0x38F8] =	vst v0  }
0x3d3: {  	[tilespmem:$0x38E8] =	vst v0  }
0x3d4: {  	[tilespmem:$0x38D8] =	vst v0  }
0x3d5: {  	[tilespmem:$0x38C8] =	vst v0  }
0x3d6: {  	[tilespmem:$0x38B8] =	vst v0  }
0x3d7: {  	[tilespmem:$0x38A8] =	vst v0  }
0x3d8: {  	[tilespmem:$0x3898] =	vst v0  }
0x3d9: {  	[tilespmem:$0x3888] =	vst v0  }
0x3da: {  	[tilespmem:$0x3878] =	vst v0  }
0x3db: {  	[tilespmem:$0x3868] =	vst v0  }
0x3dc: {  	[tilespmem:$0x3858] =	vst v0  }
0x3dd: {  	[tilespmem:$0x3848] =	vst v0  }
0x3de: {  	[tilespmem:$0x3838] =	vst v0  }
0x3df: {  	[tilespmem:$0x3828] =	vst v0  }
0x3e0: {  	[tilespmem:$0x3818] =	vst v0  }
0x3e1: {  	[tilespmem:$0x3808] =	vst v0  }
0x3e2: {  	[tilespmem:$0x37F8] =	vst v0  }
0x3e3: {  	[tilespmem:$0x37E8] =	vst v0  }
0x3e4: {  	[tilespmem:$0x37D8] =	vst v0  }
0x3e5: {  	[tilespmem:$0x37C8] =	vst v0  }
0x3e6: {  	[tilespmem:$0x37B8] =	vst v0  }
0x3e7: {  	[tilespmem:$0x37A8] =	vst v0  }
0x3e8: {  	[tilespmem:$0x3798] =	vst v0  }
0x3e9: {  	[tilespmem:$0x3788] =	vst v0  }
0x3ea: {  	[tilespmem:$0x3778] =	vst v0  }
0x3eb: {  	[tilespmem:$0x3768] =	vst v0  }
0x3ec: {  	[tilespmem:$0x3758] =	vst v0  }
0x3ed: {  	[tilespmem:$0x3748] =	vst v0  }
0x3ee: {  	[tilespmem:$0x3738] =	vst v0  }
0x3ef: {  	[tilespmem:$0x3728] =	vst v0  }
0x3f0: {  	[tilespmem:$0x3718] =	vst v0  }
0x3f1: {  	[tilespmem:$0x3708] =	vst v0  }
0x3f2: {  	[tilespmem:$0x36F8] =	vst v0  }
0x3f3: {  	[tilespmem:$0x36E8] =	vst v0  }
0x3f4: {  	[tilespmem:$0x36D8] =	vst v0  }
0x3f5: {  	[tilespmem:$0x36C8] =	vst v0  }
0x3f6: {  	[tilespmem:$0x36B8] =	vst v0  }
0x3f7: {  	[tilespmem:$0x36A8] =	vst v0  }
0x3f8: {  	[tilespmem:$0x3698] =	vst v0  }
0x3f9: {  	[tilespmem:$0x3688] =	vst v0  }
0x3fa: {  	[tilespmem:$0x3678] =	vst v0  }
0x3fb: {  	[tilespmem:$0x3668] =	vst v0  }
0x3fc: {  	[tilespmem:$0x3658] =	vst v0  }
0x3fd: {  	[tilespmem:$0x3648] =	vst v0  }
0x3fe: {  	[tilespmem:$0x3638] =	vst v0  }
0x3ff: {  	[tilespmem:$0x3628] =	vst v0  }
0x400: {  	[tilespmem:$0x3618] =	vst v0  }
0x401: {  	[tilespmem:$0x3608] =	vst v0  }
0x402: {  	[tilespmem:$0x35F8] =	vst v0  }
0x403: {  	[tilespmem:$0x35E8] =	vst v0  }
0x404: {  	[tilespmem:$0x35D8] =	vst v0  }
0x405: {  	[tilespmem:$0x35C8] =	vst v0  }
0x406: {  	[tilespmem:$0x35B8] =	vst v0  }
0x407: {  	[tilespmem:$0x35A8] =	vst v0  }
0x408: {  	[tilespmem:$0x3598] =	vst v0  }
0x409: {  	[tilespmem:$0x3588] =	vst v0  }
0x40a: {  	[tilespmem:$0x3578] =	vst v0  }
0x40b: {  	[tilespmem:$0x3568] =	vst v0  }
0x40c: {  	[tilespmem:$0x3558] =	vst v0  }
0x40d: {  	[tilespmem:$0x3548] =	vst v0  }
0x40e: {  	[tilespmem:$0x3538] =	vst v0  }
0x40f: {  	[tilespmem:$0x3528] =	vst v0  }
0x410: {  	[tilespmem:$0x3518] =	vst v0  }
0x411: {  	[tilespmem:$0x3508] =	vst v0  }
0x412: {  	[tilespmem:$0x34F8] =	vst v0  }
0x413: {  	[tilespmem:$0x34E8] =	vst v0  }
0x414: {  	[tilespmem:$0x34D8] =	vst v0  }
0x415: {  	[tilespmem:$0x34C8] =	vst v0  }
0x416: {  	[tilespmem:$0x34B8] =	vst v0  }
0x417: {  	[tilespmem:$0x34A8] =	vst v0  }
0x418: {  	[tilespmem:$0x3498] =	vst v0  }
0x419: {  	[tilespmem:$0x3488] =	vst v0  }
0x41a: {  	s10 =	stileid.u32;
	[tilespmem:$0x3478] =	vst v0  }
0x41b: {  	s0 =	smul.u32 $0x1C, s10;
	[tilespmem:$0x3468] =	vst v0  }
0x41c: {  	s1 =	smin.u32 s10, $0x7;
	[tilespmem:$0x3458] =	vst v0  }
0x41d: {  	[tilespmem:$0x3428] =	vst v0;
	s0 =	sadd.s32 s1, s0  }
0x41e: {  	p0 =	slt.u32 s10, $0x7;
	[tilespmem:$0x3438] =	vst v0;
	s1 =	simm.s32 $0x27E0;
	s8 =	smul.u32 $0x160, s0  }
0x41f: {  	s1 =	simm.s32 @!p0 $0x2680;
	[tilespmem:$0x3418] =	vst v0  }
0x420: {  	[tilespmem:$0x33B8] =	vst v0;
	s0 =	sadd.s32 s1, s8  }
0x421: {  	s6 =	simm.s32 $0x2;
	s29 =	simm.s32 $0x9;
	[tilespmem:$0x3408] =	vst v0;
	s9 =	smin.u32 s0, $0x27100  }
0x422: {  	s30 =	simm.s32 $0xA;
	s12 =	simm.s32 $0xB;
	[tilespmem:$0x33F8] =	vst v0;
	s0 =	ssub.s32 s9, s8  }
0x423: {  	s18 =	simm.s32 $0x0;
	p1 =	por $0x0, $0x0;
	[tilespmem:$0x33E8] =	vst v0;
	p0 =	sgt.s32 s0, $0x0  }
0x424: {  	s19 =	simm.s32 $0xC;
	s23 =	simm.s32 $0x0;
	[tilespmem:$0x33D8] =	vst v0;
	s0 =	simm.s32 @!p0 $0x0  }
0x425: {  	s20 =	simm.s32 $0x0;
	s22 =	simm.s32 $0x0;
	[tilespmem:$0x33C8] =	vst v0;
	s28 =	smulhi.u32 $0x2E8BA2E9, s0  }
0x426: {  	s2 =	sand.u32 $0x1, s2;
	s31 =	smul.u32 $0x180, s10;
	[tilespmem:$0x33A8] =	vst v0;
	[sflag:s6] =	ssyncpa.u1 $0x0  }
0x427: {  	v0 =	vimm.s32 $0xFFFFFFFF;
	[dreg:$0x4] =	wrdreg s2;
	s2 =	smul.u32 $0x4E20, s2;
	s1 =	sshrl.u32 s28, $0x6  }
0x428: {  	s5 =	sadd.s32 $0x7A800, s4;
	[tilespmem:$0x84C8] =	vst v0;
	[sflag:s29] =	ssyncpa.u1 $0x0;
	s7 =	smul.u32 $0x160, s1  }
.Ltmp0:
0x429: {  	s16 =	sshrl.u32 s31, $0x2;
	s2 =	sadd.s32 s2, s4;
	(pc) =	sbr.rel .LBB2_1-.Ltmp0, $4  }
0x42a: {  	[sflag:s30] =	ssyncpa.u1 $0x0;
	p0 =	sne.s32 s0, s7;
	s0 =	simm.s32 $0x1  }
0x42b: {  	s4 =	sadd.s32 $0x18EF600, s4;
	[sflag:s12] =	ssyncpa.u1 $0x0;
	s0 =	simm.s32 @!p0 $0x0  }
0x42c: {  	s14 =	sadd.s32 $0xA35800, s2;
	s15 =	sadd.s32 $0x53FC00, s2;
	s13 =	sadd.s32 s0, s1  }
0x42d: {  	v0 =	vlaneseq.u32;
	s21 =	smov.u32 s8;
	p0 =	por $0x1, $0x1;
	s17 =	sadd.s32 $0x1, s13  }
.LBB2_22:
0x42e: {  	s0 =	sshrl.u32 s0, $0x2  }
.LBB2_24:
0x42f: {  	_ =	swait.ge [sflag:s19], s0  }
0x430: {  	s30 =	ssub.s32 $0x0, s0;
	v1 =	vmov s25;
	vm0 =	veq.s32 v0, $0x0;
	[sflag:s19] =	ssyncset.done $0x0  }
0x431: {  	vm15 =	veq.s32 v0, $0x2;
	v1 =	vsel vm0, s31, v1;
	[sflag:s19] =	ssyncadd.s32 s30  }
0x432: {  	v1 =	vsel vm15, s23, v1;
	[sflag:s19] =	ssyncpa.u1 $0x1  }
0x433: {  	[tilespmem:$0x84C8] =	vst v1  }
.LBB2_25:
0x434: {  	s0 =	sadd.s32 $0x160, s21  }
0x435: {  	s1 =	smov.u32 s8;
	p2 =	slt.s32 s0, s9  }
0x436: {  	s1 =	smov.u32 @p2 s0;
	p2 =	sne.s32 s22, s17  }
.Ltmp1:
0x437: {  	_ = 	snop;
	(pc) =	sbr.rel @!p2 .LBB2_26-.Ltmp1, $4  }
0x438: {  	_ = 	snop  }
0x439: {  	s23 =	smov.u32 s20  }
0x43a: {  	s31 =	sadd.s32 $0x1, s22;
	s20 =	smov.u32 s21;
	p0 =	por !p0, !p0  }
0x43b: {  	p1 =	por !p1, !p1;
	s22 =	smov.u32 s31;
	s21 =	smov.u32 s1  }
.LBB2_1:
0x43c: {  	p2 =	sge.u32 s22, s13  }
0x43d: {  	s0 =	smulhi.u32 @!p2 $0xAAAAAAAB, s22  }
0x43e: {  	s1 =	smov.u32 s21;
	p3 =	sgt.s32 @!p2 s21, $0x26FA0  }
0x43f: {  	s2 =	sshra.s32 @!p2 s21, $0x1F;
	p3 =	por !p3, p2;
	s0 =	sshrl.u32 @!p2 s0, $0x1  }
0x440: {  	s2 =	sand.u32 @!p2 s2, s21;
	s1 =	simm.s32 @p3 $0x26FA0;
	s0 =	smul.u32 @!p2 $0x3, s0  }
0x441: {  	s1 =	ssub.s32 @!p2 s1, s2  }
0x442: {  	s1 =	sadd.s32 @!p2 $0xFFFD9060, s1;
	s0 =	ssub.s32 @!p2 s22, s0  }
0x443: {  	s2 =	sshll.u32 @!p2 s1, $0x2;
	p3 =	sgt.s32 @!p2 s1, $0x15F;
	s0 =	smul.u32 @!p2 $0x580, s0  }
0x444: {  	s6 =	sand.u32 @!p2 $0x7, s21;
	s1 =	ssub.s32 @!p2 $0x580, s2;
	p3 =	por !p3, p2  }
0x445: {  	s2 =	sshrl.u32 @!p2 s21, $0x3;
	s1 =	sshrl.u32 @!p2 s1, $0x2;
	s0 =	sshrl.u32 @!p2 s0, $0x2  }
0x446: {  	s2 =	sadd.s32 @!p2 s2, s14;
	s1 =	simm.s32 @!p3 $0x0;
	s0 =	sadd.s32 @!p2 $0x8B08, s0  }
0x447: {  	[tilespmem:s0], [sflag:$0xA] =	stream.linear.gather @!p2 [hbm4b:s2+s6], s1, $0x38;
	[tilespmem:$0x1F1E8] =	vst v63  }
0x448: {  	s1 =	sadd.s32 $0xFFFFFFFF, s22  }
0x449: {  	p2 =	sge.u32 s1, s13  }
0x44a: {  	p3 =	sgt.s32 @!p2 s20, $0x26FA0  }
0x44b: {  	s0 =	smov.u32 s20;
	s2 =	sshra.s32 @!p2 s20, $0x1F;
	p3 =	por !p3, p2  }
0x44c: {  	s2 =	sand.u32 @!p2 s2, s20;
	s0 =	simm.s32 @p3 $0x26FA0  }
0x44d: {  	s0 =	ssub.s32 @!p2 s0, s2  }
0x44e: {  	s0 =	sadd.s32 @!p2 $0xFFFD9060, s0  }
0x44f: {  	s2 =	sshll.u32 @!p2 s0, $0x2  }
0x450: {  	p3 =	sgt.s32 @!p2 s0, $0x15F;
	s0 =	ssub.s32 @!p2 $0x580, s2  }
0x451: {  	p3 =	por !p3, p2;
	s0 =	sshrl.u32 @!p2 s0, $0x2  }
0x452: {  	s6 =	simm.s32 @!p2 $0xA;
	s2 =	sand.u32 @!p2 $0x1, s1;
	s0 =	simm.s32 @!p3 $0x0  }
0x453: {  	s2 =	smul.u32 @!p2 $0x580, s2;
	_ =	swait.ge @!p2 [sflag:s6], s0  }
0x454: {  	s7 =	ssub.s32 @!p2 $0x0, s0;
	[sflag:s6] =	ssyncset.done @!p2 $0x0  }
0x455: {  	s2 =	sshrl.u32 @!p2 s2, $0x2;
	[sflag:s6] =	ssyncadd.s32 @!p2 s7;
	s6 =	sshrl.u32 @!p2 s20, $0x3  }
0x456: {  	s2 =	sadd.s32 @!p2 $0x8F28, s2;
	s7 =	sand.u32 @!p2 $0x7, s20;
	s6 =	sadd.s32 @!p2 s6, s15  }
0x457: {  	[tilespmem:s2], [sflag:$0xB] =	stream.linear.gather @!p2 [hbm4b:s6+s7], s0, $0x38;
	[tilespmem:$0x1F1E8] =	vst v63  }
0x458: {  	s0 =	ssub.s32 @!p2 $0x27100, s20  }
0x459: {  	p3 =	slt.s32 @!p2 s0, $0x1  }
0x45a: {  	p3 =	por p2, p3  }
.Ltmp2:
0x45b: {  	_ = 	snop;
	(pc) =	sbr.rel @p3 .LBB2_7-.Ltmp2, $1  }
0x45c: {  	_ =	sdelay $0x3  }
0x45d: {  	s2 =	smulhi.u32 $0xAAAAAAAB, s1;
	_ =	sdelay $0x1  }
0x45e: {  	s2 =	sshrl.u32 s2, $0x1  }
0x45f: {  	s2 =	smul.u32 $0x3, s2;
	_ =	sdelay $0x1  }
0x460: {  	s29 =	ssub.s32 s1, s2  }
0x461: {  	s6 =	simm.s32 $0x1;
	s1 =	smul.u32 $0x580, s29  }
.Ltmp3:
0x462: {  	s6 =	simm.s32 @!p0 $0x0;
	(pc) =	sbr.rel .LBB2_4-.Ltmp3, $4  }
0x463: {  	s30 =	smul.u32 $0x2C000, s6  }
0x464: {  	p3 =	slt.s32 @!p2 s0, $0x160;
	s1 =	sshrl.u32 s1, $0x2  }
0x465: {  	p2 =	por !p3, p2;
	s2 =	sshrl.u32 s30, $0x2;
	s31 =	sadd.s32 $0x8B08, s1  }
0x466: {  	s24 =	simm.s32 $0x0;
	s0 =	simm.s32 @p2 $0x160;
	s1 =	sadd.s32 $0x91E8, s2;
	v1 =	vmov s31  }
.LBB2_3:
0x467: {  	p2 =	sge.s32 s24, s0  }
.Ltmp4:
0x468: {  	_ = 	snop;
	(pc) =	sbr.rel @p2 .LBB2_7-.Ltmp4, $2  }
0x469: {  	_ =	sdelay $0x2  }
0x46a: {  	s1 =	sadd.s32 $0x800, s1  }
.LBB2_4:
0x46b: {  	p2 =	sle.s32 s0, s24  }
.Ltmp5:
0x46c: {  	_ = 	snop;
	(pc) =	sbr.rel @p2 .LBB2_3-.Ltmp5, $2  }
0x46d: {  	_ =	sdelay $0x2  }
0x46e: {  	s2 =	smov.u32 s24;
	s24 =	sadd.s32 $0x10, s24  }
0x46f: {  	s6 =	ssub.s32 s0, s2  }
0x470: {  	p2 =	slt.s32 s6, $0x10  }
0x471: {  	s6 =	simm.s32 @!p2 $0x10  }
0x472: {  	v2 =	vmov s6  }
0x473: {  	vm0 =	vgt.s32 v2, v0;
	_ =	sdelay $0x5  }
0x474: {  	v2 =	vld.idx.msk [tilespmem:v1+s2+$0x0 ss:$0x1], vm0;
	_ =	sdelay $0x2  }
0x475: {  	s7 =	smov.u32 s0;
	p2 =	slt.s32 s24, s0  }
0x476: {  	s25 =	simm.s32 $0x0;
	s7 =	smov.u32 @p2 s24;
	s6 =	smov.u32 s1  }
.LBB2_6:
0x477: {  	(v2sf) =	vpush v2, s25;
	_ =	sdelay $0xc  }
0x478: {  	s25 =	sadd.s32 $0x1, s25  }
0x479: {  	s31 =	sadd.s32 s25, s2  }
0x47a: {  	p2 =	slt.s32 s31, s7;
	s10 =	spop (v2sf)  }
.Ltmp6:
0x47b: {  	s10 =	sshll.u32 s10, $0x4;
	(pc) =	sbr.rel @p2 .LBB2_6-.Ltmp6, $4  }
0x47c: {  	s10 =	sand.u32 $0x1FFFFFF0, s10  }
0x47d: {  	s10 =	sadd.s32 s4, s10  }
0x47e: {  	[tilespmem:s6], [sflag:$0x9] =	stream.linear.gather [hbm4b:s10+s18], $0x30, $0x38;
	[tilespmem:$0x1F1E8] =	vst v63  }
0x47f: {  	s6 =	sadd.s32 $0x80, s6  }
.Ltmp7:
0x480: {  	_ = 	snop;
	(pc) =	sbr.rel .LBB2_3-.Ltmp7, $1  }
0x481: {  	_ =	sdelay $0x3  }
.LBB2_7:
0x482: {  	p2 =	slt.u32 s22, $0x2  }
.Ltmp8:
0x483: {  	_ = 	snop;
	(pc) =	sbr.rel @p2 .LBB2_25-.Ltmp8, $1  }
0x484: {  	_ =	sdelay $0x3  }
0x485: {  	s0 =	ssub.s32 $0x27100, s23;
	p2 =	sgt.s32 s23, $0x26FA0  }
0x486: {  	s1 =	smov.u32 s23;
	s2 =	sshra.s32 s23, $0x1F;
	p3 =	slt.s32 s0, $0x160  }
0x487: {  	s1 =	simm.s32 @!p2 $0x26FA0;
	s2 =	sand.u32 s2, s23;
	s0 =	simm.s32 @!p3 $0x160  }
0x488: {  	s1 =	ssub.s32 s1, s2;
	s0 =	smul.u32 $0xC0, s0  }
0x489: {  	s1 =	sadd.s32 $0xFFFD9060, s1  }
0x48a: {  	s29 =	simm.s32 $0x9;
	s25 =	sshll.u32 s1, $0x2;
	s0 =	sshrl.u32 s0, $0x2  }
0x48b: {  	p2 =	sgt.s32 s1, $0x15F;
	s26 =	ssub.s32 $0x580, s25;
	_ =	swait.ge [sflag:s29], s0  }
0x48c: {  	s0 =	ssub.s32 $0x0, s0;
	s1 =	sshrl.u32 s26, $0x2;
	[sflag:s29] =	ssyncset.done $0x0  }
0x48d: {  	s1 =	simm.s32 @p2 $0x0;
	[sflag:s29] =	ssyncadd.s32 s0  }
0x48e: {  	_ =	swait.ge [sflag:s12], s1  }
0x48f: {  	s30 =	ssub.s32 $0x0, s1;
	[sflag:s12] =	ssyncset.done $0x0  }
0x490: {  	[sflag:s12] =	ssyncadd.s32 s30  }
0x491: {  	v1 =	vld [tilespmem:$0x84C8];
	_ =	sdelay $0x4  }
0x492: {  	(v2sf) =	vpush v1, $0x0  }
0x493: {  	(v2sf) =	vpush v1, $0x1  }
0x494: {  	(v2sf) =	vpush v1, $0x2;
	_ =	sdelay $0x3  }
0x495: {  	s0 =	sadd.s32 $0x160, s23  }
0x496: {  	p2 =	slt.s32 s9, s0;
	s1 =	ssub.s32 $0x4E200, s23  }
0x497: {  	s0 =	smov.u32 @p2 s9;
	p2 =	sgt.s32 s1, $0x0  }
0x498: {  	s0 =	ssub.s32 s0, s23;
	s1 =	simm.s32 @!p2 $0x0  }
0x499: {  	p2 =	slt.s32 s1, s0  }
0x49a: {  	s0 =	smov.u32 @p2 s1  }
0x49b: {  	s26 =	simm.s32 $0x1;
	p2 =	slt.s32 s0, $0x1  }
.Ltmp9:
0x49c: {  	s26 =	simm.s32 @!p1 $0x0;
	(pc) =	sbr.rel @p2 .LBB2_12-.Ltmp9, $4  }
0x49d: {  	s31 =	smul.u32 $0x580, s26  }
0x49e: {  	s28 =	spop (v2sf)  }
0x49f: {  	s2 =	sshrl.u32 s31, $0x2;
	s1 =	spop (v2sf)  }
0x4a0: {  	s24 =	sadd.s32 $0x8F28, s2;
	s23 =	spop (v2sf)  }
0x4a1: {  	s2 =	smin.u32 s0, $0x10  }
0x4a2: {  	v1 =	vmov s2  }
0x4a3: {  	p3 =	sgt.s32 s0, $0x10;
	vm1 =	vgt.u32 v1, v0  }
.Ltmp10:
0x4a4: {  	_ = 	snop;
	(pc) =	sbr.rel @!p3 .LBB2_11-.Ltmp10, $2  }
0x4a5: {  	_ =	sdelay $0x2  }
0x4a6: {  	s25 =	simm.s32 $0x10;
	s29 =	sadd.s32 $0xFFFFFFF0, s0;
	s2 =	smov.u32 s24;
	vm0 =	vmmov vm1  }
.LBB2_10:
0x4a7: {  	s6 =	smin.u32 s29, $0x10;
	s25 =	sadd.s32 $0x10, s25;
	v1 =	vld.msk [tilespmem:s2+$0x0 ss:$0x1], vm1  }
0x4a8: {  	v2 =	vmov s6;
	p3 =	slt.s32 s25, s0  }
0x4a9: {  	vm1 =	vgt.u32 v2, v0  }
.Ltmp11:
0x4aa: {  	(pc) =	sbr.rel @p3 .LBB2_10-.Ltmp11, $3  }
0x4ab: {  	_ =	sdelay $0x1  }
0x4ac: {  	v1 =	vshll.u32 v1, $0x4  }
0x4ad: {  	s29 =	sadd.s32 $0xFFFFFFF0, s29;
	[tilespmem:s2+$0x0] =	vst.msk vm0, v1;
	s2 =	sadd.s32 $0x10, s2;
	vm0 =	vmmov vm1  }
.LBB2_11:
0x4ae: {  	_ =	sdelay $0x4  }
0x4af: {  	v1 =	vld.msk [tilespmem:s2+$0x0 ss:$0x1], vm1;
	_ =	sdelay $0x4  }
0x4b0: {  	v1 =	vshll.u32 v1, $0x4  }
0x4b1: {  	[tilespmem:s2+$0x0] =	vst.msk vm0, v1  }
.LBB2_12:
0x4b2: {  	s2 =	sand.u32 $0x1, s22  }
0x4b3: {  	s2 =	smul.u32 $0x160, s2  }
0x4b4: {  	p3 =	sne.s32 s1, $0xFFFFFFFF  }
0x4b5: {  	v1 =	vld.msk @!p3 [tilespmem:s2+$0x8F28], $0x1;
	_ =	sdelay $0x4  }
0x4b6: {  	(v2sf) =	vpush @!p3 v1, $0x0;
	_ =	sdelay $0xc  }
.Ltmp12:
0x4b7: {  	_ = 	snop;
	(pc) =	sbr.rel @p2 .LBB2_23-.Ltmp12, $4  }
0x4b8: {  	_ = 	snop  }
0x4b9: {  	s30 =	spop @!p3 (v2sf)  }
0x4ba: {  	s23 =	simm.s32 @!p3 $0x0;
	s25 =	smov.u32 s30  }
0x4bb: {  	[sflag:s19] =	ssyncpa.u1 $0x0;
	s30 =	smov.u32 @p3 s28;
	s25 =	smov.u32 @p3 s1  }
0x4bc: {  	v1 =	vld.msk [tilespmem:s24+$0x0], $0x1;
	_ =	sdelay $0x4  }
0x4bd: {  	(v2sf) =	vpush v1, $0x0;
	_ =	sdelay $0xd  }
0x4be: {  	s2 =	smul.u32 $0x2C000, s26  }
0x4bf: {  	s26 =	ssub.s32 $0x0, s0;
	s28 =	simm.s32 $0x0;
	s1 =	spop (v2sf)  }
0x4c0: {  	s7 =	smov.u32 s30;
	s0 =	sadd.s32 $0x1, s26;
	p2 =	seq.s32 s30, s1  }
0x4c1: {  	p4 =	seq.s32 s0, $0x0;
	p3 =	sgt.s32 @!p2 s30, $0x0;
	s6 =	smul.u32 @!p2 $0xC0, s28  }
.Ltmp13:
0x4c2: {  	s2 =	sshrl.u32 s2, $0x2;
	p3 =	por !p3, p2;
	(pc) =	sbr.rel @p4 .LBB2_15-.Ltmp13, $4  }
0x4c3: {  	s29 =	sadd.s32 $0x9208, s2;
	s7 =	simm.s32 @p3 $0x0  }
0x4c4: {  	s2 =	simm.s32 @!p2 $0x1;
	s6 =	sshra.s32 @!p2 s6, $0x2;
	s10 =	smin.u32 @!p2 s7, $0x277FA  }
0x4c5: {  	s2 =	smov.u32 @p2 s28;
	s7 =	sadd.s32 @!p2 $0x4298, s6;
	s31 =	sand.u32 @!p2 $0x3FFF8, s10  }
0x4c6: {  	s6 =	sand.u32 @!p2 $0x7, s10;
	s10 =	sadd.s32 @!p2 s5, s31;
	s31 =	sadd.s32 $0x1, s24  }
.LBB2_14:
0x4c7: {  	s11 =	smov.u32 s2  }
0x4c8: {  	[tilespmem:s7], [sflag:$0x2] =	stream.linear.gather @!p2 [hbm4b:s10+s6], $0x30, $0x38;
	[tilespmem:$0x1F1E8] =	vst v63  }
0x4c9: {  	s0 =	sadd.s32 $0x1, s0;
	s6 =	smov.u32 s1;
	v1 =	vld.msk [tilespmem:s31+$0x0], $0x1  }
0x4ca: {  	p3 =	seq.s32 s0, $0x0;
	_ =	sdelay $0x3  }
0x4cb: {  	(v2sf) =	vpush v1, $0x0;
	_ =	sdelay $0xe  }
0x4cc: {  	s1 =	spop (v2sf)  }
0x4cd: {  	p2 =	seq.s32 s6, s1  }
0x4ce: {  	p4 =	sgt.s32 @!p2 s6, $0x0;
	s7 =	smul.u32 @!p2 $0xC0, s2;
	s2 =	sadd.s32 @!p2 $0x1, s2  }
.Ltmp14:
0x4cf: {  	p4 =	por !p4, p2;
	s2 =	smov.u32 @p2 s11;
	(pc) =	sbr.rel @!p3 .LBB2_14-.Ltmp14, $4  }
0x4d0: {  	s6 =	simm.s32 @p4 $0x0;
	s7 =	sshra.s32 @!p2 s7, $0x2  }
0x4d1: {  	s6 =	smin.u32 @!p2 s6, $0x277FA;
	s7 =	sadd.s32 @!p2 $0x4298, s7  }
0x4d2: {  	s10 =	sand.u32 @!p2 $0x3FFF8, s6;
	s6 =	sand.u32 @!p2 $0x7, s6  }
0x4d3: {  	s31 =	sadd.s32 $0x1, s31;
	s10 =	sadd.s32 @!p2 s5, s10  }
.LBB2_15:
0x4d4: {  	s0 =	smul.u32 $0xC0, s2  }
0x4d5: {  	[tilespmem:s7], [sflag:$0x2] =	stream.linear.gather @!p2 [hbm4b:s10+s6], $0x30, $0x38;
	[tilespmem:$0x1F1E8] =	vst v63  }
.Ltmp15:
0x4d6: {  	_ = 	snop;
	(pc) =	sbr.rel .LBB2_16-.Ltmp15, $4  }
0x4d7: {  	s1 =	simm.s32 $0x2;
	s0 =	sshrl.u32 s0, $0x2  }
0x4d8: {  	_ =	swait.ge [sflag:s1], s0  }
0x4d9: {  	s0 =	ssub.s32 $0x0, s0;
	[sflag:s1] =	ssyncset.done $0x0  }
0x4da: {  	[sflag:s1] =	ssyncadd.s32 s0;
	s0 =	simm.s32 $0x0  }
.LBB2_17:
0x4db: {  	v1 =	vld [tilespmem:s29+$0xFFFFFFE0];
	_ =	sdelay $0x4  }
0x4dc: {  	[tilespmem:s1+$0x68] =	vst.add.f32.msk $0xffff, v1  }
0x4dd: {  	v1 =	vld [tilespmem:s29+$0xFFFFFFF0];
	_ =	sdelay $0x4  }
0x4de: {  	[tilespmem:s1+$0x78] =	vst.add.f32.msk $0xffff, v1  }
0x4df: {  	v1 =	vld [tilespmem:s29+$0x0];
	_ =	sdelay $0x4  }
0x4e0: {  	[tilespmem:s1+$0x88] =	vst.add.f32.msk $0xffff, v1  }
.LBB2_21:
0x4e1: {  	s26 =	sadd.s32 $0x1, s26  }
0x4e2: {  	p2 =	seq.s32 s26, $0x0  }
.Ltmp16:
0x4e3: {  	_ = 	snop;
	(pc) =	sbr.rel @p2 .LBB2_22-.Ltmp16, $2  }
0x4e4: {  	_ =	sdelay $0x2  }
0x4e5: {  	s29 =	sadd.s32 $0x80, s29;
	s24 =	sadd.s32 $0x1, s24;
	s30 =	smov.u32 s31  }
.LBB2_16:
0x4e6: {  	v1 =	vld.msk [tilespmem:s24+$0x0], $0x1;
	_ =	sdelay $0x4  }
0x4e7: {  	(v2sf) =	vpush v1, $0x0;
	_ =	sdelay $0xe  }
0x4e8: {  	s31 =	spop (v2sf)  }
0x4e9: {  	p2 =	sne.s32 s30, s31  }
.Ltmp17:
0x4ea: {  	_ = 	snop;
	(pc) =	sbr.rel @!p2 .LBB2_17-.Ltmp17, $3  }
0x4eb: {  	_ = 	snop  }
0x4ec: {  	s1 =	smul.u32 $0xC0, s23;
	_ =	sdelay $0x1  }
0x4ed: {  	s1 =	sshra.s32 s1, $0x2  }
0x4ee: {  	p2 =	seq.s32 s30, s25  }
.Ltmp18:
0x4ef: {  	_ = 	snop;
	(pc) =	sbr.rel @!p2 .LBB2_19-.Ltmp18, $1  }
0x4f0: {  	_ =	sdelay $0x3  }
.Ltmp19:
0x4f1: {  	s1 =	sadd.s32 $0x68, s1;
	(pc) =	sbr.rel .LBB2_20-.Ltmp19, $4  }
0x4f2: {  	[spmem:s16] =	stream.linear.scatter [tilespmem:s1], [sflag:$0x1], $0x30, $0x38;
	[tilespmem:$0x1F1E8] =	vst v63  }
0x4f3: {  	_ =	swait.ge [sflag:s3], $0x30  }
0x4f4: {  	[sflag:s3] =	ssyncset.done $0x0  }
0x4f5: {  	[sflag:s3] =	ssyncadd.s32 $0xFFFFFFD0  }
.LBB2_19:
0x4f6: {  	s2 =	smul.u32 $0xC0, s28;
	_ =	sdelay $0x1  }
0x4f7: {  	s2 =	sshra.s32 s2, $0x2  }
0x4f8: {  	v1 =	vld [tilespmem:s2+$0x4298];
	_ =	sdelay $0x4  }
0x4f9: {  	[tilespmem:s1+$0x68] =	vst.add.f32.msk $0xffff, v1  }
0x4fa: {  	v1 =	vld [tilespmem:s2+$0x42A8];
	_ =	sdelay $0x4  }
0x4fb: {  	[tilespmem:s1+$0x78] =	vst.add.f32.msk $0xffff, v1  }
0x4fc: {  	v1 =	vld [tilespmem:s2+$0x42B8];
	_ =	sdelay $0x2  }
0x4fd: {  	p2 =	sgt.u32 s30, $0x277FA  }
0x4fe: {  	s2 =	sand.u32 @!p2 $0x3FFF8, s30  }
0x4ff: {  	s6 =	sadd.s32 $0x68, s1;
	[tilespmem:s1+$0x88] =	vst.add.f32.msk $0xffff, v1;
	s1 =	sadd.s32 @!p2 s5, s2;
	s2 =	sand.u32 @!p2 $0x7, s30  }
0x500: {  	[hbm4b:s1+s2] =	stream.linear.scatter @!p2 [tilespmem:s6], [sflag:$0xC], $0x30, $0x38;
	[tilespmem:$0x1F1E8] =	vst v63  }
0x501: {  	s1 =	simm.s32 $0x0  }
0x502: {  	s1 =	simm.s32 @!p2 $0xC0  }
0x503: {  	s0 =	sadd.s32 s1, s0  }
.LBB2_20:
0x504: {  	s1 =	sadd.s32 $0x1, s23  }
0x505: {  	s2 =	smulhi.u32 $0xBA2E8BA3, s1;
	_ =	sdelay $0x1  }
0x506: {  	s2 =	sshrl.u32 s2, $0x8  }
0x507: {  	s2 =	smul.u32 $0x160, s2  }
0x508: {  	v1 =	vld [tilespmem:s29+$0xFFFFFFE0]  }
0x509: {  	s23 =	ssub.s32 s1, s2  }
0x50a: {  	s1 =	smul.u32 $0xC0, s23;
	_ =	sdelay $0x1  }
0x50b: {  	s1 =	sshrl.u32 s1, $0x2  }
0x50c: {  	[tilespmem:s1+$0x68] =	vst v1  }
0x50d: {  	v1 =	vld [tilespmem:s29+$0xFFFFFFF0];
	_ =	sdelay $0x4  }
0x50e: {  	[tilespmem:s1+$0x78] =	vst v1  }
0x50f: {  	v1 =	vld [tilespmem:s29+$0x0]  }
.Ltmp20:
0x510: {  	_ = 	snop;
	(pc) =	sbr.rel .LBB2_21-.Ltmp20, $2  }
0x511: {  	_ =	sdelay $0x2  }
0x512: {  	s28 =	sadd.s32 $0x1, s28;
	[tilespmem:s1+$0x88] =	vst v1  }
.LBB2_23:
.Ltmp21:
0x513: {  	(pc) =	sbr.rel .LBB2_24-.Ltmp21, $4  }
0x514: {  	_ = 	snop  }
0x515: {  	s0 =	simm.s32 $0x2  }
0x516: {  	_ =	swait.ge [sflag:s0], $0x0  }
0x517: {  	s31 =	smov.u32 s30;
	[sflag:s0] =	ssyncset.done $0x0;
	s0 =	simm.s32 $0x0  }
.LBB2_26:
0x518: {  	_ =	sfence.sel $0x180000  }
0x519: {  	s0 =	simm.s32 $0x9;
	[bflag:$0x0] =	sbarrier.arrive $0xFFFF  }
0x51a: {  	s24 =	simm.s32 $0xA;
	[sflag:s0] =	ssyncpa.u1 $0x1  }
0x51b: {  	s25 =	simm.s32 $0xB;
	[sflag:s24] =	ssyncpa.u1 $0x1  }
0x51c: {  	s26 =	simm.s32 $0x2;
	[sflag:s25] =	ssyncpa.u1 $0x1  }
0x51d: {  	[sflag:s26] =	ssyncpa.u1 $0x1  }
0x51e: {  	v0 =	vld [tilespmem:$0x84C8];
	_ =	sdelay $0x4  }
0x51f: {  	(v2sf) =	vpush v0, $0x0  }
0x520: {  	(v2sf) =	vpush v0, $0x1  }
0x521: {  	(v2sf) =	vpush v0, $0x2;
	_ =	sdelay $0xc  }
0x522: {  	s0 =	spop (v2sf)  }
0x523: {  	s1 =	spop (v2sf)  }
0x524: {  	s2 =	smov.u32 s0;
	p0 =	sne.s32 s0, s1;
	s3 =	spop (v2sf)  }
0x525: {  	s2 =	simm.s32 @!p0 $0xFFFFFFFF;
	p0 =	seq.s32 s3, $0xFFFFFFFF  }
0x526: {  	v2 =	vimm.s32 $0x1;
	v3 =	vlaneseq.u32;
	v1 =	vmov s2;
	p1 =	sne.s32 @!p0 s0, s1  }
0x527: {  	s14 =	stileid.u32;
	v0 =	vperm.xlane v0, v2;
	s0 =	simm.s32 @!p0 $0x1;
	v1 =	vperm.xlane v1, v3;
	p1 =	por !p1, p0  }
0x528: {  	vm0 =	vcmask $0x3F04;
	s2 =	sshll.u32 s14, $0x1;
	s1 =	smul.u32 @!p0 $0xC0, s3;
	s0 =	simm.s32 @p1 $0x0  }
0x529: {  	s6 =	simm.s32 $0x84C8;
	v0 =	vsel vm0, v1, v0;
	s0 =	sor.u32 @!p0 s0, s2  }
0x52a: {  	s4 =	sor.u32 $0x600, s2;
	s1 =	sshra.s32 @!p0 s1, $0x2;
	[tilespmem:$0x84C8] =	vst v0;
	s0 =	smul.u32 @!p0 $0xC0, s0  }
0x52b: {  	[spmem:s4] =	stream.linear.scatter [tilespmem:s6], [sflag:$0x1], $0x2, $0x38;
	[tilespmem:$0x1F1E8] =	vst v63  }
0x52c: {  	s1 =	sadd.s32 @!p0 $0x68, s1;
	s0 =	sshrl.u32 @!p0 s0, $0x2  }
0x52d: {  	[spmem:s0] =	stream.linear.scatter @!p0 [tilespmem:s1], [sflag:$0x1], $0x30, $0x38;
	[tilespmem:$0x1F1E8] =	vst v63  }
0x52e: {  	s0 =	simm.s32 @!p0 $0x32  }
0x52f: {  	s28 =	simm.s32 $0x1;
	s0 =	simm.s32 @p0 $0x2  }
0x530: {  	_ =	swait.ge [sflag:s28], s0  }
0x531: {  	s0 =	ssub.s32 $0x0, s0;
	[sflag:s28] =	ssyncset.done $0x0  }
0x532: {  	p0 =	sne.s32 s14, $0x0;
	[sflag:s28] =	ssyncadd.s32 s0  }
.Ltmp22:
0x533: {  	_ =	sfence.stream.spmem;
	(pc) =	sbr.rel @p0 .LBB2_43-.Ltmp22, $4  }
0x534: {  	s29 =	simm.s32 $0x3;
	[bflag:$0x0] =	sbarrier.arrive $0xFFFF  }
0x535: {  	s30 =	simm.s32 $0x4;
	[sflag:s29] =	ssyncpa.u1 $0x1  }
0x536: {  	s31 =	simm.s32 $0x3C;
	[sflag:s30] =	ssyncpa.u1 $0x1  }
0x537: {  	s15 =	rddreg [dreg:$0x4];
	[sflag:s31] =	ssyncpa.u1 $0x1  }
0x538: {  	_ =	sfence.stream.spmem;
	s0 =	simm.s32 $0x5  }
0x539: {  	s1 =	simm.s32 $0x600;
	s2 =	simm.s32 $0x84D8;
	[sflag:s0] =	ssyncpa.u1 $0x0  }
0x53a: {  	[tilespmem:s2], [sflag:$0x5] =	stream.linear.gather [spmem:s1], $0x20, $0x38;
	[tilespmem:$0x1F1E8] =	vst v63  }
0x53b: {  	s26 =	simm.s32 $0x0;
	s28 =	simm.s32 $0x84F8  }
0x53c: {  	[tilespmem:s28], [sflag:$0x5] =	stream.linear.gather [spmem:s26], $0x600, $0x38;
	[tilespmem:$0x1F1E8] =	vst v63  }
0x53d: {  	_ =	swait.ge [sflag:s0], $0x620  }
0x53e: {  	[sflag:s0] =	ssyncset.done $0x0  }
0x53f: {  	s29 =	simm.s32 $0x0;
	[sflag:s0] =	ssyncadd.s32 $0xFFFFF9E0  }
0x540: {  	v0 =	vld.msk [tilespmem:s29+$0x84D8], $0x1;
	_ =	sdelay $0x1  }
0x541: {  	s30 =	simm.s32 $0x1  }
0x542: {  	v1 =	vld.msk [tilespmem:s30+$0x84D8], $0x1;
	_ =	sdelay $0x1  }
0x543: {  	(v2sf) =	vpush v0, $0x0;
	_ =	sdelay $0x2  }
0x544: {  	(v2sf) =	vpush v1, $0x0;
	_ =	sdelay $0x2  }
0x545: {  	s31 =	simm.s32 $0x2  }
0x546: {  	v0 =	vld.msk [tilespmem:s31+$0x84D8], $0x1;
	_ =	sdelay $0x2  }
0x547: {  	s1 =	simm.s32 $0xFFFFFFFF;
	s2 =	simm.s32 $0xFFFFFFFF;
	s0 =	simm.s32 $0xC  }
.LBB2_28:
0x548: {  	s3 =	smov.u32 s2;
	s4 =	smov.u32 s1  }
0x549: {  	s1 =	sshra.s32 s0, $0x2;
	p1 =	sne.s32 s0, $0x7C;
	s0 =	sadd.s32 $0x4, s0;
	(v2sf) =	vpush v0, $0x0  }
0x54a: {  	v0 =	vld.msk [tilespmem:s1+$0x84D8], $0x1  }
.Ltmp23:
0x54b: {  	(pc) =	sbr.rel @p1 .LBB2_28-.Ltmp23, $4  }
0x54c: {  	s2 =	spop (v2sf)  }
0x54d: {  	p2 =	sne.s32 s4, $0xFFFFFFFF;
	s1 =	smov.u32 s2  }
0x54e: {  	p3 =	seq.s32 s2, $0xFFFFFFFF;
	s1 =	smov.u32 @p2 s4  }
0x54f: {  	s2 =	smov.u32 @p3 s3;
	s1 =	smov.u32 @p3 s4  }
0x550: {  	(v2sf) =	vpush v0, $0x0;
	_ =	sdelay $0x8  }
0x551: {  	s0 =	spop (v2sf)  }
0x552: {  	p1 =	sne.s32 s1, $0xFFFFFFFF;
	s3 =	smov.u32 s0  }
0x553: {  	s9 =	simm.s32 $0x6;
	p2 =	seq.s32 s0, $0xFFFFFFFF;
	s3 =	smov.u32 @p1 s1  }
0x554: {  	s10 =	simm.s32 $0x8498;
	s3 =	smov.u32 @p2 s1;
	s1 =	spop (v2sf)  }
0x555: {  	s0 =	smov.u32 @p2 s2;
	p1 =	sne.s32 s3, $0xFFFFFFFF;
	s6 =	smov.u32 s1  }
.Ltmp24:
0x556: {  	p2 =	seq.s32 s1, $0xFFFFFFFF;
	s6 =	smov.u32 @p1 s3;
	(pc) =	sbr.rel .LBB2_30-.Ltmp24, $4  }
0x557: {  	s11 =	simm.s32 $0x0;
	s6 =	smov.u32 @p2 s3;
	s4 =	spop (v2sf)  }
0x558: {  	[sflag:s9] =	ssyncpa.u1 $0x0;
	p1 =	sne.s32 s6, $0xFFFFFFFF;
	s8 =	smov.u32 s4  }
0x559: {  	s1 =	smov.u32 @p2 s0;
	p2 =	seq.s32 s4, $0xFFFFFFFF;
	s8 =	smov.u32 @p1 s6  }
0x55a: {  	s3 =	simm.s32 $0x0;
	s4 =	smov.u32 @p2 s1;
	s8 =	smov.u32 @p2 s6  }
.LBB2_36:
0x55b: {  	p1 =	sgt.u32 s12, $0x277FA  }
0x55c: {  	p2 =	seq.s32 @!p1 s12, s8  }
0x55d: {  	p1 =	por p1, p2  }
0x55e: {  	p2 =	sne.s32 @!p1 s12, s4  }
0x55f: {  	p1 =	por p1, !p2  }
0x560: {  	s0 =	smul.u32 @p1 $0xC0, s11;
	_ =	sdelay $0x1  }
0x561: {  	s0 =	sand.u32 @!p1 $0x3FFF8, s12  }
0x562: {  	s1 =	sand.u32 @!p1 $0x7, s12;
	s0 =	sadd.s32 @!p1 s5, s0  }
0x563: {  	[tilespmem:s10], [sflag:$0x6] =	stream.linear.gather @!p1 [hbm4b:s0+s1], $0x30, $0x38;
	[tilespmem:$0x1F1E8] =	vst v63  }
0x564: {  	_ =	swait.ge @!p1 [sflag:s9], $0x30  }
0x565: {  	[sflag:s9] =	ssyncset.done @!p1 $0x0  }
0x566: {  	[sflag:s9] =	ssyncadd.s32 @!p1 $0xFFFFFFD0  }
0x567: {  	v1 =	vld @!p1 [tilespmem:$0x8498];
	_ =	sdelay $0x1  }
0x568: {  	s0 =	smul.u32 @!p1 $0xC0, s11;
	_ =	sdelay $0x1  }
0x569: {  	s1 =	sshra.s32 @!p1 s0, $0x2  }
0x56a: {  	[tilespmem:s1+$0x84F8] =	vst.add.f32.msk @!p1 $0xffff, v1  }
0x56b: {  	v1 =	vld @!p1 [tilespmem:$0x84A8];
	_ =	sdelay $0x4  }
0x56c: {  	[tilespmem:s1+$0x8508] =	vst.add.f32.msk @!p1 $0xffff, v1  }
0x56d: {  	v1 =	vld @!p1 [tilespmem:$0x84B8];
	_ =	sdelay $0x4  }
0x56e: {  	[tilespmem:s1+$0x8518] =	vst.add.f32.msk @!p1 $0xffff, v1  }
0x56f: {  	s0 =	sshra.s32 s0, $0x2;
	[tilespmem:s3+$0x84D8] =	vst.msk $0x1, v0  }
0x570: {  	v0 =	vld [tilespmem:s0+$0x84F8];
	_ =	sdelay $0x1  }
0x571: {  	s31 =	smul.u32 $0xC0, s3;
	_ =	sdelay $0x1  }
0x572: {  	s1 =	sshra.s32 s31, $0x2  }
0x573: {  	[tilespmem:s1+$0x84F8] =	vst v0  }
0x574: {  	v0 =	vld [tilespmem:s0+$0x8508];
	_ =	sdelay $0x4  }
0x575: {  	[tilespmem:s1+$0x8508] =	vst v0  }
0x576: {  	v0 =	vld [tilespmem:s0+$0x8518];
	_ =	sdelay $0x4  }
0x577: {  	s3 =	sadd.s32 $0x1, s3;
	[tilespmem:s1+$0x8518] =	vst v0  }
.LBB2_37:
0x578: {  	s11 =	sadd.s32 $0x1, s11  }
0x579: {  	p1 =	sne.s32 s11, $0x20  }
.Ltmp25:
0x57a: {  	_ = 	snop;
	(pc) =	sbr.rel @!p1 .LBB2_38-.Ltmp25, $1  }
0x57b: {  	_ =	sdelay $0x3  }
.LBB2_30:
0x57c: {  	v0 =	vld.msk [tilespmem:s11+$0x84D8], $0x1;
	_ =	sdelay $0x4  }
0x57d: {  	(v2sf) =	vpush v0, $0x0;
	_ =	sdelay $0xe  }
0x57e: {  	s12 =	spop (v2sf)  }
0x57f: {  	p1 =	seq.s32 s12, $0xFFFFFFFF  }
.Ltmp26:
0x580: {  	_ = 	snop;
	(pc) =	sbr.rel @p1 .LBB2_37-.Ltmp26, $1  }
0x581: {  	_ =	sdelay $0x3  }
0x582: {  	p1 =	slt.s32 s3, $0x1  }
.Ltmp27:
0x583: {  	_ = 	snop;
	(pc) =	sbr.rel @p1 .LBB2_36-.Ltmp27, $1  }
0x584: {  	_ =	sdelay $0x3  }
0x585: {  	s0 =	simm.s32 $0x84D8;
	p1 =	por $0x0, $0x0  }
0x586: {  	v1 =	vld.msk @!p1 [tilespmem:s0+$0x0], $0x1;
	_ =	sdelay $0x4  }
0x587: {  	(v2sf) =	vpush @!p1 v1, $0x0;
	_ =	sdelay $0xd  }
0x588: {  	p3 =	sne.s32 s3, $0x1  }
.Ltmp28:
0x589: {  	s1 =	spop @!p1 (v2sf);
	(pc) =	sbr.rel @!p3 .LBB2_34-.Ltmp28, $4  }
0x58a: {  	p2 =	seq.s32 @!p1 s12, s1  }
0x58b: {  	s13 =	simm.s32 $0x0;
	p2 =	por !p2, p1  }
0x58c: {  	s2 =	simm.s32 $0xFFFFFFFF;
	s13 =	simm.s32 @p2 $0xFFFFFFFF  }
0x58d: {  	s1 =	simm.s32 $0x1;
	s13 =	smov.u32 @p1 s2  }
.LBB2_33:
0x58e: {  	s2 =	smov.u32 s13;
	p1 =	sne.s32 s13, $0xFFFFFFFF  }
0x58f: {  	s0 =	sadd.s32 $0x1, s0;
	s13 =	smov.u32 s1;
	s1 =	sadd.s32 $0x1, s1  }
0x590: {  	p2 =	sne.s32 s3, s1;
	v1 =	vld.msk @!p1 [tilespmem:s0+$0x0], $0x1;
	_ =	sdelay $0x4  }
0x591: {  	(v2sf) =	vpush @!p1 v1, $0x0;
	_ =	sdelay $0xe  }
.Ltmp29:
0x592: {  	s6 =	spop @!p1 (v2sf);
	(pc) =	sbr.rel @p2 .LBB2_33-.Ltmp29, $4  }
0x593: {  	p3 =	seq.s32 @!p1 s12, s6  }
0x594: {  	p3 =	por !p3, p1  }
0x595: {  	s13 =	simm.s32 @p3 $0xFFFFFFFF  }
0x596: {  	s13 =	smov.u32 @p1 s2  }
.LBB2_34:
0x597: {  	p1 =	seq.s32 s13, $0xFFFFFFFF  }
.Ltmp30:
0x598: {  	_ = 	snop;
	(pc) =	sbr.rel @p1 .LBB2_36-.Ltmp30, $1  }
0x599: {  	_ =	sdelay $0x3  }
0x59a: {  	s0 =	smul.u32 $0xC0, s11;
	_ =	sdelay $0x1  }
0x59b: {  	s0 =	sshra.s32 s0, $0x2  }
0x59c: {  	v0 =	vld [tilespmem:s0+$0x84F8];
	_ =	sdelay $0x1  }
0x59d: {  	s1 =	smul.u32 $0xC0, s13;
	_ =	sdelay $0x1  }
0x59e: {  	s1 =	sshra.s32 s1, $0x2  }
0x59f: {  	[tilespmem:s1+$0x84F8] =	vst.add.f32.msk $0xffff, v0  }
0x5a0: {  	v0 =	vld [tilespmem:s0+$0x8508];
	_ =	sdelay $0x4  }
0x5a1: {  	[tilespmem:s1+$0x8508] =	vst.add.f32.msk $0xffff, v0  }
0x5a2: {  	v0 =	vld [tilespmem:s0+$0x8518]  }
.Ltmp31:
0x5a3: {  	_ = 	snop;
	(pc) =	sbr.rel .LBB2_37-.Ltmp31, $2  }
0x5a4: {  	_ =	sdelay $0x2  }
0x5a5: {  	[tilespmem:s1+$0x8518] =	vst.add.f32.msk $0xffff, v0  }
.LBB2_38:
0x5a6: {  	s0 =	simm.s32 $0x6;
	p1 =	seq.s32 s3, $0x0  }
0x5a7: {  	[sflag:s0] =	ssyncpa.u1 $0x1;
	v0 =	vimm.s32 @p1 $0xFFFFFFFF  }
0x5a8: {  	s9 =	sadd.s32 $0xFFFFFFFF, s3;
	[tilespmem:$0x8AF8] =	vst @p1 v0  }
0x5a9: {  	v0 =	vld.msk @!p1 [tilespmem:s9+$0x84D8], $0x1;
	_ =	sdelay $0x1  }
0x5aa: {  	v1 =	vld.msk @!p1 [tilespmem:$0x84D8], $0x1;
	_ =	sdelay $0x2  }
0x5ab: {  	p2 =	seq.s32 @!p1 s9, $0x0;
	v0 =	vbroadcast @!p1 v0, $0x0  }
0x5ac: {  	vm0 =	vmmov @!p1 $0x1;
	p3 =	por !p2, p1  }
0x5ad: {  	p2 =	sne.s32 @!p1 s8, s4;
	v1 =	vnsel @!p1 vm0, $0xFFFFFFFF, v1;
	vm0 =	vcmask @!p1 $0x308;
	v0 =	vpsel !p3, $0xFFFFFFFF, v0  }
0x5ae: {  	p3 =	por !p2, p1;
	v0 =	vsel @!p1 vm0, v1, v0  }
0x5af: {  	s0 =	simm.s32 @!p1 $0x84F8;
	s1 =	simm.s32 @!p1 $0x0;
	s2 =	smul.u32 @!p3 $0xC0, s9;
	[tilespmem:$0x8AF8] =	vst @!p1 v0  }
0x5b0: {  	[spmem:s1] =	stream.linear.scatter @!p1 [tilespmem:s0], [sflag:$0x1], $0x30, $0x38;
	[tilespmem:$0x1F1E8] =	vst v63  }
0x5b1: {  	s0 =	sshra.s32 @!p3 s2, $0x2  }
0x5b2: {  	s1 =	simm.s32 @!p3 $0x30;
	s0 =	sadd.s32 @!p3 $0x84F8, s0  }
0x5b3: {  	[spmem:s1] =	stream.linear.scatter @!p3 [tilespmem:s0], [sflag:$0x1], $0x30, $0x38;
	[tilespmem:$0x1F1E8] =	vst v63  }
0x5b4: {  	s0 =	simm.s32 @!p3 $0x1  }
0x5b5: {  	_ =	swait.ge @!p3 [sflag:s0], $0x60  }
0x5b6: {  	p1 =	por p2, p1;
	[sflag:s0] =	ssyncset.done @!p3 $0x0  }
0x5b7: {  	[sflag:s0] =	ssyncadd.s32 @!p3 $0xFFFFFFA0;
	s0 =	simm.s32 @!p1 $0x1  }
0x5b8: {  	_ =	swait.ge @!p1 [sflag:s0], $0x30  }
0x5b9: {  	s29 =	simm.s32 $0x8AF8;
	[sflag:s0] =	ssyncset.done @!p1 $0x0  }
0x5ba: {  	s30 =	simm.s32 $0x600;
	s31 =	simm.s32 $0x1;
	[sflag:s0] =	ssyncadd.s32 @!p1 $0xFFFFFFD0  }
0x5bb: {  	[spmem:s30] =	stream.linear.scatter [tilespmem:s29], [sflag:$0x1], $0x10, $0x38;
	[tilespmem:$0x1F1E8] =	vst v63  }
0x5bc: {  	_ =	swait.ge [sflag:s31], $0x10  }
0x5bd: {  	[sflag:s31] =	ssyncset.done $0x0  }
0x5be: {  	p1 =	seq.s32 s15, $0x0;
	s8 =	rddreg [dreg:$0x1];
	[sflag:s31] =	ssyncadd.s32 $0xFFFFFFF0  }
0x5bf: {  	s1 =	sshll.u32 @p1 s8, $0xE;
	s7 =	rddreg [dreg:$0x2]  }
0x5c0: {  	s0 =	sadd.s32 @p1 $0x15C3C, s1;
	s1 =	sshll.u32 @p1 s7, $0x11  }
0x5c1: {  	_ =	sfence.stream.spmem;
	s0 =	sor.u32 @p1 s1, s0  }
0x5c2: {  	[sflag:s0] =	ssyncadd.remote.s32 @p1 $0x1;
	s0 =	simm.s32 @p1 $0x4  }
0x5c3: {  	s2 =	simm.s32 @!p1 $0x3C;
	s1 =	sand.u32 $0xFFFFFFFE, s8;
	_ =	swait.ge @p1 [sflag:s0], $0xE  }
0x5c4: {  	s4 =	simm.s32 @!p1 $0x0;
	s1 =	sadd.s32 @!p1 $0x4, s1;
	[sflag:s0] =	ssyncset.done @p1 $0x0  }
0x5c5: {  	s6 =	simm.s32 @!p1 $0x60;
	[sflag:s0] =	ssyncadd.s32 @p1 $0xFFFFFFF2;
	s0 =	sshll.u32 @!p1 s1, $0x1A  }
0x5c6: {  	s1 =	sshll.u32 @!p1 s1, $0xD;
	s0 =	sor.u32 @!p1 s0, s7;
	_ =	swait.eq @!p1 [sflag:s2], $0x1  }
0x5c7: {  	s1 =	sor.u32 @!p1 $0x1C04, s1;
	s2 =	simm.s32 @!p1 $0x1C03;
	s0 =	sor.u32 @!p1 $0x80004000, s0  }
0x5c8: {  	[spmem:s6], [sflag:s1] =	dma.general @!p1 [spmem:s4], [sflag:s2], length:$0xC, [dreg:$0x0], stride_count:$0x0, ici_dest:s0, dma_misc:DstOpCode:WRITE  }
0x5c9: {  	p2 =	slt.s32 s9, $0x2;
	s4 =	simm.s32 @!p1 $0xC0;
	s6 =	simm.s32 @!p1 $0xC2  }
0x5ca: {  	[spmem:s6], [sflag:s1] =	dma.general @!p1 [spmem:s4], [sflag:s2], length:$0x2, [dreg:$0x0], stride_count:$0x0, ici_dest:s0, dma_misc:DstOpCode:WRITE  }
.Ltmp32:
0x5cb: {  	s0 =	simm.s32 @!p1 $0x3;
	(pc) =	sbr.rel @p2 .LBB2_42-.Ltmp32, $4  }
0x5cc: {  	s1 =	sshll.u32 @!p1 s8, $0xE;
	_ =	swait.ge @!p1 [sflag:s0], $0xE  }
0x5cd: {  	s2 =	sshll.u32 @!p1 s7, $0x11;
	s1 =	sadd.s32 @!p1 $0x11C3C, s1;
	[sflag:s0] =	ssyncset.done @!p1 $0x0  }
0x5ce: {  	[sflag:s0] =	ssyncadd.s32 @!p1 $0xFFFFFFF2;
	s0 =	sor.u32 @!p1 s2, s1  }
0x5cf: {  	[sflag:s0] =	ssyncadd.remote.s32 @!p1 $0xFFFFFFFF;
	s0 =	simm.s32 $0x0  }
0x5d0: {  	s0 =	simm.s32 $0x84D9  }
0x5d1: {  	v0 =	vld.msk [tilespmem:s0+$0x0], $0x1;
	_ =	sdelay $0x4  }
0x5d2: {  	(v2sf) =	vpush v0, $0x0;
	_ =	sdelay $0xc  }
0x5d3: {  	s1 =	sadd.s32 $0xFFFFFFFE, s3  }
0x5d4: {  	s1 =	sadd.s32 $0xFFFFFFFF, s1  }
0x5d5: {  	p2 =	sne.s32 s1, $0x0;
	s2 =	spop (v2sf)  }
.Ltmp33:
0x5d6: {  	p1 =	sgt.u32 s2, $0x277FA;
	(pc) =	sbr.rel @!p2 .LBB2_41-.Ltmp33, $4  }
0x5d7: {  	s4 =	simm.s32 $0x0;
	s3 =	sand.u32 @!p1 $0x3FFF8, s2  }
0x5d8: {  	s0 =	simm.s32 $0x8528;
	s2 =	sand.u32 @!p1 $0x7, s2;
	s3 =	sadd.s32 @!p1 s5, s3  }
0x5d9: {  	[hbm4b:s3+s2] =	stream.linear.scatter @!p1 [tilespmem:s0], [sflag:$0x5], $0x30, $0x38;
	[tilespmem:$0x1F1E8] =	vst v63  }
0x5da: {  	s4 =	simm.s32 @!p1 $0xC0;
	s2 =	simm.s32 $0x0;
	s3 =	simm.s32 $0x84DA  }
.LBB2_40:
0x5db: {  	v0 =	vld.msk [tilespmem:s3+$0x0], $0x1;
	s1 =	sadd.s32 $0xFFFFFFFF, s1;
	s2 =	sadd.s32 s2, s4  }
0x5dc: {  	p1 =	sne.s32 s1, $0x0;
	_ =	sdelay $0x3  }
0x5dd: {  	(v2sf) =	vpush v0, $0x0;
	_ =	sdelay $0xe  }
.Ltmp34:
0x5de: {  	s6 =	spop (v2sf);
	(pc) =	sbr.rel @p1 .LBB2_40-.Ltmp34, $4  }
0x5df: {  	s4 =	simm.s32 $0x0;
	p2 =	sgt.u32 s6, $0x277FA  }
0x5e0: {  	s0 =	sadd.s32 $0x30, s0;
	s4 =	simm.s32 @!p2 $0xC0;
	s7 =	sand.u32 @!p2 $0x3FFF8, s6  }
0x5e1: {  	s3 =	sadd.s32 $0x1, s3;
	s6 =	sand.u32 @!p2 $0x7, s6;
	s7 =	sadd.s32 @!p2 s5, s7  }
0x5e2: {  	[hbm4b:s7+s6] =	stream.linear.scatter @!p2 [tilespmem:s0], [sflag:$0x5], $0x30, $0x38;
	[tilespmem:$0x1F1E8] =	vst v63  }
.LBB2_41:
0x5e3: {  	s0 =	sadd.s32 s2, s4  }
0x5e4: {  	s0 =	sshrl.u32 s0, $0x2  }
.LBB2_42:
0x5e5: {  	s1 =	simm.s32 $0x5  }
0x5e6: {  	_ =	swait.ge [sflag:s1], s0  }
0x5e7: {  	s31 =	ssub.s32 $0x0, s0;
	[sflag:s1] =	ssyncset.done $0x0  }
0x5e8: {  	[sflag:s1] =	ssyncadd.s32 s31  }
0x5e9: {  	[sflag:s1] =	ssyncpa.u1 $0x1  }
.LBB2_43:
0x5ea: {  	s0 =	sor.u32 s15, s14  }
0x5eb: {  	p1 =	sne.s32 s0, $0x0  }
.Ltmp35:
0x5ec: {  	_ = 	snop;
	(pc) =	sbr.rel @p1 .LBB2_58-.Ltmp35, $3  }
0x5ed: {  	_ =	sdelay $0x1  }
0x5ee: {  	[bflag:$0x0] =	sbarrier.arrive $0xFFFF  }
0x5ef: {  	_ =	sfence  }
0x5f0: {  	s0 =	simm.s32 $0x7  }
0x5f1: {  	s1 =	simm.s32 $0x600;
	s2 =	simm.s32 $0x84D8;
	[sflag:s0] =	ssyncpa.u1 $0x0  }
0x5f2: {  	[tilespmem:s2], [sflag:$0x7] =	stream.linear.gather [spmem:s1], $0x20, $0x38;
	[tilespmem:$0x1F1E8] =	vst v63  }
0x5f3: {  	s30 =	simm.s32 $0x84F8;
	s1 =	simm.s32 $0x0  }
0x5f4: {  	[tilespmem:s30], [sflag:$0x7] =	stream.linear.gather [spmem:s1], $0x600, $0x38;
	[tilespmem:$0x1F1E8] =	vst v63  }
.Ltmp36:
0x5f5: {  	_ = 	snop;
	(pc) =	sbr.rel .LBB2_45-.Ltmp36, $4  }
0x5f6: {  	_ =	swait.ge [sflag:s0], $0x620  }
0x5f7: {  	[sflag:s0] =	ssyncset.done $0x0  }
0x5f8: {  	s31 =	simm.s32 $0x8;
	[sflag:s0] =	ssyncadd.s32 $0xFFFFF9E0  }
0x5f9: {  	s2 =	simm.s32 $0x0;
	[sflag:s31] =	ssyncpa.u1 $0x0  }
.LBB2_51:
0x5fa: {  	p1 =	slt.u32 s0, $0x277FB  }
0x5fb: {  	s3 =	sand.u32 @p1 $0x3FFF8, s0  }
0x5fc: {  	s0 =	sand.u32 @p1 $0x7, s0;
	s4 =	simm.s32 @p1 $0x8498;
	s3 =	sadd.s32 @p1 s5, s3  }
0x5fd: {  	[tilespmem:s4], [sflag:$0x8] =	stream.linear.gather @p1 [hbm4b:s3+s0], $0x30, $0x38;
	[tilespmem:$0x1F1E8] =	vst v63  }
0x5fe: {  	s0 =	simm.s32 @p1 $0x8  }
0x5ff: {  	_ =	swait.ge @p1 [sflag:s0], $0x30  }
0x600: {  	[sflag:s0] =	ssyncset.done @p1 $0x0  }
0x601: {  	[sflag:s0] =	ssyncadd.s32 @p1 $0xFFFFFFD0  }
0x602: {  	v1 =	vld @p1 [tilespmem:$0x8498];
	_ =	sdelay $0x1  }
0x603: {  	s0 =	smul.u32 @p1 $0xC0, s2;
	_ =	sdelay $0x1  }
0x604: {  	s3 =	sshra.s32 @p1 s0, $0x2  }
0x605: {  	[tilespmem:s3+$0x84F8] =	vst.add.f32.msk @p1 $0xffff, v1  }
0x606: {  	v1 =	vld @p1 [tilespmem:$0x84A8];
	_ =	sdelay $0x4  }
0x607: {  	[tilespmem:s3+$0x8508] =	vst.add.f32.msk @p1 $0xffff, v1  }
0x608: {  	v1 =	vld @p1 [tilespmem:$0x84B8];
	_ =	sdelay $0x2  }
0x609: {  	s4 =	smul.u32 @!p1 $0xC0, s2;
	_ =	sdelay $0x1  }
0x60a: {  	s4 =	smov.u32 @p1 s0;
	[tilespmem:s3+$0x8518] =	vst.add.f32.msk @p1 $0xffff, v1  }
0x60b: {  	s0 =	sshra.s32 s4, $0x2;
	[tilespmem:s1+$0x84D8] =	vst.msk $0x1, v0  }
0x60c: {  	v0 =	vld [tilespmem:s0+$0x84F8];
	_ =	sdelay $0x1  }
0x60d: {  	s31 =	smul.u32 $0xC0, s1;
	_ =	sdelay $0x1  }
0x60e: {  	s3 =	sshra.s32 s31, $0x2  }
0x60f: {  	[tilespmem:s3+$0x84F8] =	vst v0  }
0x610: {  	v0 =	vld [tilespmem:s0+$0x8508];
	_ =	sdelay $0x4  }
0x611: {  	[tilespmem:s3+$0x8508] =	vst v0  }
0x612: {  	v0 =	vld [tilespmem:s0+$0x8518];
	_ =	sdelay $0x4  }
0x613: {  	s1 =	sadd.s32 $0x1, s1;
	[tilespmem:s3+$0x8518] =	vst v0  }
.LBB2_52:
0x614: {  	s2 =	sadd.s32 $0x1, s2  }
0x615: {  	p1 =	sne.s32 s2, $0x20  }
.Ltmp37:
0x616: {  	_ = 	snop;
	(pc) =	sbr.rel @!p1 .LBB2_53-.Ltmp37, $1  }
0x617: {  	_ =	sdelay $0x3  }
.LBB2_45:
0x618: {  	v0 =	vld.msk [tilespmem:s2+$0x84D8], $0x1;
	_ =	sdelay $0x4  }
0x619: {  	(v2sf) =	vpush v0, $0x0;
	_ =	sdelay $0xe  }
0x61a: {  	s0 =	spop (v2sf)  }
0x61b: {  	p1 =	seq.s32 s0, $0xFFFFFFFF  }
.Ltmp38:
0x61c: {  	_ = 	snop;
	(pc) =	sbr.rel @p1 .LBB2_52-.Ltmp38, $1  }
0x61d: {  	_ =	sdelay $0x3  }
0x61e: {  	p1 =	slt.s32 s1, $0x1  }
.Ltmp39:
0x61f: {  	_ = 	snop;
	(pc) =	sbr.rel @p1 .LBB2_51-.Ltmp39, $1  }
0x620: {  	_ =	sdelay $0x3  }
0x621: {  	s3 =	simm.s32 $0x84D8;
	p1 =	por $0x0, $0x0  }
0x622: {  	v1 =	vld.msk @!p1 [tilespmem:s3+$0x0], $0x1;
	_ =	sdelay $0x4  }
0x623: {  	(v2sf) =	vpush @!p1 v1, $0x0;
	_ =	sdelay $0xd  }
0x624: {  	p3 =	sne.s32 s1, $0x1  }
.Ltmp40:
0x625: {  	s4 =	spop @!p1 (v2sf);
	(pc) =	sbr.rel @!p3 .LBB2_49-.Ltmp40, $4  }
0x626: {  	p2 =	seq.s32 @!p1 s0, s4  }
0x627: {  	s4 =	simm.s32 $0x0;
	p2 =	por !p2, p1  }
0x628: {  	s7 =	simm.s32 $0xFFFFFFFF;
	s4 =	simm.s32 @p2 $0xFFFFFFFF  }
0x629: {  	s6 =	simm.s32 $0x1;
	s4 =	smov.u32 @p1 s7  }
.LBB2_48:
0x62a: {  	s7 =	smov.u32 s4;
	p1 =	sne.s32 s4, $0xFFFFFFFF  }
0x62b: {  	s3 =	sadd.s32 $0x1, s3;
	s4 =	smov.u32 s6;
	s6 =	sadd.s32 $0x1, s6  }
0x62c: {  	p2 =	sne.s32 s1, s6;
	v1 =	vld.msk @!p1 [tilespmem:s3+$0x0], $0x1;
	_ =	sdelay $0x4  }
0x62d: {  	(v2sf) =	vpush @!p1 v1, $0x0;
	_ =	sdelay $0xe  }
.Ltmp41:
0x62e: {  	s8 =	spop @!p1 (v2sf);
	(pc) =	sbr.rel @p2 .LBB2_48-.Ltmp41, $4  }
0x62f: {  	p3 =	seq.s32 @!p1 s0, s8  }
0x630: {  	p3 =	por !p3, p1  }
0x631: {  	s4 =	simm.s32 @p3 $0xFFFFFFFF  }
0x632: {  	s4 =	smov.u32 @p1 s7  }
.LBB2_49:
0x633: {  	p1 =	seq.s32 s4, $0xFFFFFFFF  }
.Ltmp42:
0x634: {  	_ = 	snop;
	(pc) =	sbr.rel @p1 .LBB2_51-.Ltmp42, $1  }
0x635: {  	_ =	sdelay $0x3  }
0x636: {  	s0 =	smul.u32 $0xC0, s2;
	_ =	sdelay $0x1  }
0x637: {  	s0 =	sshra.s32 s0, $0x2  }
0x638: {  	v0 =	vld [tilespmem:s0+$0x84F8];
	_ =	sdelay $0x1  }
0x639: {  	s3 =	smul.u32 $0xC0, s4;
	_ =	sdelay $0x1  }
0x63a: {  	s3 =	sshra.s32 s3, $0x2  }
0x63b: {  	[tilespmem:s3+$0x84F8] =	vst.add.f32.msk $0xffff, v0  }
0x63c: {  	v0 =	vld [tilespmem:s0+$0x8508];
	_ =	sdelay $0x4  }
0x63d: {  	[tilespmem:s3+$0x8508] =	vst.add.f32.msk $0xffff, v0  }
0x63e: {  	v0 =	vld [tilespmem:s0+$0x8518]  }
.Ltmp43:
0x63f: {  	_ = 	snop;
	(pc) =	sbr.rel .LBB2_52-.Ltmp43, $2  }
0x640: {  	_ =	sdelay $0x2  }
0x641: {  	[tilespmem:s3+$0x8518] =	vst.add.f32.msk $0xffff, v0  }
.LBB2_53:
0x642: {  	p1 =	slt.s32 s1, $0x1  }
.Ltmp44:
0x643: {  	_ = 	snop;
	(pc) =	sbr.rel @p1 .LBB2_57-.Ltmp44, $3  }
0x644: {  	_ =	sdelay $0x1  }
0x645: {  	s0 =	simm.s32 $0x8  }
0x646: {  	[sflag:s0] =	ssyncpa.u1 $0x1;
	s0 =	simm.s32 $0x0  }
0x647: {  	s2 =	simm.s32 $0x84D8  }
0x648: {  	v0 =	vld.msk [tilespmem:s2+$0x0], $0x1;
	_ =	sdelay $0x4  }
0x649: {  	(v2sf) =	vpush v0, $0x0;
	_ =	sdelay $0xe  }
0x64a: {  	s1 =	sadd.s32 $0xFFFFFFFF, s1;
	s3 =	spop (v2sf)  }
0x64b: {  	p2 =	sne.s32 s1, $0x0;
	p1 =	sgt.u32 s3, $0x277FA  }
.Ltmp45:
0x64c: {  	s4 =	sand.u32 @!p1 $0x3FFF8, s3;
	(pc) =	sbr.rel @!p2 .LBB2_56-.Ltmp45, $4  }
0x64d: {  	s2 =	simm.s32 $0x84F8;
	s3 =	sand.u32 @!p1 $0x7, s3;
	s4 =	sadd.s32 @!p1 s5, s4  }
0x64e: {  	[hbm4b:s4+s3] =	stream.linear.scatter @!p1 [tilespmem:s2], [sflag:$0x7], $0x30, $0x38;
	[tilespmem:$0x1F1E8] =	vst v63  }
0x64f: {  	s4 =	simm.s32 $0x0  }
0x650: {  	s3 =	simm.s32 $0x84D9;
	s4 =	simm.s32 @!p1 $0xC0  }
.LBB2_55:
0x651: {  	v0 =	vld.msk [tilespmem:s3+$0x0], $0x1;
	s1 =	sadd.s32 $0xFFFFFFFF, s1;
	s0 =	sadd.s32 s0, s4  }
0x652: {  	p1 =	sne.s32 s1, $0x0;
	_ =	sdelay $0x3  }
0x653: {  	(v2sf) =	vpush v0, $0x0;
	_ =	sdelay $0xe  }
.Ltmp46:
0x654: {  	s6 =	spop (v2sf);
	(pc) =	sbr.rel @p1 .LBB2_55-.Ltmp46, $4  }
0x655: {  	s4 =	simm.s32 $0x0;
	p2 =	sgt.u32 s6, $0x277FA  }
0x656: {  	s2 =	sadd.s32 $0x30, s2;
	s4 =	simm.s32 @!p2 $0xC0;
	s7 =	sand.u32 @!p2 $0x3FFF8, s6  }
0x657: {  	s3 =	sadd.s32 $0x1, s3;
	s6 =	sand.u32 @!p2 $0x7, s6;
	s7 =	sadd.s32 @!p2 s5, s7  }
0x658: {  	[hbm4b:s7+s6] =	stream.linear.scatter @!p2 [tilespmem:s2], [sflag:$0x7], $0x30, $0x38;
	[tilespmem:$0x1F1E8] =	vst v63  }
.LBB2_56:
0x659: {  	s0 =	sadd.s32 s0, s4  }
0x65a: {  	s0 =	sshrl.u32 s0, $0x2  }
.LBB2_57:
0x65b: {  	s1 =	simm.s32 $0x7  }
0x65c: {  	_ =	swait.ge [sflag:s1], s0  }
0x65d: {  	s31 =	ssub.s32 $0x0, s0;
	[sflag:s1] =	ssyncset.done $0x0  }
0x65e: {  	[sflag:s1] =	ssyncadd.s32 s31  }
0x65f: {  	[sflag:s1] =	ssyncpa.u1 $0x1  }
.LBB2_58:
0x660: {  	_ =	sfence;
	s0 =	simm.s32 $0x1  }
0x661: {  	[sflag:s0] =	ssyncpa.u1 $0x1  }
0x662: {  	_ =	strace $0x90000047  }
0x663: {  	[bflag:$0x2] =	sbarrier.arrive $0xFFFF  }
0x664: {  	s0 =	rddreg [dreg:$0x3]  }
0x665: {  	s0 =	sadd.s32 @!p0 $0x100000, s0  }
0x666: {  	[sflag:s0] =	ssyncadd.tile.s32 @!p0 $0x1;
	_ =	shalt  }
.Lfunc_end2:
_tile_overlayer_lowered:
.L_overlay_start_2:
0x667: {  	(tag) =	ssettag $0x2  }
0x668: {  	s0 =	rddreg [dreg:$0x0];
	s2 =	stileid.u32  }
0x669: {  	s1 =	rddreg [dreg:$0x1];
	p0 =	sne.s32 s2, $0x0  }
0x66a: {  	s3 =	rddreg [dreg:$0x2];
	[bflag:$0x3] =	sbarrier.arrive $0xFFFF;
	s2 =	simm.s32 @!p0 $0x1C01  }
0x66b: {  	[timem:s3], [sflag:s2] =	dma.local @!p0 [hbm:s0], s1  }
0x66c: {  	s0 =	simm.s32 @!p0 $0x1  }
0x66d: {  	_ =	swait.ge @!p0 [sflag:s0], s1  }
0x66e: {  	s1 =	ssub.s32 @!p0 $0x0, s1;
	[sflag:s0] =	ssyncset.done @!p0 $0x0  }
0x66f: {  	[sflag:s0] =	ssyncadd.s32 @!p0 s1  }
0x670: {  	[bflag:$0x3] =	sbarrier.arrive $0xFFFF  }
0x671: {  	_ =	shalt  }

</sc_bundles>
